<compile_context>
chip_gen: v7x
topology: tpu7x:2x2x1
jax: 0.10.2.dev20260603
libtpu: 0.0.44.dev20260713+nightly
codegen_flags: <defaults>
</compile_context>

<pallas_src>
import functools

import jax
import jax.numpy as jnp
from jax import lax
from jax.experimental import pallas as pl
from jax.experimental.pallas import tpu as pltpu
from jax.experimental.pallas import tpu_sc as plsc

N = 320000
D = 128
S = 512
NC = 2
NS = 16
NW = NC * NS
RPT = N // NW
CW = 128

CHA = 80
NCHA = RPT // CHA

CHC = 80
NCHC = RPT // CHC
NBC = 3


def _mesh():
    return plsc.VectorSubcoreMesh(core_axis_name="c", subcore_axis_name="s")


def _segment_partials_body(x_hbm, batch_hbm, zsum_hbm, zcnt_hbm, ones_hbm,
                           psum_hbm, pcnt_hbm,
                           rowbuf, idxa, idxb, ones, accs, accc,
                           semx0, semx1, semi0, semi1, sema0, sema1,
                           semc0, semc1):
    c = lax.axis_index("c")
    s = lax.axis_index("s")
    wid = s * NC + c
    base = wid * RPT

    pltpu.sync_copy(ones_hbm, ones)

    @pl.when(s == 0)
    def _init():
        pltpu.sync_copy(zsum_hbm, accs)
        pltpu.sync_copy(zcnt_hbm, accc)

    plsc.subcore_barrier()

    semx = (semx0, semx1)
    semi = (semi0, semi1)
    sema = (sema0, sema1)
    semc = (semc0, semc1)
    idxs = (idxa, idxb)

    def _issue_chunk(g, bi):
        pltpu.async_copy(batch_hbm.at[pl.ds(base + g * CHA, CHA)],
                         idxs[bi], semi[bi])
        pltpu.async_copy(x_hbm.at[pl.ds(base + g * CHA, CHA)],
                         rowbuf.at[bi], semx[bi])

    _issue_chunk(0, 0)

    def _branch(g, bi):
        oth = 1 - bi
        nxt = g + 1

        @pl.when(g >= 1)
        def _drain_prev_adds():
            pltpu.make_async_copy(rowbuf.at[oth], accs.at[idxs[oth]],
                                  sema[oth]).wait()
            pltpu.make_async_copy(ones, accc.at[idxs[oth]],
                                  semc[oth]).wait()

        @pl.when(nxt < NCHA)
        def _prefetch():
            _issue_chunk(nxt, oth)

        pltpu.make_async_copy(batch_hbm.at[pl.ds(base, CHA)],
                              idxs[bi], semi[bi]).wait()
        pltpu.make_async_copy(x_hbm.at[pl.ds(base, CHA)],
                              rowbuf.at[bi], semx[bi]).wait()
        pltpu.async_copy(rowbuf.at[bi], accs.at[idxs[bi]], sema[bi],
                         add=True)
        pltpu.async_copy(ones, accc.at[idxs[bi]], semc[bi], add=True)

    def chunk_body(g, carry):
        b = g % 2
        pl.when(b == 0)(lambda: _branch(g, 0))
        pl.when(b == 1)(lambda: _branch(g, 1))
        return carry

    lax.fori_loop(0, NCHA, chunk_body, 0)

    last = (NCHA - 1) % 2
    pltpu.make_async_copy(rowbuf.at[last], accs.at[idxs[last]],
                          sema[last]).wait()
    pltpu.make_async_copy(ones, accc.at[idxs[last]], semc[last]).wait()

    plsc.subcore_barrier()

    @pl.when(s == 0)
    def _export():
        pltpu.sync_copy(accs, psum_hbm.at[c])
        pltpu.sync_copy(accc, pcnt_hbm.at[c])


@functools.lru_cache(maxsize=None)
def _make_segment_partials(interpret=False):
    return functools.partial(
        pl.kernel,
        mesh=_mesh(),
        out_type=(
            jax.ShapeDtypeStruct((NC, S, D), jnp.float32),
            jax.ShapeDtypeStruct((NC, S, CW), jnp.float32),
        ),
        scratch_types=[
            pltpu.VMEM((2, CHA, D), jnp.float32),
            pltpu.VMEM((CHA,), jnp.int32),
            pltpu.VMEM((CHA,), jnp.int32),
            pltpu.VMEM((CHA, CW), jnp.float32),
            pltpu.VMEM_SHARED((S, D), jnp.float32),
            pltpu.VMEM_SHARED((S, CW), jnp.float32),
            pltpu.SemaphoreType.DMA,
            pltpu.SemaphoreType.DMA,
            pltpu.SemaphoreType.DMA,
            pltpu.SemaphoreType.DMA,
            pltpu.SemaphoreType.DMA,
            pltpu.SemaphoreType.DMA,
            pltpu.SemaphoreType.DMA,
            pltpu.SemaphoreType.DMA,
        ],
        interpret=interpret,
    )(_segment_partials_body)


def _proj_body(psum_ref, pcnt_ref, w_ref, b_ref, out_ref):
    sums = jnp.sum(psum_ref[...], axis=0)
    cnts = jnp.sum(pcnt_ref[...], axis=0)[:, 0:1]
    mean = sums / jnp.maximum(cnts, 1.0)
    vn = lax.dot_general(mean, w_ref[...], (((1,), (1,)), ((), ())),
                         preferred_element_type=jnp.float32)
    out_ref[...] = vn + b_ref[...]


_project = pl.pallas_call(
    _proj_body,
    out_shape=jax.ShapeDtypeStruct((S, D), jnp.float32),
)


def _broadcast_add_body(x_hbm, batch_hbm, vn_hbm, out_hbm,
                        xbuf, vnbuf, outbuf, idxall, vn_spmem,
                        semx0, semx1, semx2, semg0, semg1, semg2,
                        semo0, semo1, semo2):
    c = lax.axis_index("c")
    s = lax.axis_index("s")
    wid = s * NC + c
    base = wid * RPT

    pltpu.sync_copy(batch_hbm.at[pl.ds(base, RPT)], idxall)

    @pl.when(s == 0)
    def _stage_vn():
        pltpu.sync_copy(vn_hbm, vn_spmem)

    plsc.subcore_barrier()

    semx = (semx0, semx1, semx2)
    semg = (semg0, semg1, semg2)
    semo = (semo0, semo1, semo2)

    def _issue_chunk(g, bi):
        pltpu.async_copy(x_hbm.at[pl.ds(base + g * CHC, CHC)],
                         xbuf.at[bi], semx[bi])
        pltpu.async_copy(vn_spmem.at[idxall.at[pl.ds(g * CHC, CHC)]],
                         vnbuf.at[bi], semg[bi])

    _issue_chunk(0, 0)
    _issue_chunk(1, 1)

    def _branch(g, bi):
        pfb = (bi + 2) % NBC
        pf = g + 2

        @pl.when(pf < NCHC)
        def _prefetch():
            _issue_chunk(pf, pfb)

        @pl.when(g >= NBC)
        def _drain_old_out():
            pltpu.make_async_copy(
                outbuf.at[bi], out_hbm.at[pl.ds(base, CHC)], semo[bi]).wait()

        pltpu.make_async_copy(x_hbm.at[pl.ds(base, CHC)],
                              xbuf.at[bi], semx[bi]).wait()
        pltpu.make_async_copy(vn_spmem.at[idxall.at[pl.ds(0, CHC)]],
                              vnbuf.at[bi], semg[bi]).wait()

        @plsc.parallel_loop(0, CHC, unroll=4)
        def _row_body(i):
            for k in range(D // 16):
                sl = pl.ds(k * 16, 16)
                outbuf[bi, i, sl] = xbuf[bi, i, sl] + vnbuf[bi, i, sl]

        pltpu.async_copy(outbuf.at[bi], out_hbm.at[pl.ds(base + g * CHC, CHC)],
                         semo[bi])

    def chunk_body(g, carry):
        b = g % NBC
        for bi in range(NBC):
            pl.when(b == bi)(functools.partial(_branch, g, bi))
        return carry

    lax.fori_loop(0, NCHC, chunk_body, 0)

    for t in range(NBC):
        bi = (NCHC - 1 - t) % NBC
        pltpu.make_async_copy(outbuf.at[bi], out_hbm.at[pl.ds(base, CHC)],
                              semo[bi]).wait()


@functools.lru_cache(maxsize=None)
def _make_broadcast_add(interpret=False):
    return functools.partial(
        pl.kernel,
        mesh=_mesh(),
        out_type=jax.ShapeDtypeStruct((N, D), jnp.float32),
        scratch_types=[
            pltpu.VMEM((NBC, CHC, D), jnp.float32),
            pltpu.VMEM((NBC, CHC, D), jnp.float32),
            pltpu.VMEM((NBC, CHC, D), jnp.float32),
            pltpu.VMEM((RPT,), jnp.int32),
            pltpu.VMEM_SHARED((S, D), jnp.float32),
            pltpu.SemaphoreType.DMA,
            pltpu.SemaphoreType.DMA,
            pltpu.SemaphoreType.DMA,
            pltpu.SemaphoreType.DMA,
            pltpu.SemaphoreType.DMA,
            pltpu.SemaphoreType.DMA,
            pltpu.SemaphoreType.DMA,
            pltpu.SemaphoreType.DMA,
            pltpu.SemaphoreType.DMA,
        ],
        interpret=interpret,
    )(_broadcast_add_body)


def kernel(x, batch, layer_idx, W, b):
    del layer_idx
    batch32 = batch.astype(jnp.int32)
    zsum = jnp.zeros((S, D), jnp.float32)
    zcnt = jnp.zeros((S, CW), jnp.float32)
    ones = jnp.ones((CHA, CW), jnp.float32)
    psum, pcnt = _make_segment_partials()(x, batch32, zsum, zcnt, ones)
    vn = _project(psum, pcnt, W, b.reshape(1, D))
    x_out = _make_broadcast_add()(x, batch32, vn)
    return (x_out, vn)

# --- scband reference (transcript-rebuilt; emitter-appended) ---
"""Pipeline reference for scband-virtual-node-20048907337870 (READ-ONLY COPY).

The authoritative reference and input builder live on the scoring server;
editing this copy changes nothing except your own understanding.
"""

import jax, jax.numpy as jnp
import numpy as np

N = 320000
D = 128
S = 512

def setup_inputs(seed: int = 0) -> dict:
    key = jax.random.key(seed)
    k1, k2, k3, k4 = jax.random.split(key, 4)
    x = jax.random.normal(k1, (N, D), dtype=jnp.float32)
    batch = jnp.sort(jax.random.randint(k2, (N,), 0, S)).astype(jnp.int64)
    # nn.Linear(input_dim=128, hidden_dim=128): weight [out, in], bias [out]
    W = jax.random.normal(k3, (D, D), dtype=jnp.float32) * 0.05
    b = jax.random.normal(k4, (D,), dtype=jnp.float32) * 0.05
    return {"x": x, "batch": batch, "layer_idx": 0, "W": W, "b": b}

def reference(x, batch, layer_idx, W, b):
    # global_mean_pool: segment mean over graph ids
    sums = jax.ops.segment_sum(x, batch, num_segments=S)
    counts = jax.ops.segment_sum(jnp.ones((x.shape[0],), dtype=x.dtype), batch, num_segments=S)
    vn_embedding = sums / jnp.maximum(counts, 1.0)[:, None]
    # vnode_proj: Linear
    vn_embedding = vn_embedding @ W.T + b
    # broadcast virtual node embedding back to nodes via gather
    x_out = x + jnp.take(vn_embedding, batch, axis=0)
    return (x_out, vn_embedding)

if __name__ == "__main__":
    import jax
    _d = setup_inputs()
    print(jax.jit(kernel)(*tuple(_d.values())))

</pallas_src>

<mosaic_0001>
#map = affine_map<(d0, d1) -> (0, 0)>
#map1 = affine_map<(d0, d1) -> (0)>
#map2 = affine_map<(d0, d1) -> (0, 0, 0)>
module attributes {stable_mosaic.version = 14 : i64} {
  func.func @_segment_partials_body(%arg0: i32, %arg1: i32, %arg2: memref<320000x128xf32, #tpu.memory_space<hbm>>, %arg3: memref<320000xi32, #tpu.memory_space<hbm>>, %arg4: memref<512x128xf32, #tpu.memory_space<hbm>>, %arg5: memref<512x128xf32, #tpu.memory_space<hbm>>, %arg6: memref<80x128xf32, #tpu.memory_space<hbm>>, %arg7: memref<2x512x128xf32, #tpu.memory_space<hbm>>, %arg8: memref<2x512x128xf32, #tpu.memory_space<hbm>>, %arg9: memref<2x80x128xf32, #tpu.memory_space<vmem>>, %arg10: memref<80xi32, #tpu.memory_space<vmem>>, %arg11: memref<80xi32, #tpu.memory_space<vmem>>, %arg12: memref<80x128xf32, #tpu.memory_space<vmem>>, %arg13: memref<512x128xf32, #tpu.memory_space<vmem_shared>>, %arg14: memref<512x128xf32, #tpu.memory_space<vmem_shared>>, %arg15: memref<!tpu.dma_semaphore, #tpu.memory_space<semaphore_mem>>, %arg16: memref<!tpu.dma_semaphore, #tpu.memory_space<semaphore_mem>>, %arg17: memref<!tpu.dma_semaphore, #tpu.memory_space<semaphore_mem>>, %arg18: memref<!tpu.dma_semaphore, #tpu.memory_space<semaphore_mem>>, %arg19: memref<!tpu.dma_semaphore, #tpu.memory_space<semaphore_mem>>, %arg20: memref<!tpu.dma_semaphore, #tpu.memory_space<semaphore_mem>>, %arg21: memref<!tpu.dma_semaphore, #tpu.memory_space<semaphore_mem>>, %arg22: memref<!tpu.dma_semaphore, #tpu.memory_space<semaphore_mem>>) attributes {dimension_semantics = [#tpu.dimension_semantics<core_parallel>, #tpu.dimension_semantics<subcore_parallel>], iteration_bounds = array<i64: 2, 16>, scalar_prefetch = 0 : i64, scratch_operands = 14 : i64, tpu.core_type = #tpu.core_type<sc_vector_subcore>, window_params = [{transform_indices = #map}, {transform_indices = #map1}, {transform_indices = #map}, {transform_indices = #map}, {transform_indices = #map}, {transform_indices = #map2}, {transform_indices = #map2}]} {
    %mul3A = arith.constant 2 : i32
    %mul3A_0 = arith.muli %arg1, %mul3A : i32
    %add3A = arith.addi %mul3A_0, %arg0 : i32
    %mul3A_1 = arith.constant 10000 : i32
    %mul3A_2 = arith.muli %add3A, %mul3A_1 : i32
    "tpu.region"() ({
      %run_scoped3A = tpu.sem_alloc : memref<!tpu.dma_semaphore, #tpu.memory_space<semaphore_mem>>
      tpu.enqueue_dma source(%arg6 : memref<80x128xf32, #tpu.memory_space<hbm>>) target(%arg12 : memref<80x128xf32, #tpu.memory_space<vmem>>) target_semaphore(%run_scoped3A : memref<!tpu.dma_semaphore, #tpu.memory_space<semaphore_mem>>)
      tpu.wait_dma2 semaphore(%run_scoped3A : memref<!tpu.dma_semaphore, #tpu.memory_space<semaphore_mem>>) src(%arg6 : memref<80x128xf32, #tpu.memory_space<hbm>>) dst(%arg12 : memref<80x128xf32, #tpu.memory_space<vmem>>)
      tpu.yield
    }) : () -> ()
    %eq3A = arith.constant 0 : i32
    %eq3A_3 = arith.cmpi eq, %arg1, %eq3A : i32
    %convert_element_type3A = arith.extui %eq3A_3 : i1 to i32
    %cond3A = arith.constant 0 : i32
    %cond3A_4 = arith.cmpi ne, %convert_element_type3A, %cond3A : i32
    scf.if %cond3A_4 {
      "tpu.region"() ({
        %run_scoped3A = tpu.sem_alloc : memref<!tpu.dma_semaphore, #tpu.memory_space<semaphore_mem>>
        tpu.enqueue_dma source(%arg4 : memref<512x128xf32, #tpu.memory_space<hbm>>) target(%arg13 : memref<512x128xf32, #tpu.memory_space<vmem_shared>>) target_semaphore(%run_scoped3A : memref<!tpu.dma_semaphore, #tpu.memory_space<semaphore_mem>>)
        tpu.wait_dma2 semaphore(%run_scoped3A : memref<!tpu.dma_semaphore, #tpu.memory_space<semaphore_mem>>) src(%arg4 : memref<512x128xf32, #tpu.memory_space<hbm>>) dst(%arg13 : memref<512x128xf32, #tpu.memory_space<vmem_shared>>)
        tpu.yield
      }) : () -> ()
      "tpu.region"() ({
        %run_scoped3A = tpu.sem_alloc : memref<!tpu.dma_semaphore, #tpu.memory_space<semaphore_mem>>
        tpu.enqueue_dma source(%arg5 : memref<512x128xf32, #tpu.memory_space<hbm>>) target(%arg14 : memref<512x128xf32, #tpu.memory_space<vmem_shared>>) target_semaphore(%run_scoped3A : memref<!tpu.dma_semaphore, #tpu.memory_space<semaphore_mem>>)
        tpu.wait_dma2 semaphore(%run_scoped3A : memref<!tpu.dma_semaphore, #tpu.memory_space<semaphore_mem>>) src(%arg5 : memref<512x128xf32, #tpu.memory_space<hbm>>) dst(%arg14 : memref<512x128xf32, #tpu.memory_space<vmem_shared>>)
        tpu.yield
      }) : () -> ()
    } else {
    }
    %barrier3A = arith.constant 0 : index
    tpu.barrier barrier_id(%barrier3A)
    %add3A_5 = arith.constant 0 : i32
    %add3A_6 = arith.addi %mul3A_2, %add3A_5 : i32
    %dma_start3A = tpu.memref_slice %arg3[%add3A_6] : memref<320000xi32, #tpu.memory_space<hbm>> -> memref<80xi32, #tpu.memory_space<hbm>>
    %dma_start3A_7 = tpu.memref_slice %arg3[%add3A_6] : memref<320000xi32, #tpu.memory_space<hbm>> -> memref<80xi32, #tpu.memory_space<hbm>>
    tpu.enqueue_dma source(%dma_start3A_7 : memref<80xi32, #tpu.memory_space<hbm>>) target(%arg10 : memref<80xi32, #tpu.memory_space<vmem>>) target_semaphore(%arg17 : memref<!tpu.dma_semaphore, #tpu.memory_space<semaphore_mem>>)
    %add3A_8 = arith.constant 0 : i32
    %add3A_9 = arith.addi %mul3A_2, %add3A_8 : i32
    %dma_start3A_10 = arith.constant 0 : i32
    %dma_start3A_11 = arith.constant 0 : i32
    %dma_start3A_12 = arith.constant 0 : i32
    %dma_start3A_13 = tpu.memref_slice %arg9[%dma_start3A_10, %dma_start3A_11, %dma_start3A_12] : memref<2x80x128xf32, #tpu.memory_space<vmem>> -> memref<1x80x128xf32, #tpu.memory_space<vmem>>
    %dma_start3A_14 = tpu.memref_squeeze %dma_start3A_13 : memref<1x80x128xf32, #tpu.memory_space<vmem>> -> memref<80x128xf32, #tpu.memory_space<vmem>>
    %dma_start3A_15 = arith.constant 0 : i32
    %dma_start3A_16 = tpu.memref_slice %arg2[%add3A_9, %dma_start3A_15] : memref<320000x128xf32, #tpu.memory_space<hbm>> -> memref<80x128xf32, #tpu.memory_space<hbm>>
    %dma_start3A_17 = arith.constant 0 : i32
    %dma_start3A_18 = arith.constant 0 : i32
    %dma_start3A_19 = tpu.memref_slice %arg9[%dma_start3A_10, %dma_start3A_17, %dma_start3A_18] : memref<2x80x128xf32, #tpu.memory_space<vmem>> -> memref<1x80x128xf32, #tpu.memory_space<vmem>>
    %dma_start3A_20 = tpu.memref_squeeze %dma_start3A_19 : memref<1x80x128xf32, #tpu.memory_space<vmem>> -> memref<80x128xf32, #tpu.memory_space<vmem>>
    %dma_start3A_21 = arith.constant 0 : i32
    %dma_start3A_22 = tpu.memref_slice %arg2[%add3A_9, %dma_start3A_21] : memref<320000x128xf32, #tpu.memory_space<hbm>> -> memref<80x128xf32, #tpu.memory_space<hbm>>
    tpu.enqueue_dma source(%dma_start3A_22 : memref<80x128xf32, #tpu.memory_space<hbm>>) target(%dma_start3A_20 : memref<80x128xf32, #tpu.memory_space<vmem>>) target_semaphore(%arg15 : memref<!tpu.dma_semaphore, #tpu.memory_space<semaphore_mem>>)
    %scan3A = arith.constant 0 : i32
    %scan3A_23 = arith.constant 0 : i32
    %scan3A_24 = arith.constant 125 : i32
    %scan3A_25 = arith.addi %scan3A_23, %scan3A_24 : i32
    %scan3A_26 = arith.constant 1 : i32
    scf.for %scan3A_44 = %scan3A_23 to %scan3A_25 step %scan3A_26  : i32 {
      %jit3A = arith.constant 2 : i32
      %eq3A_45 = arith.constant 0 : i32
      %eq3A_46 = arith.cmpi eq, %jit3A, %eq3A_45 : i32
      %jit3A_47 = arith.constant 1 : i32
      %select_n3A = arith.select %eq3A_46, %jit3A_47, %jit3A : i32
      %rem3A = arith.remsi %scan3A_44, %select_n3A : i32
      %ne3A = arith.constant 0 : i32
      %ne3A_48 = arith.cmpi ne, %rem3A, %ne3A : i32
      %lt3A = arith.constant 0 : i32
      %lt3A_49 = arith.cmpi slt, %rem3A, %lt3A : i32
      %lt3A_50 = arith.constant 0 : i32
      %lt3A_51 = arith.cmpi slt, %select_n3A, %lt3A_50 : i32
      %ne3A_52 = arith.xori %lt3A_49, %lt3A_51 : i1
      %and3A = arith.andi %ne3A_52, %ne3A_48 : i1
      %add3A_53 = arith.addi %rem3A, %select_n3A : i32
      %select_n3A_54 = arith.select %and3A, %add3A_53, %rem3A : i32
      %eq3A_55 = arith.constant 0 : i32
      %eq3A_56 = arith.cmpi eq, %select_n3A_54, %eq3A_55 : i32
      %convert_element_type3A_57 = arith.extui %eq3A_56 : i1 to i32
      %cond3A_58 = arith.constant 0 : i32
      %cond3A_59 = arith.cmpi ne, %convert_element_type3A_57, %cond3A_58 : i32
      scf.if %cond3A_59 {
        %add3A_65 = arith.constant 1 : i32
        %add3A_66 = arith.addi %scan3A_44, %add3A_65 : i32
        %ge3A = arith.constant 1 : i32
        %ge3A_67 = arith.cmpi sge, %scan3A_44, %ge3A : i32
        %convert_element_type3A_68 = arith.extui %ge3A_67 : i1 to i32
        %cond3A_69 = arith.constant 0 : i32
        %cond3A_70 = arith.cmpi ne, %convert_element_type3A_68, %cond3A_69 : i32
        scf.if %cond3A_70 {
          %dma_wait3A_102 = arith.constant 1 : i32
          %dma_wait3A_103 = arith.constant 0 : i32
          %dma_wait3A_104 = arith.constant 0 : i32
          %dma_wait3A_105 = tpu.memref_slice %arg9[%dma_wait3A_102, %dma_wait3A_103, %dma_wait3A_104] : memref<2x80x128xf32, #tpu.memory_space<vmem>> -> memref<1x80x128xf32, #tpu.memory_space<vmem>>
          %dma_wait3A_106 = tpu.memref_squeeze %dma_wait3A_105 : memref<1x80x128xf32, #tpu.memory_space<vmem>> -> memref<80x128xf32, #tpu.memory_space<vmem>>
          %dma_wait3A_107 = arith.constant 0 : i32
          %dma_wait3A_108 = arith.constant 0 : i32
          %dma_wait3A_109 = tpu.memref_slice %arg13[%dma_wait3A_107, %dma_wait3A_108] : memref<512x128xf32, #tpu.memory_space<vmem_shared>> -> memref<512x128xf32, #tpu.memory_space<vmem_shared>>
          tpu.wait_indirect_dma semaphore(%arg20 : memref<!tpu.dma_semaphore, #tpu.memory_space<semaphore_mem>>) src(%dma_wait3A_106 : memref<80x128xf32, #tpu.memory_space<vmem>>) dst(%dma_wait3A_109 : memref<512x128xf32, #tpu.memory_space<vmem_shared>>)
          %dma_wait3A_110 = arith.constant 0 : i32
          %dma_wait3A_111 = arith.constant 0 : i32
          %dma_wait3A_112 = tpu.memref_slice %arg14[%dma_wait3A_110, %dma_wait3A_111] : memref<512x128xf32, #tpu.memory_space<vmem_shared>> -> memref<512x128xf32, #tpu.memory_space<vmem_shared>>
          tpu.wait_indirect_dma semaphore(%arg22 : memref<!tpu.dma_semaphore, #tpu.memory_space<semaphore_mem>>) src(%arg12 : memref<80x128xf32, #tpu.memory_space<vmem>>) dst(%dma_wait3A_112 : memref<512x128xf32, #tpu.memory_space<vmem_shared>>)
        } else {
        }
        %lt3A_71 = arith.constant 125 : i32
        %lt3A_72 = arith.cmpi slt, %add3A_66, %lt3A_71 : i32
        %convert_element_type3A_73 = arith.extui %lt3A_72 : i1 to i32
        %cond3A_74 = arith.constant 0 : i32
        %cond3A_75 = arith.cmpi ne, %convert_element_type3A_73, %cond3A_74 : i32
        scf.if %cond3A_75 {
          %mul3A_102 = arith.constant 80 : i32
          %mul3A_103 = arith.muli %add3A_66, %mul3A_102 : i32
          %add3A_104 = arith.addi %mul3A_2, %mul3A_103 : i32
          %dma_start3A_105 = tpu.memref_slice %arg3[%add3A_104] : memref<320000xi32, #tpu.memory_space<hbm>> -> memref<80xi32, #tpu.memory_space<hbm>>
          %dma_start3A_106 = tpu.memref_slice %arg3[%add3A_104] : memref<320000xi32, #tpu.memory_space<hbm>> -> memref<80xi32, #tpu.memory_space<hbm>>
          tpu.enqueue_dma source(%dma_start3A_106 : memref<80xi32, #tpu.memory_space<hbm>>) target(%arg11 : memref<80xi32, #tpu.memory_space<vmem>>) target_semaphore(%arg18 : memref<!tpu.dma_semaphore, #tpu.memory_space<semaphore_mem>>)
          %mul3A_107 = arith.constant 80 : i32
          %mul3A_108 = arith.muli %add3A_66, %mul3A_107 : i32
          %add3A_109 = arith.addi %mul3A_2, %mul3A_108 : i32
          %dma_start3A_110 = arith.constant 1 : i32
          %dma_start3A_111 = arith.constant 0 : i32
          %dma_start3A_112 = arith.constant 0 : i32
          %dma_start3A_113 = tpu.memref_slice %arg9[%dma_start3A_110, %dma_start3A_111, %dma_start3A_112] : memref<2x80x128xf32, #tpu.memory_space<vmem>> -> memref<1x80x128xf32, #tpu.memory_space<vmem>>
          %dma_start3A_114 = tpu.memref_squeeze %dma_start3A_113 : memref<1x80x128xf32, #tpu.memory_space<vmem>> -> memref<80x128xf32, #tpu.memory_space<vmem>>
          %dma_start3A_115 = arith.constant 0 : i32
          %dma_start3A_116 = tpu.memref_slice %arg2[%add3A_109, %dma_start3A_115] : memref<320000x128xf32, #tpu.memory_space<hbm>> -> memref<80x128xf32, #tpu.memory_space<hbm>>
          %dma_start3A_117 = arith.constant 0 : i32
          %dma_start3A_118 = arith.constant 0 : i32
          %dma_start3A_119 = tpu.memref_slice %arg9[%dma_start3A_110, %dma_start3A_117, %dma_start3A_118] : memref<2x80x128xf32, #tpu.memory_space<vmem>> -> memref<1x80x128xf32, #tpu.memory_space<vmem>>
          %dma_start3A_120 = tpu.memref_squeeze %dma_start3A_119 : memref<1x80x128xf32, #tpu.memory_space<vmem>> -> memref<80x128xf32, #tpu.memory_space<vmem>>
          %dma_start3A_121 = arith.constant 0 : i32
          %dma_start3A_122 = tpu.memref_slice %arg2[%add3A_109, %dma_start3A_121] : memref<320000x128xf32, #tpu.memory_space<hbm>> -> memref<80x128xf32, #tpu.memory_space<hbm>>
          tpu.enqueue_dma source(%dma_start3A_122 : memref<80x128xf32, #tpu.memory_space<hbm>>) target(%dma_start3A_120 : memref<80x128xf32, #tpu.memory_space<vmem>>) target_semaphore(%arg16 : memref<!tpu.dma_semaphore, #tpu.memory_space<semaphore_mem>>)
        } else {
        }
        %dma_wait3A_76 = tpu.memref_slice %arg3[%mul3A_2] : memref<320000xi32, #tpu.memory_space<hbm>> -> memref<80xi32, #tpu.memory_space<hbm>>
        %dma_wait3A_77 = tpu.memref_slice %arg3[%mul3A_2] : memref<320000xi32, #tpu.memory_space<hbm>> -> memref<80xi32, #tpu.memory_space<hbm>>
        tpu.wait_dma2 semaphore(%arg17 : memref<!tpu.dma_semaphore, #tpu.memory_space<semaphore_mem>>) src(%dma_wait3A_77 : memref<80xi32, #tpu.memory_space<hbm>>) dst(%arg10 : memref<80xi32, #tpu.memory_space<vmem>>)
        %dma_wait3A_78 = arith.constant 0 : i32
        %dma_wait3A_79 = arith.constant 0 : i32
        %dma_wait3A_80 = arith.constant 0 : i32
        %dma_wait3A_81 = tpu.memref_slice %arg9[%dma_wait3A_78, %dma_wait3A_79, %dma_wait3A_80] : memref<2x80x128xf32, #tpu.memory_space<vmem>> -> memref<1x80x128xf32, #tpu.memory_space<vmem>>
        %dma_wait3A_82 = tpu.memref_squeeze %dma_wait3A_81 : memref<1x80x128xf32, #tpu.memory_space<vmem>> -> memref<80x128xf32, #tpu.memory_space<vmem>>
        %dma_wait3A_83 = arith.constant 0 : i32
        %dma_wait3A_84 = tpu.memref_slice %arg2[%mul3A_2, %dma_wait3A_83] : memref<320000x128xf32, #tpu.memory_space<hbm>> -> memref<80x128xf32, #tpu.memory_space<hbm>>
        %dma_wait3A_85 = arith.constant 0 : i32
        %dma_wait3A_86 = arith.constant 0 : i32
        %dma_wait3A_87 = tpu.memref_slice %arg9[%dma_wait3A_78, %dma_wait3A_85, %dma_wait3A_86] : memref<2x80x128xf32, #tpu.memory_space<vmem>> -> memref<1x80x128xf32, #tpu.memory_space<vmem>>
        %dma_wait3A_88 = tpu.memref_squeeze %dma_wait3A_87 : memref<1x80x128xf32, #tpu.memory_space<vmem>> -> memref<80x128xf32, #tpu.memory_space<vmem>>
        %dma_wait3A_89 = arith.constant 0 : i32
        %dma_wait3A_90 = tpu.memref_slice %arg2[%mul3A_2, %dma_wait3A_89] : memref<320000x128xf32, #tpu.memory_space<hbm>> -> memref<80x128xf32, #tpu.memory_space<hbm>>
        tpu.wait_dma2 semaphore(%arg15 : memref<!tpu.dma_semaphore, #tpu.memory_space<semaphore_mem>>) src(%dma_wait3A_90 : memref<80x128xf32, #tpu.memory_space<hbm>>) dst(%dma_wait3A_88 : memref<80x128xf32, #tpu.memory_space<vmem>>)
        %dma_start3A_91 = arith.constant 0 : i32
        %dma_start3A_92 = arith.constant 0 : i32
        %dma_start3A_93 = arith.constant 0 : i32
        %dma_start3A_94 = tpu.memref_slice %arg9[%dma_start3A_91, %dma_start3A_92, %dma_start3A_93] : memref<2x80x128xf32, #tpu.memory_space<vmem>> -> memref<1x80x128xf32, #tpu.memory_space<vmem>>
        %dma_start3A_95 = tpu.memref_squeeze %dma_start3A_94 : memref<1x80x128xf32, #tpu.memory_space<vmem>> -> memref<80x128xf32, #tpu.memory_space<vmem>>
        %dma_start3A_96 = arith.constant 0 : i32
        %dma_start3A_97 = arith.constant 0 : i32
        %dma_start3A_98 = tpu.memref_slice %arg13[%dma_start3A_96, %dma_start3A_97] : memref<512x128xf32, #tpu.memory_space<vmem_shared>> -> memref<512x128xf32, #tpu.memory_space<vmem_shared>>
        tpu.enqueue_indirect_dma source(%dma_start3A_95 : memref<80x128xf32, #tpu.memory_space<vmem>>) target(%dma_start3A_98 : memref<512x128xf32, #tpu.memory_space<vmem_shared>>) offsets(%arg10 : memref<80xi32, #tpu.memory_space<vmem>>) semaphore(%arg19 : memref<!tpu.dma_semaphore, #tpu.memory_space<semaphore_mem>>) {add = true}
        %dma_start3A_99 = arith.constant 0 : i32
        %dma_start3A_100 = arith.constant 0 : i32
        %dma_start3A_101 = tpu.memref_slice %arg14[%dma_start3A_99, %dma_start3A_100] : memref<512x128xf32, #tpu.memory_space<vmem_shared>> -> memref<512x128xf32, #tpu.memory_space<vmem_shared>>
        tpu.enqueue_indirect_dma source(%arg12 : memref<80x128xf32, #tpu.memory_space<vmem>>) target(%dma_start3A_101 : memref<512x128xf32, #tpu.memory_space<vmem_shared>>) offsets(%arg10 : memref<80xi32, #tpu.memory_space<vmem>>) semaphore(%arg21 : memref<!tpu.dma_semaphore, #tpu.memory_space<semaphore_mem>>) {add = true}
      } else {
      }
      %eq3A_60 = arith.constant 1 : i32
      %eq3A_61 = arith.cmpi eq, %select_n3A_54, %eq3A_60 : i32
      %convert_element_type3A_62 = arith.extui %eq3A_61 : i1 to i32
      %cond3A_63 = arith.constant 0 : i32
      %cond3A_64 = arith.cmpi ne, %convert_element_type3A_62, %cond3A_63 : i32
      scf.if %cond3A_64 {
        %add3A_65 = arith.constant 1 : i32
        %add3A_66 = arith.addi %scan3A_44, %add3A_65 : i32
        %ge3A = arith.constant 1 : i32
        %ge3A_67 = arith.cmpi sge, %scan3A_44, %ge3A : i32
        %convert_element_type3A_68 = arith.extui %ge3A_67 : i1 to i32
        %cond3A_69 = arith.constant 0 : i32
        %cond3A_70 = arith.cmpi ne, %convert_element_type3A_68, %cond3A_69 : i32
        scf.if %cond3A_70 {
          %dma_wait3A_102 = arith.constant 0 : i32
          %dma_wait3A_103 = arith.constant 0 : i32
          %dma_wait3A_104 = arith.constant 0 : i32
          %dma_wait3A_105 = tpu.memref_slice %arg9[%dma_wait3A_102, %dma_wait3A_103, %dma_wait3A_104] : memref<2x80x128xf32, #tpu.memory_space<vmem>> -> memref<1x80x128xf32, #tpu.memory_space<vmem>>
          %dma_wait3A_106 = tpu.memref_squeeze %dma_wait3A_105 : memref<1x80x128xf32, #tpu.memory_space<vmem>> -> memref<80x128xf32, #tpu.memory_space<vmem>>
          %dma_wait3A_107 = arith.constant 0 : i32
          %dma_wait3A_108 = arith.constant 0 : i32
          %dma_wait3A_109 = tpu.memref_slice %arg13[%dma_wait3A_107, %dma_wait3A_108] : memref<512x128xf32, #tpu.memory_space<vmem_shared>> -> memref<512x128xf32, #tpu.memory_space<vmem_shared>>
          tpu.wait_indirect_dma semaphore(%arg19 : memref<!tpu.dma_semaphore, #tpu.memory_space<semaphore_mem>>) src(%dma_wait3A_106 : memref<80x128xf32, #tpu.memory_space<vmem>>) dst(%dma_wait3A_109 : memref<512x128xf32, #tpu.memory_space<vmem_shared>>)
          %dma_wait3A_110 = arith.constant 0 : i32
          %dma_wait3A_111 = arith.constant 0 : i32
          %dma_wait3A_112 = tpu.memref_slice %arg14[%dma_wait3A_110, %dma_wait3A_111] : memref<512x128xf32, #tpu.memory_space<vmem_shared>> -> memref<512x128xf32, #tpu.memory_space<vmem_shared>>
          tpu.wait_indirect_dma semaphore(%arg21 : memref<!tpu.dma_semaphore, #tpu.memory_space<semaphore_mem>>) src(%arg12 : memref<80x128xf32, #tpu.memory_space<vmem>>) dst(%dma_wait3A_112 : memref<512x128xf32, #tpu.memory_space<vmem_shared>>)
        } else {
        }
        %lt3A_71 = arith.constant 125 : i32
        %lt3A_72 = arith.cmpi slt, %add3A_66, %lt3A_71 : i32
        %convert_element_type3A_73 = arith.extui %lt3A_72 : i1 to i32
        %cond3A_74 = arith.constant 0 : i32
        %cond3A_75 = arith.cmpi ne, %convert_element_type3A_73, %cond3A_74 : i32
        scf.if %cond3A_75 {
          %mul3A_102 = arith.constant 80 : i32
          %mul3A_103 = arith.muli %add3A_66, %mul3A_102 : i32
          %add3A_104 = arith.addi %mul3A_2, %mul3A_103 : i32
          %dma_start3A_105 = tpu.memref_slice %arg3[%add3A_104] : memref<320000xi32, #tpu.memory_space<hbm>> -> memref<80xi32, #tpu.memory_space<hbm>>
          %dma_start3A_106 = tpu.memref_slice %arg3[%add3A_104] : memref<320000xi32, #tpu.memory_space<hbm>> -> memref<80xi32, #tpu.memory_space<hbm>>
          tpu.enqueue_dma source(%dma_start3A_106 : memref<80xi32, #tpu.memory_space<hbm>>) target(%arg10 : memref<80xi32, #tpu.memory_space<vmem>>) target_semaphore(%arg17 : memref<!tpu.dma_semaphore, #tpu.memory_space<semaphore_mem>>)
          %mul3A_107 = arith.constant 80 : i32
          %mul3A_108 = arith.muli %add3A_66, %mul3A_107 : i32
          %add3A_109 = arith.addi %mul3A_2, %mul3A_108 : i32
          %dma_start3A_110 = arith.constant 0 : i32
          %dma_start3A_111 = arith.constant 0 : i32
          %dma_start3A_112 = arith.constant 0 : i32
          %dma_start3A_113 = tpu.memref_slice %arg9[%dma_start3A_110, %dma_start3A_111, %dma_start3A_112] : memref<2x80x128xf32, #tpu.memory_space<vmem>> -> memref<1x80x128xf32, #tpu.memory_space<vmem>>
          %dma_start3A_114 = tpu.memref_squeeze %dma_start3A_113 : memref<1x80x128xf32, #tpu.memory_space<vmem>> -> memref<80x128xf32, #tpu.memory_space<vmem>>
          %dma_start3A_115 = arith.constant 0 : i32
          %dma_start3A_116 = tpu.memref_slice %arg2[%add3A_109, %dma_start3A_115] : memref<320000x128xf32, #tpu.memory_space<hbm>> -> memref<80x128xf32, #tpu.memory_space<hbm>>
          %dma_start3A_117 = arith.constant 0 : i32
          %dma_start3A_118 = arith.constant 0 : i32
          %dma_start3A_119 = tpu.memref_slice %arg9[%dma_start3A_110, %dma_start3A_117, %dma_start3A_118] : memref<2x80x128xf32, #tpu.memory_space<vmem>> -> memref<1x80x128xf32, #tpu.memory_space<vmem>>
          %dma_start3A_120 = tpu.memref_squeeze %dma_start3A_119 : memref<1x80x128xf32, #tpu.memory_space<vmem>> -> memref<80x128xf32, #tpu.memory_space<vmem>>
          %dma_start3A_121 = arith.constant 0 : i32
          %dma_start3A_122 = tpu.memref_slice %arg2[%add3A_109, %dma_start3A_121] : memref<320000x128xf32, #tpu.memory_space<hbm>> -> memref<80x128xf32, #tpu.memory_space<hbm>>
          tpu.enqueue_dma source(%dma_start3A_122 : memref<80x128xf32, #tpu.memory_space<hbm>>) target(%dma_start3A_120 : memref<80x128xf32, #tpu.memory_space<vmem>>) target_semaphore(%arg15 : memref<!tpu.dma_semaphore, #tpu.memory_space<semaphore_mem>>)
        } else {
        }
        %dma_wait3A_76 = tpu.memref_slice %arg3[%mul3A_2] : memref<320000xi32, #tpu.memory_space<hbm>> -> memref<80xi32, #tpu.memory_space<hbm>>
        %dma_wait3A_77 = tpu.memref_slice %arg3[%mul3A_2] : memref<320000xi32, #tpu.memory_space<hbm>> -> memref<80xi32, #tpu.memory_space<hbm>>
        tpu.wait_dma2 semaphore(%arg18 : memref<!tpu.dma_semaphore, #tpu.memory_space<semaphore_mem>>) src(%dma_wait3A_77 : memref<80xi32, #tpu.memory_space<hbm>>) dst(%arg11 : memref<80xi32, #tpu.memory_space<vmem>>)
        %dma_wait3A_78 = arith.constant 1 : i32
        %dma_wait3A_79 = arith.constant 0 : i32
        %dma_wait3A_80 = arith.constant 0 : i32
        %dma_wait3A_81 = tpu.memref_slice %arg9[%dma_wait3A_78, %dma_wait3A_79, %dma_wait3A_80] : memref<2x80x128xf32, #tpu.memory_space<vmem>> -> memref<1x80x128xf32, #tpu.memory_space<vmem>>
        %dma_wait3A_82 = tpu.memref_squeeze %dma_wait3A_81 : memref<1x80x128xf32, #tpu.memory_space<vmem>> -> memref<80x128xf32, #tpu.memory_space<vmem>>
        %dma_wait3A_83 = arith.constant 0 : i32
        %dma_wait3A_84 = tpu.memref_slice %arg2[%mul3A_2, %dma_wait3A_83] : memref<320000x128xf32, #tpu.memory_space<hbm>> -> memref<80x128xf32, #tpu.memory_space<hbm>>
        %dma_wait3A_85 = arith.constant 0 : i32
        %dma_wait3A_86 = arith.constant 0 : i32
        %dma_wait3A_87 = tpu.memref_slice %arg9[%dma_wait3A_78, %dma_wait3A_85, %dma_wait3A_86] : memref<2x80x128xf32, #tpu.memory_space<vmem>> -> memref<1x80x128xf32, #tpu.memory_space<vmem>>
        %dma_wait3A_88 = tpu.memref_squeeze %dma_wait3A_87 : memref<1x80x128xf32, #tpu.memory_space<vmem>> -> memref<80x128xf32, #tpu.memory_space<vmem>>
        %dma_wait3A_89 = arith.constant 0 : i32
        %dma_wait3A_90 = tpu.memref_slice %arg2[%mul3A_2, %dma_wait3A_89] : memref<320000x128xf32, #tpu.memory_space<hbm>> -> memref<80x128xf32, #tpu.memory_space<hbm>>
        tpu.wait_dma2 semaphore(%arg16 : memref<!tpu.dma_semaphore, #tpu.memory_space<semaphore_mem>>) src(%dma_wait3A_90 : memref<80x128xf32, #tpu.memory_space<hbm>>) dst(%dma_wait3A_88 : memref<80x128xf32, #tpu.memory_space<vmem>>)
        %dma_start3A_91 = arith.constant 1 : i32
        %dma_start3A_92 = arith.constant 0 : i32
        %dma_start3A_93 = arith.constant 0 : i32
        %dma_start3A_94 = tpu.memref_slice %arg9[%dma_start3A_91, %dma_start3A_92, %dma_start3A_93] : memref<2x80x128xf32, #tpu.memory_space<vmem>> -> memref<1x80x128xf32, #tpu.memory_space<vmem>>
        %dma_start3A_95 = tpu.memref_squeeze %dma_start3A_94 : memref<1x80x128xf32, #tpu.memory_space<vmem>> -> memref<80x128xf32, #tpu.memory_space<vmem>>
        %dma_start3A_96 = arith.constant 0 : i32
        %dma_start3A_97 = arith.constant 0 : i32
        %dma_start3A_98 = tpu.memref_slice %arg13[%dma_start3A_96, %dma_start3A_97] : memref<512x128xf32, #tpu.memory_space<vmem_shared>> -> memref<512x128xf32, #tpu.memory_space<vmem_shared>>
        tpu.enqueue_indirect_dma source(%dma_start3A_95 : memref<80x128xf32, #tpu.memory_space<vmem>>) target(%dma_start3A_98 : memref<512x128xf32, #tpu.memory_space<vmem_shared>>) offsets(%arg11 : memref<80xi32, #tpu.memory_space<vmem>>) semaphore(%arg20 : memref<!tpu.dma_semaphore, #tpu.memory_space<semaphore_mem>>) {add = true}
        %dma_start3A_99 = arith.constant 0 : i32
        %dma_start3A_100 = arith.constant 0 : i32
        %dma_start3A_101 = tpu.memref_slice %arg14[%dma_start3A_99, %dma_start3A_100] : memref<512x128xf32, #tpu.memory_space<vmem_shared>> -> memref<512x128xf32, #tpu.memory_space<vmem_shared>>
        tpu.enqueue_indirect_dma source(%arg12 : memref<80x128xf32, #tpu.memory_space<vmem>>) target(%dma_start3A_101 : memref<512x128xf32, #tpu.memory_space<vmem_shared>>) offsets(%arg11 : memref<80xi32, #tpu.memory_space<vmem>>) semaphore(%arg22 : memref<!tpu.dma_semaphore, #tpu.memory_space<semaphore_mem>>) {add = true}
      } else {
      }
    }
    %scan3A_27 = arith.constant 125 : i32
    %dma_wait3A = arith.constant 0 : i32
    %dma_wait3A_28 = arith.constant 0 : i32
    %dma_wait3A_29 = arith.constant 0 : i32
    %dma_wait3A_30 = tpu.memref_slice %arg9[%dma_wait3A, %dma_wait3A_28, %dma_wait3A_29] : memref<2x80x128xf32, #tpu.memory_space<vmem>> -> memref<1x80x128xf32, #tpu.memory_space<vmem>>
    %dma_wait3A_31 = tpu.memref_squeeze %dma_wait3A_30 : memref<1x80x128xf32, #tpu.memory_space<vmem>> -> memref<80x128xf32, #tpu.memory_space<vmem>>
    %dma_wait3A_32 = arith.constant 0 : i32
    %dma_wait3A_33 = arith.constant 0 : i32
    %dma_wait3A_34 = tpu.memref_slice %arg13[%dma_wait3A_32, %dma_wait3A_33] : memref<512x128xf32, #tpu.memory_space<vmem_shared>> -> memref<512x128xf32, #tpu.memory_space<vmem_shared>>
    tpu.wait_indirect_dma semaphore(%arg19 : memref<!tpu.dma_semaphore, #tpu.memory_space<semaphore_mem>>) src(%dma_wait3A_31 : memref<80x128xf32, #tpu.memory_space<vmem>>) dst(%dma_wait3A_34 : memref<512x128xf32, #tpu.memory_space<vmem_shared>>)
    %dma_wait3A_35 = arith.constant 0 : i32
    %dma_wait3A_36 = arith.constant 0 : i32
    %dma_wait3A_37 = tpu.memref_slice %arg14[%dma_wait3A_35, %dma_wait3A_36] : memref<512x128xf32, #tpu.memory_space<vmem_shared>> -> memref<512x128xf32, #tpu.memory_space<vmem_shared>>
    tpu.wait_indirect_dma semaphore(%arg21 : memref<!tpu.dma_semaphore, #tpu.memory_space<semaphore_mem>>) src(%arg12 : memref<80x128xf32, #tpu.memory_space<vmem>>) dst(%dma_wait3A_37 : memref<512x128xf32, #tpu.memory_space<vmem_shared>>)
    %barrier3A_38 = arith.constant 0 : index
    tpu.barrier barrier_id(%barrier3A_38)
    %eq3A_39 = arith.constant 0 : i32
    %eq3A_40 = arith.cmpi eq, %arg1, %eq3A_39 : i32
    %convert_element_type3A_41 = arith.extui %eq3A_40 : i1 to i32
    %cond3A_42 = arith.constant 0 : i32
    %cond3A_43 = arith.cmpi ne, %convert_element_type3A_41, %cond3A_42 : i32
    scf.if %cond3A_43 {
      "tpu.region"() ({
        %run_scoped3A = tpu.sem_alloc : memref<!tpu.dma_semaphore, #tpu.memory_space<semaphore_mem>>
        %dma_start3A_44 = arith.constant 0 : i32
        %dma_start3A_45 = arith.constant 0 : i32
        %dma_start3A_46 = tpu.memref_slice %arg7[%arg0, %dma_start3A_44, %dma_start3A_45] : memref<2x512x128xf32, #tpu.memory_space<hbm>> -> memref<1x512x128xf32, #tpu.memory_space<hbm>>
        %dma_start3A_47 = tpu.memref_squeeze %dma_start3A_46 : memref<1x512x128xf32, #tpu.memory_space<hbm>> -> memref<512x128xf32, #tpu.memory_space<hbm>>
        tpu.enqueue_dma source(%arg13 : memref<512x128xf32, #tpu.memory_space<vmem_shared>>) target(%dma_start3A_47 : memref<512x128xf32, #tpu.memory_space<hbm>>) target_semaphore(%run_scoped3A : memref<!tpu.dma_semaphore, #tpu.memory_space<semaphore_mem>>)
        %dma_wait3A_48 = arith.constant 0 : i32
        %dma_wait3A_49 = arith.constant 0 : i32
        %dma_wait3A_50 = tpu.memref_slice %arg7[%arg0, %dma_wait3A_48, %dma_wait3A_49] : memref<2x512x128xf32, #tpu.memory_space<hbm>> -> memref<1x512x128xf32, #tpu.memory_space<hbm>>
        %dma_wait3A_51 = tpu.memref_squeeze %dma_wait3A_50 : memref<1x512x128xf32, #tpu.memory_space<hbm>> -> memref<512x128xf32, #tpu.memory_space<hbm>>
        tpu.wait_dma2 semaphore(%run_scoped3A : memref<!tpu.dma_semaphore, #tpu.memory_space<semaphore_mem>>) src(%arg13 : memref<512x128xf32, #tpu.memory_space<vmem_shared>>) dst(%dma_wait3A_51 : memref<512x128xf32, #tpu.memory_space<hbm>>)
        tpu.yield
      }) : () -> ()
      "tpu.region"() ({
        %run_scoped3A = tpu.sem_alloc : memref<!tpu.dma_semaphore, #tpu.memory_space<semaphore_mem>>
        %dma_start3A_44 = arith.constant 0 : i32
        %dma_start3A_45 = arith.constant 0 : i32
        %dma_start3A_46 = tpu.memref_slice %arg8[%arg0, %dma_start3A_44, %dma_start3A_45] : memref<2x512x128xf32, #tpu.memory_space<hbm>> -> memref<1x512x128xf32, #tpu.memory_space<hbm>>
        %dma_start3A_47 = tpu.memref_squeeze %dma_start3A_46 : memref<1x512x128xf32, #tpu.memory_space<hbm>> -> memref<512x128xf32, #tpu.memory_space<hbm>>
        tpu.enqueue_dma source(%arg14 : memref<512x128xf32, #tpu.memory_space<vmem_shared>>) target(%dma_start3A_47 : memref<512x128xf32, #tpu.memory_space<hbm>>) target_semaphore(%run_scoped3A : memref<!tpu.dma_semaphore, #tpu.memory_space<semaphore_mem>>)
        %dma_wait3A_48 = arith.constant 0 : i32
        %dma_wait3A_49 = arith.constant 0 : i32
        %dma_wait3A_50 = tpu.memref_slice %arg8[%arg0, %dma_wait3A_48, %dma_wait3A_49] : memref<2x512x128xf32, #tpu.memory_space<hbm>> -> memref<1x512x128xf32, #tpu.memory_space<hbm>>
        %dma_wait3A_51 = tpu.memref_squeeze %dma_wait3A_50 : memref<1x512x128xf32, #tpu.memory_space<hbm>> -> memref<512x128xf32, #tpu.memory_space<hbm>>
        tpu.wait_dma2 semaphore(%run_scoped3A : memref<!tpu.dma_semaphore, #tpu.memory_space<semaphore_mem>>) src(%arg14 : memref<512x128xf32, #tpu.memory_space<vmem_shared>>) dst(%dma_wait3A_51 : memref<512x128xf32, #tpu.memory_space<hbm>>)
        tpu.yield
      }) : () -> ()
    } else {
    }
    return
  }
}

#map = affine_map<(d0, d1) -> (0, 0)>
#map1 = affine_map<(d0, d1) -> (0)>
module attributes {stable_mosaic.version = 14 : i64} {
  func.func @_broadcast_add_body(%arg0: i32, %arg1: i32, %arg2: memref<320000x128xf32, #tpu.memory_space<hbm>>, %arg3: memref<320000xi32, #tpu.memory_space<hbm>>, %arg4: memref<512x128xf32, #tpu.memory_space<hbm>>, %arg5: memref<320000x128xf32, #tpu.memory_space<hbm>>, %arg6: memref<3x80x128xf32, #tpu.memory_space<vmem>>, %arg7: memref<3x80x128xf32, #tpu.memory_space<vmem>>, %arg8: memref<3x80x128xf32, #tpu.memory_space<vmem>>, %arg9: memref<10000xi32, #tpu.memory_space<vmem>>, %arg10: memref<512x128xf32, #tpu.memory_space<vmem_shared>>, %arg11: memref<!tpu.dma_semaphore, #tpu.memory_space<semaphore_mem>>, %arg12: memref<!tpu.dma_semaphore, #tpu.memory_space<semaphore_mem>>, %arg13: memref<!tpu.dma_semaphore, #tpu.memory_space<semaphore_mem>>, %arg14: memref<!tpu.dma_semaphore, #tpu.memory_space<semaphore_mem>>, %arg15: memref<!tpu.dma_semaphore, #tpu.memory_space<semaphore_mem>>, %arg16: memref<!tpu.dma_semaphore, #tpu.memory_space<semaphore_mem>>, %arg17: memref<!tpu.dma_semaphore, #tpu.memory_space<semaphore_mem>>, %arg18: memref<!tpu.dma_semaphore, #tpu.memory_space<semaphore_mem>>, %arg19: memref<!tpu.dma_semaphore, #tpu.memory_space<semaphore_mem>>) attributes {dimension_semantics = [#tpu.dimension_semantics<core_parallel>, #tpu.dimension_semantics<subcore_parallel>], iteration_bounds = array<i64: 2, 16>, scalar_prefetch = 0 : i64, scratch_operands = 14 : i64, tpu.core_type = #tpu.core_type<sc_vector_subcore>, window_params = [{transform_indices = #map}, {transform_indices = #map1}, {transform_indices = #map}, {transform_indices = #map}]} {
    %mul3A = arith.constant 2 : i32
    %mul3A_0 = arith.muli %arg1, %mul3A : i32
    %add3A = arith.addi %mul3A_0, %arg0 : i32
    %mul3A_1 = arith.constant 10000 : i32
    %mul3A_2 = arith.muli %add3A, %mul3A_1 : i32
    "tpu.region"() ({
      %run_scoped3A = tpu.sem_alloc : memref<!tpu.dma_semaphore, #tpu.memory_space<semaphore_mem>>
      %dma_start3A_97 = tpu.memref_slice %arg3[%mul3A_2] : memref<320000xi32, #tpu.memory_space<hbm>> -> memref<10000xi32, #tpu.memory_space<hbm>>
      %dma_start3A_98 = tpu.memref_slice %arg3[%mul3A_2] : memref<320000xi32, #tpu.memory_space<hbm>> -> memref<10000xi32, #tpu.memory_space<hbm>>
      tpu.enqueue_dma source(%dma_start3A_98 : memref<10000xi32, #tpu.memory_space<hbm>>) target(%arg9 : memref<10000xi32, #tpu.memory_space<vmem>>) target_semaphore(%run_scoped3A : memref<!tpu.dma_semaphore, #tpu.memory_space<semaphore_mem>>)
      %dma_wait3A_99 = tpu.memref_slice %arg3[%mul3A_2] : memref<320000xi32, #tpu.memory_space<hbm>> -> memref<10000xi32, #tpu.memory_space<hbm>>
      %dma_wait3A_100 = tpu.memref_slice %arg3[%mul3A_2] : memref<320000xi32, #tpu.memory_space<hbm>> -> memref<10000xi32, #tpu.memory_space<hbm>>
      tpu.wait_dma2 semaphore(%run_scoped3A : memref<!tpu.dma_semaphore, #tpu.memory_space<semaphore_mem>>) src(%dma_wait3A_100 : memref<10000xi32, #tpu.memory_space<hbm>>) dst(%arg9 : memref<10000xi32, #tpu.memory_space<vmem>>)
      tpu.yield
    }) : () -> ()
    %eq3A = arith.constant 0 : i32
    %eq3A_3 = arith.cmpi eq, %arg1, %eq3A : i32
    %convert_element_type3A = arith.extui %eq3A_3 : i1 to i32
    %cond3A = arith.constant 0 : i32
    %cond3A_4 = arith.cmpi ne, %convert_element_type3A, %cond3A : i32
    scf.if %cond3A_4 {
      "tpu.region"() ({
        %run_scoped3A = tpu.sem_alloc : memref<!tpu.dma_semaphore, #tpu.memory_space<semaphore_mem>>
        tpu.enqueue_dma source(%arg4 : memref<512x128xf32, #tpu.memory_space<hbm>>) target(%arg10 : memref<512x128xf32, #tpu.memory_space<vmem_shared>>) target_semaphore(%run_scoped3A : memref<!tpu.dma_semaphore, #tpu.memory_space<semaphore_mem>>)
        tpu.wait_dma2 semaphore(%run_scoped3A : memref<!tpu.dma_semaphore, #tpu.memory_space<semaphore_mem>>) src(%arg4 : memref<512x128xf32, #tpu.memory_space<hbm>>) dst(%arg10 : memref<512x128xf32, #tpu.memory_space<vmem_shared>>)
        tpu.yield
      }) : () -> ()
    } else {
    }
    %barrier3A = arith.constant 0 : index
    tpu.barrier barrier_id(%barrier3A)
    %add3A_5 = arith.constant 0 : i32
    %add3A_6 = arith.addi %mul3A_2, %add3A_5 : i32
    %dma_start3A = arith.constant 0 : i32
    %dma_start3A_7 = arith.constant 0 : i32
    %dma_start3A_8 = arith.constant 0 : i32
    %dma_start3A_9 = tpu.memref_slice %arg6[%dma_start3A, %dma_start3A_7, %dma_start3A_8] : memref<3x80x128xf32, #tpu.memory_space<vmem>> -> memref<1x80x128xf32, #tpu.memory_space<vmem>>
    %dma_start3A_10 = tpu.memref_squeeze %dma_start3A_9 : memref<1x80x128xf32, #tpu.memory_space<vmem>> -> memref<80x128xf32, #tpu.memory_space<vmem>>
    %dma_start3A_11 = arith.constant 0 : i32
    %dma_start3A_12 = tpu.memref_slice %arg2[%add3A_6, %dma_start3A_11] : memref<320000x128xf32, #tpu.memory_space<hbm>> -> memref<80x128xf32, #tpu.memory_space<hbm>>
    %dma_start3A_13 = arith.constant 0 : i32
    %dma_start3A_14 = arith.constant 0 : i32
    %dma_start3A_15 = tpu.memref_slice %arg6[%dma_start3A, %dma_start3A_13, %dma_start3A_14] : memref<3x80x128xf32, #tpu.memory_space<vmem>> -> memref<1x80x128xf32, #tpu.memory_space<vmem>>
    %dma_start3A_16 = tpu.memref_squeeze %dma_start3A_15 : memref<1x80x128xf32, #tpu.memory_space<vmem>> -> memref<80x128xf32, #tpu.memory_space<vmem>>
    %dma_start3A_17 = arith.constant 0 : i32
    %dma_start3A_18 = tpu.memref_slice %arg2[%add3A_6, %dma_start3A_17] : memref<320000x128xf32, #tpu.memory_space<hbm>> -> memref<80x128xf32, #tpu.memory_space<hbm>>
    tpu.enqueue_dma source(%dma_start3A_18 : memref<80x128xf32, #tpu.memory_space<hbm>>) target(%dma_start3A_16 : memref<80x128xf32, #tpu.memory_space<vmem>>) target_semaphore(%arg11 : memref<!tpu.dma_semaphore, #tpu.memory_space<semaphore_mem>>)
    %dma_start3A_19 = arith.constant 0 : i32
    %dma_start3A_20 = arith.constant 0 : i32
    %dma_start3A_21 = arith.constant 0 : i32
    %dma_start3A_22 = tpu.memref_slice %arg7[%dma_start3A_19, %dma_start3A_20, %dma_start3A_21] : memref<3x80x128xf32, #tpu.memory_space<vmem>> -> memref<1x80x128xf32, #tpu.memory_space<vmem>>
    %dma_start3A_23 = tpu.memref_squeeze %dma_start3A_22 : memref<1x80x128xf32, #tpu.memory_space<vmem>> -> memref<80x128xf32, #tpu.memory_space<vmem>>
    %dma_start3A_24 = arith.constant 0 : i32
    %dma_start3A_25 = tpu.memref_slice %arg9[%dma_start3A_24] : memref<10000xi32, #tpu.memory_space<vmem>> -> memref<80xi32, #tpu.memory_space<vmem>>
    %dma_start3A_26 = arith.constant 0 : i32
    %dma_start3A_27 = arith.constant 0 : i32
    %dma_start3A_28 = tpu.memref_slice %arg10[%dma_start3A_26, %dma_start3A_27] : memref<512x128xf32, #tpu.memory_space<vmem_shared>> -> memref<512x128xf32, #tpu.memory_space<vmem_shared>>
    tpu.enqueue_indirect_dma source(%dma_start3A_28 : memref<512x128xf32, #tpu.memory_space<vmem_shared>>) target(%dma_start3A_23 : memref<80x128xf32, #tpu.memory_space<vmem>>) offsets(%dma_start3A_25 : memref<80xi32, #tpu.memory_space<vmem>>) semaphore(%arg14 : memref<!tpu.dma_semaphore, #tpu.memory_space<semaphore_mem>>)
    %add3A_29 = arith.constant 80 : i32
    %add3A_30 = arith.addi %mul3A_2, %add3A_29 : i32
    %dma_start3A_31 = arith.constant 1 : i32
    %dma_start3A_32 = arith.constant 0 : i32
    %dma_start3A_33 = arith.constant 0 : i32
    %dma_start3A_34 = tpu.memref_slice %arg6[%dma_start3A_31, %dma_start3A_32, %dma_start3A_33] : memref<3x80x128xf32, #tpu.memory_space<vmem>> -> memref<1x80x128xf32, #tpu.memory_space<vmem>>
    %dma_start3A_35 = tpu.memref_squeeze %dma_start3A_34 : memref<1x80x128xf32, #tpu.memory_space<vmem>> -> memref<80x128xf32, #tpu.memory_space<vmem>>
    %dma_start3A_36 = arith.constant 0 : i32
    %dma_start3A_37 = tpu.memref_slice %arg2[%add3A_30, %dma_start3A_36] : memref<320000x128xf32, #tpu.memory_space<hbm>> -> memref<80x128xf32, #tpu.memory_space<hbm>>
    %dma_start3A_38 = arith.constant 0 : i32
    %dma_start3A_39 = arith.constant 0 : i32
    %dma_start3A_40 = tpu.memref_slice %arg6[%dma_start3A_31, %dma_start3A_38, %dma_start3A_39] : memref<3x80x128xf32, #tpu.memory_space<vmem>> -> memref<1x80x128xf32, #tpu.memory_space<vmem>>
    %dma_start3A_41 = tpu.memref_squeeze %dma_start3A_40 : memref<1x80x128xf32, #tpu.memory_space<vmem>> -> memref<80x128xf32, #tpu.memory_space<vmem>>
    %dma_start3A_42 = arith.constant 0 : i32
    %dma_start3A_43 = tpu.memref_slice %arg2[%add3A_30, %dma_start3A_42] : memref<320000x128xf32, #tpu.memory_space<hbm>> -> memref<80x128xf32, #tpu.memory_space<hbm>>
    tpu.enqueue_dma source(%dma_start3A_43 : memref<80x128xf32, #tpu.memory_space<hbm>>) target(%dma_start3A_41 : memref<80x128xf32, #tpu.memory_space<vmem>>) target_semaphore(%arg12 : memref<!tpu.dma_semaphore, #tpu.memory_space<semaphore_mem>>)
    %dma_start3A_44 = arith.constant 1 : i32
    %dma_start3A_45 = arith.constant 0 : i32
    %dma_start3A_46 = arith.constant 0 : i32
    %dma_start3A_47 = tpu.memref_slice %arg7[%dma_start3A_44, %dma_start3A_45, %dma_start3A_46] : memref<3x80x128xf32, #tpu.memory_space<vmem>> -> memref<1x80x128xf32, #tpu.memory_space<vmem>>
    %dma_start3A_48 = tpu.memref_squeeze %dma_start3A_47 : memref<1x80x128xf32, #tpu.memory_space<vmem>> -> memref<80x128xf32, #tpu.memory_space<vmem>>
    %dma_start3A_49 = arith.constant 80 : i32
    %dma_start3A_50 = tpu.memref_slice %arg9[%dma_start3A_49] : memref<10000xi32, #tpu.memory_space<vmem>> -> memref<80xi32, #tpu.memory_space<vmem>>
    %dma_start3A_51 = arith.constant 0 : i32
    %dma_start3A_52 = arith.constant 0 : i32
    %dma_start3A_53 = tpu.memref_slice %arg10[%dma_start3A_51, %dma_start3A_52] : memref<512x128xf32, #tpu.memory_space<vmem_shared>> -> memref<512x128xf32, #tpu.memory_space<vmem_shared>>
    tpu.enqueue_indirect_dma source(%dma_start3A_53 : memref<512x128xf32, #tpu.memory_space<vmem_shared>>) target(%dma_start3A_48 : memref<80x128xf32, #tpu.memory_space<vmem>>) offsets(%dma_start3A_50 : memref<80xi32, #tpu.memory_space<vmem>>) semaphore(%arg15 : memref<!tpu.dma_semaphore, #tpu.memory_space<semaphore_mem>>)
    %scan3A = arith.constant 0 : i32
    %scan3A_54 = arith.constant 0 : i32
    %scan3A_55 = arith.constant 125 : i32
    %scan3A_56 = arith.addi %scan3A_54, %scan3A_55 : i32
    %scan3A_57 = arith.constant 1 : i32
    scf.for %scan3A_97 = %scan3A_54 to %scan3A_56 step %scan3A_57  : i32 {
      %jit3A = arith.constant 3 : i32
      %eq3A_98 = arith.constant 0 : i32
      %eq3A_99 = arith.cmpi eq, %jit3A, %eq3A_98 : i32
      %jit3A_100 = arith.constant 1 : i32
      %select_n3A = arith.select %eq3A_99, %jit3A_100, %jit3A : i32
      %rem3A = arith.remsi %scan3A_97, %select_n3A : i32
      %ne3A = arith.constant 0 : i32
      %ne3A_101 = arith.cmpi ne, %rem3A, %ne3A : i32
      %lt3A = arith.constant 0 : i32
      %lt3A_102 = arith.cmpi slt, %rem3A, %lt3A : i32
      %lt3A_103 = arith.constant 0 : i32
      %lt3A_104 = arith.cmpi slt, %select_n3A, %lt3A_103 : i32
      %ne3A_105 = arith.xori %lt3A_102, %lt3A_104 : i1
      %and3A = arith.andi %ne3A_105, %ne3A_101 : i1
      %add3A_106 = arith.addi %rem3A, %select_n3A : i32
      %select_n3A_107 = arith.select %and3A, %add3A_106, %rem3A : i32
      %eq3A_108 = arith.constant 0 : i32
      %eq3A_109 = arith.cmpi eq, %select_n3A_107, %eq3A_108 : i32
      %convert_element_type3A_110 = arith.extui %eq3A_109 : i1 to i32
      %cond3A_111 = arith.constant 0 : i32
      %cond3A_112 = arith.cmpi ne, %convert_element_type3A_110, %cond3A_111 : i32
      scf.if %cond3A_112 {
        %add3A_123 = arith.constant 2 : i32
        %add3A_124 = arith.addi %scan3A_97, %add3A_123 : i32
        %lt3A_125 = arith.constant 125 : i32
        %lt3A_126 = arith.cmpi slt, %add3A_124, %lt3A_125 : i32
        %convert_element_type3A_127 = arith.extui %lt3A_126 : i1 to i32
        %cond3A_128 = arith.constant 0 : i32
        %cond3A_129 = arith.cmpi ne, %convert_element_type3A_127, %cond3A_128 : i32
        scf.if %cond3A_129 {
          %mul3A_175 = arith.constant 80 : i32
          %mul3A_176 = arith.muli %add3A_124, %mul3A_175 : i32
          %add3A_177 = arith.addi %mul3A_2, %mul3A_176 : i32
          %dma_start3A_178 = arith.constant 2 : i32
          %dma_start3A_179 = arith.constant 0 : i32
          %dma_start3A_180 = arith.constant 0 : i32
          %dma_start3A_181 = tpu.memref_slice %arg6[%dma_start3A_178, %dma_start3A_179, %dma_start3A_180] : memref<3x80x128xf32, #tpu.memory_space<vmem>> -> memref<1x80x128xf32, #tpu.memory_space<vmem>>
          %dma_start3A_182 = tpu.memref_squeeze %dma_start3A_181 : memref<1x80x128xf32, #tpu.memory_space<vmem>> -> memref<80x128xf32, #tpu.memory_space<vmem>>
          %dma_start3A_183 = arith.constant 0 : i32
          %dma_start3A_184 = tpu.memref_slice %arg2[%add3A_177, %dma_start3A_183] : memref<320000x128xf32, #tpu.memory_space<hbm>> -> memref<80x128xf32, #tpu.memory_space<hbm>>
          %dma_start3A_185 = arith.constant 0 : i32
          %dma_start3A_186 = arith.constant 0 : i32
          %dma_start3A_187 = tpu.memref_slice %arg6[%dma_start3A_178, %dma_start3A_185, %dma_start3A_186] : memref<3x80x128xf32, #tpu.memory_space<vmem>> -> memref<1x80x128xf32, #tpu.memory_space<vmem>>
          %dma_start3A_188 = tpu.memref_squeeze %dma_start3A_187 : memref<1x80x128xf32, #tpu.memory_space<vmem>> -> memref<80x128xf32, #tpu.memory_space<vmem>>
          %dma_start3A_189 = arith.constant 0 : i32
          %dma_start3A_190 = tpu.memref_slice %arg2[%add3A_177, %dma_start3A_189] : memref<320000x128xf32, #tpu.memory_space<hbm>> -> memref<80x128xf32, #tpu.memory_space<hbm>>
          tpu.enqueue_dma source(%dma_start3A_190 : memref<80x128xf32, #tpu.memory_space<hbm>>) target(%dma_start3A_188 : memref<80x128xf32, #tpu.memory_space<vmem>>) target_semaphore(%arg13 : memref<!tpu.dma_semaphore, #tpu.memory_space<semaphore_mem>>)
          %mul3A_191 = arith.constant 80 : i32
          %mul3A_192 = arith.muli %add3A_124, %mul3A_191 : i32
          %dma_start3A_193 = arith.constant 2 : i32
          %dma_start3A_194 = arith.constant 0 : i32
          %dma_start3A_195 = arith.constant 0 : i32
          %dma_start3A_196 = tpu.memref_slice %arg7[%dma_start3A_193, %dma_start3A_194, %dma_start3A_195] : memref<3x80x128xf32, #tpu.memory_space<vmem>> -> memref<1x80x128xf32, #tpu.memory_space<vmem>>
          %dma_start3A_197 = tpu.memref_squeeze %dma_start3A_196 : memref<1x80x128xf32, #tpu.memory_space<vmem>> -> memref<80x128xf32, #tpu.memory_space<vmem>>
          %dma_start3A_198 = tpu.memref_slice %arg9[%mul3A_192] : memref<10000xi32, #tpu.memory_space<vmem>> -> memref<80xi32, #tpu.memory_space<vmem>>
          %dma_start3A_199 = arith.constant 0 : i32
          %dma_start3A_200 = arith.constant 0 : i32
          %dma_start3A_201 = tpu.memref_slice %arg10[%dma_start3A_199, %dma_start3A_200] : memref<512x128xf32, #tpu.memory_space<vmem_shared>> -> memref<512x128xf32, #tpu.memory_space<vmem_shared>>
          tpu.enqueue_indirect_dma source(%dma_start3A_201 : memref<512x128xf32, #tpu.memory_space<vmem_shared>>) target(%dma_start3A_197 : memref<80x128xf32, #tpu.memory_space<vmem>>) offsets(%dma_start3A_198 : memref<80xi32, #tpu.memory_space<vmem>>) semaphore(%arg16 : memref<!tpu.dma_semaphore, #tpu.memory_space<semaphore_mem>>)
        } else {
        }
        %ge3A = arith.constant 3 : i32
        %ge3A_130 = arith.cmpi sge, %scan3A_97, %ge3A : i32
        %convert_element_type3A_131 = arith.extui %ge3A_130 : i1 to i32
        %cond3A_132 = arith.constant 0 : i32
        %cond3A_133 = arith.cmpi ne, %convert_element_type3A_131, %cond3A_132 : i32
        scf.if %cond3A_133 {
          %dma_wait3A_175 = arith.constant 0 : i32
          %dma_wait3A_176 = arith.constant 0 : i32
          %dma_wait3A_177 = arith.constant 0 : i32
          %dma_wait3A_178 = tpu.memref_slice %arg8[%dma_wait3A_175, %dma_wait3A_176, %dma_wait3A_177] : memref<3x80x128xf32, #tpu.memory_space<vmem>> -> memref<1x80x128xf32, #tpu.memory_space<vmem>>
          %dma_wait3A_179 = tpu.memref_squeeze %dma_wait3A_178 : memref<1x80x128xf32, #tpu.memory_space<vmem>> -> memref<80x128xf32, #tpu.memory_space<vmem>>
          %dma_wait3A_180 = arith.constant 0 : i32
          %dma_wait3A_181 = tpu.memref_slice %arg5[%mul3A_2, %dma_wait3A_180] : memref<320000x128xf32, #tpu.memory_space<hbm>> -> memref<80x128xf32, #tpu.memory_space<hbm>>
          %dma_wait3A_182 = arith.constant 0 : i32
          %dma_wait3A_183 = tpu.memref_slice %arg5[%mul3A_2, %dma_wait3A_182] : memref<320000x128xf32, #tpu.memory_space<hbm>> -> memref<80x128xf32, #tpu.memory_space<hbm>>
          %dma_wait3A_184 = arith.constant 0 : i32
          %dma_wait3A_185 = arith.constant 0 : i32
          %dma_wait3A_186 = tpu.memref_slice %arg8[%dma_wait3A_175, %dma_wait3A_184, %dma_wait3A_185] : memref<3x80x128xf32, #tpu.memory_space<vmem>> -> memref<1x80x128xf32, #tpu.memory_space<vmem>>
          %dma_wait3A_187 = tpu.memref_squeeze %dma_wait3A_186 : memref<1x80x128xf32, #tpu.memory_space<vmem>> -> memref<80x128xf32, #tpu.memory_space<vmem>>
          tpu.wait_dma2 semaphore(%arg17 : memref<!tpu.dma_semaphore, #tpu.memory_space<semaphore_mem>>) src(%dma_wait3A_187 : memref<80x128xf32, #tpu.memory_space<vmem>>) dst(%dma_wait3A_183 : memref<80x128xf32, #tpu.memory_space<hbm>>)
        } else {
        }
        %dma_wait3A_134 = arith.constant 0 : i32
        %dma_wait3A_135 = arith.constant 0 : i32
        %dma_wait3A_136 = arith.constant 0 : i32
        %dma_wait3A_137 = tpu.memref_slice %arg6[%dma_wait3A_134, %dma_wait3A_135, %dma_wait3A_136] : memref<3x80x128xf32, #tpu.memory_space<vmem>> -> memref<1x80x128xf32, #tpu.memory_space<vmem>>
        %dma_wait3A_138 = tpu.memref_squeeze %dma_wait3A_137 : memref<1x80x128xf32, #tpu.memory_space<vmem>> -> memref<80x128xf32, #tpu.memory_space<vmem>>
        %dma_wait3A_139 = arith.constant 0 : i32
        %dma_wait3A_140 = tpu.memref_slice %arg2[%mul3A_2, %dma_wait3A_139] : memref<320000x128xf32, #tpu.memory_space<hbm>> -> memref<80x128xf32, #tpu.memory_space<hbm>>
        %dma_wait3A_141 = arith.constant 0 : i32
        %dma_wait3A_142 = arith.constant 0 : i32
        %dma_wait3A_143 = tpu.memref_slice %arg6[%dma_wait3A_134, %dma_wait3A_141, %dma_wait3A_142] : memref<3x80x128xf32, #tpu.memory_space<vmem>> -> memref<1x80x128xf32, #tpu.memory_space<vmem>>
        %dma_wait3A_144 = tpu.memref_squeeze %dma_wait3A_143 : memref<1x80x128xf32, #tpu.memory_space<vmem>> -> memref<80x128xf32, #tpu.memory_space<vmem>>
        %dma_wait3A_145 = arith.constant 0 : i32
        %dma_wait3A_146 = tpu.memref_slice %arg2[%mul3A_2, %dma_wait3A_145] : memref<320000x128xf32, #tpu.memory_space<hbm>> -> memref<80x128xf32, #tpu.memory_space<hbm>>
        tpu.wait_dma2 semaphore(%arg11 : memref<!tpu.dma_semaphore, #tpu.memory_space<semaphore_mem>>) src(%dma_wait3A_146 : memref<80x128xf32, #tpu.memory_space<hbm>>) dst(%dma_wait3A_144 : memref<80x128xf32, #tpu.memory_space<vmem>>)
        %dma_wait3A_147 = arith.constant 0 : i32
        %dma_wait3A_148 = arith.constant 0 : i32
        %dma_wait3A_149 = arith.constant 0 : i32
        %dma_wait3A_150 = tpu.memref_slice %arg7[%dma_wait3A_147, %dma_wait3A_148, %dma_wait3A_149] : memref<3x80x128xf32, #tpu.memory_space<vmem>> -> memref<1x80x128xf32, #tpu.memory_space<vmem>>
        %dma_wait3A_151 = tpu.memref_squeeze %dma_wait3A_150 : memref<1x80x128xf32, #tpu.memory_space<vmem>> -> memref<80x128xf32, #tpu.memory_space<vmem>>
        %dma_wait3A_152 = arith.constant 0 : i32
        %dma_wait3A_153 = tpu.memref_slice %arg9[%dma_wait3A_152] : memref<10000xi32, #tpu.memory_space<vmem>> -> memref<80xi32, #tpu.memory_space<vmem>>
        %dma_wait3A_154 = arith.constant 0 : i32
        %dma_wait3A_155 = arith.constant 0 : i32
        %dma_wait3A_156 = tpu.memref_slice %arg10[%dma_wait3A_154, %dma_wait3A_155] : memref<512x128xf32, #tpu.memory_space<vmem_shared>> -> memref<512x128xf32, #tpu.memory_space<vmem_shared>>
        tpu.wait_indirect_dma semaphore(%arg14 : memref<!tpu.dma_semaphore, #tpu.memory_space<semaphore_mem>>) src(%dma_wait3A_156 : memref<512x128xf32, #tpu.memory_space<vmem_shared>>) dst(%dma_wait3A_151 : memref<80x128xf32, #tpu.memory_space<vmem>>)
        %parallel_loop3A = arith.constant 0 : i32
        %parallel_loop3A_157 = arith.constant 80 : i32
        %parallel_loop3A_158 = arith.constant 1 : i32
        scf.for %parallel_loop3A_175 = %parallel_loop3A to %parallel_loop3A_157 step %parallel_loop3A_158  : i32 {
          %parallel_loop3A_176 = arith.constant 0 : i32
          %parallel_loop3A_177 = arith.index_cast %parallel_loop3A_176 : i32 to index
          %parallel_loop3A_178 = arith.index_cast %parallel_loop3A_175 : i32 to index
          %parallel_loop3A_179 = arith.constant 0 : index
          %parallel_loop3A_180 = tpu.vector_load %arg6[%parallel_loop3A_177, %parallel_loop3A_178, %parallel_loop3A_179] {strides = array<i32>} : memref<3x80x128xf32, #tpu.memory_space<vmem>>, vector<1x1x16xf32>,
          %parallel_loop3A_181 = vector.shape_cast %parallel_loop3A_180 : vector<1x1x16xf32> to vector<16xf32>
          %parallel_loop3A_182 = arith.constant 0 : i32
          %parallel_loop3A_183 = arith.index_cast %parallel_loop3A_182 : i32 to index
          %parallel_loop3A_184 = arith.index_cast %parallel_loop3A_175 : i32 to index
          %parallel_loop3A_185 = arith.constant 0 : index
          %parallel_loop3A_186 = tpu.vector_load %arg7[%parallel_loop3A_183, %parallel_loop3A_184, %parallel_loop3A_185] {strides = array<i32>} : memref<3x80x128xf32, #tpu.memory_space<vmem>>, vector<1x1x16xf32>,
          %parallel_loop3A_187 = vector.shape_cast %parallel_loop3A_186 : vector<1x1x16xf32> to vector<16xf32>
          %parallel_loop3A_188 = arith.addf %parallel_loop3A_181, %parallel_loop3A_187 : vector<16xf32>
          %parallel_loop3A_189 = arith.constant 0 : i32
          %parallel_loop3A_190 = arith.index_cast %parallel_loop3A_189 : i32 to index
          %parallel_loop3A_191 = arith.index_cast %parallel_loop3A_175 : i32 to index
          %parallel_loop3A_192 = arith.constant 0 : index
          %parallel_loop3A_193 = tpu.vector_load %arg8[%parallel_loop3A_190, %parallel_loop3A_191, %parallel_loop3A_192] {strides = array<i32>} : memref<3x80x128xf32, #tpu.memory_space<vmem>>, vector<1x1x16xf32>,
          %parallel_loop3A_194 = vector.shape_cast %parallel_loop3A_193 : vector<1x1x16xf32> to vector<16xf32>
          %parallel_loop3A_195 = vector.shape_cast %parallel_loop3A_188 : vector<16xf32> to vector<1x1x16xf32>
          tpu.vector_store %arg8[%parallel_loop3A_190, %parallel_loop3A_191, %parallel_loop3A_192], %parallel_loop3A_195 {strides = array<i32>} : memref<3x80x128xf32, #tpu.memory_space<vmem>>, vector<1x1x16xf32>,
          %parallel_loop3A_196 = arith.constant 0 : i32
          %parallel_loop3A_197 = arith.index_cast %parallel_loop3A_196 : i32 to index
          %parallel_loop3A_198 = arith.index_cast %parallel_loop3A_175 : i32 to index
          %parallel_loop3A_199 = arith.constant 16 : index
          %parallel_loop3A_200 = tpu.vector_load %arg6[%parallel_loop3A_197, %parallel_loop3A_198, %parallel_loop3A_199] {strides = array<i32>} : memref<3x80x128xf32, #tpu.memory_space<vmem>>, vector<1x1x16xf32>,
          %parallel_loop3A_201 = vector.shape_cast %parallel_loop3A_200 : vector<1x1x16xf32> to vector<16xf32>
          %parallel_loop3A_202 = arith.constant 0 : i32
          %parallel_loop3A_203 = arith.index_cast %parallel_loop3A_202 : i32 to index
          %parallel_loop3A_204 = arith.index_cast %parallel_loop3A_175 : i32 to index
          %parallel_loop3A_205 = arith.constant 16 : index
          %parallel_loop3A_206 = tpu.vector_load %arg7[%parallel_loop3A_203, %parallel_loop3A_204, %parallel_loop3A_205] {strides = array<i32>} : memref<3x80x128xf32, #tpu.memory_space<vmem>>, vector<1x1x16xf32>,
          %parallel_loop3A_207 = vector.shape_cast %parallel_loop3A_206 : vector<1x1x16xf32> to vector<16xf32>
          %parallel_loop3A_208 = arith.addf %parallel_loop3A_201, %parallel_loop3A_207 : vector<16xf32>
          %parallel_loop3A_209 = arith.constant 0 : i32
          %parallel_loop3A_210 = arith.index_cast %parallel_loop3A_209 : i32 to index
          %parallel_loop3A_211 = arith.index_cast %parallel_loop3A_175 : i32 to index
          %parallel_loop3A_212 = arith.constant 16 : index
          %parallel_loop3A_213 = tpu.vector_load %arg8[%parallel_loop3A_210, %parallel_loop3A_211, %parallel_loop3A_212] {strides = array<i32>} : memref<3x80x128xf32, #tpu.memory_space<vmem>>, vector<1x1x16xf32>,
          %parallel_loop3A_214 = vector.shape_cast %parallel_loop3A_213 : vector<1x1x16xf32> to vector<16xf32>
          %parallel_loop3A_215 = vector.shape_cast %parallel_loop3A_208 : vector<16xf32> to vector<1x1x16xf32>
          tpu.vector_store %arg8[%parallel_loop3A_210, %parallel_loop3A_211, %parallel_loop3A_212], %parallel_loop3A_215 {strides = array<i32>} : memref<3x80x128xf32, #tpu.memory_space<vmem>>, vector<1x1x16xf32>,
          %parallel_loop3A_216 = arith.constant 0 : i32
          %parallel_loop3A_217 = arith.index_cast %parallel_loop3A_216 : i32 to index
          %parallel_loop3A_218 = arith.index_cast %parallel_loop3A_175 : i32 to index
          %parallel_loop3A_219 = arith.constant 32 : index
          %parallel_loop3A_220 = tpu.vector_load %arg6[%parallel_loop3A_217, %parallel_loop3A_218, %parallel_loop3A_219] {strides = array<i32>} : memref<3x80x128xf32, #tpu.memory_space<vmem>>, vector<1x1x16xf32>,
          %parallel_loop3A_221 = vector.shape_cast %parallel_loop3A_220 : vector<1x1x16xf32> to vector<16xf32>
          %parallel_loop3A_222 = arith.constant 0 : i32
          %parallel_loop3A_223 = arith.index_cast %parallel_loop3A_222 : i32 to index
          %parallel_loop3A_224 = arith.index_cast %parallel_loop3A_175 : i32 to index
          %parallel_loop3A_225 = arith.constant 32 : index
          %parallel_loop3A_226 = tpu.vector_load %arg7[%parallel_loop3A_223, %parallel_loop3A_224, %parallel_loop3A_225] {strides = array<i32>} : memref<3x80x128xf32, #tpu.memory_space<vmem>>, vector<1x1x16xf32>,
          %parallel_loop3A_227 = vector.shape_cast %parallel_loop3A_226 : vector<1x1x16xf32> to vector<16xf32>
          %parallel_loop3A_228 = arith.addf %parallel_loop3A_221, %parallel_loop3A_227 : vector<16xf32>
          %parallel_loop3A_229 = arith.constant 0 : i32
          %parallel_loop3A_230 = arith.index_cast %parallel_loop3A_229 : i32 to index
          %parallel_loop3A_231 = arith.index_cast %parallel_loop3A_175 : i32 to index
          %parallel_loop3A_232 = arith.constant 32 : index
          %parallel_loop3A_233 = tpu.vector_load %arg8[%parallel_loop3A_230, %parallel_loop3A_231, %parallel_loop3A_232] {strides = array<i32>} : memref<3x80x128xf32, #tpu.memory_space<vmem>>, vector<1x1x16xf32>,
          %parallel_loop3A_234 = vector.shape_cast %parallel_loop3A_233 : vector<1x1x16xf32> to vector<16xf32>
          %parallel_loop3A_235 = vector.shape_cast %parallel_loop3A_228 : vector<16xf32> to vector<1x1x16xf32>
          tpu.vector_store %arg8[%parallel_loop3A_230, %parallel_loop3A_231, %parallel_loop3A_232], %parallel_loop3A_235 {strides = array<i32>} : memref<3x80x128xf32, #tpu.memory_space<vmem>>, vector<1x1x16xf32>,
          %parallel_loop3A_236 = arith.constant 0 : i32
          %parallel_loop3A_237 = arith.index_cast %parallel_loop3A_236 : i32 to index
          %parallel_loop3A_238 = arith.index_cast %parallel_loop3A_175 : i32 to index
          %parallel_loop3A_239 = arith.constant 48 : index
          %parallel_loop3A_240 = tpu.vector_load %arg6[%parallel_loop3A_237, %parallel_loop3A_238, %parallel_loop3A_239] {strides = array<i32>} : memref<3x80x128xf32, #tpu.memory_space<vmem>>, vector<1x1x16xf32>,
          %parallel_loop3A_241 = vector.shape_cast %parallel_loop3A_240 : vector<1x1x16xf32> to vector<16xf32>
          %parallel_loop3A_242 = arith.constant 0 : i32
          %parallel_loop3A_243 = arith.index_cast %parallel_loop3A_242 : i32 to index
          %parallel_loop3A_244 = arith.index_cast %parallel_loop3A_175 : i32 to index
          %parallel_loop3A_245 = arith.constant 48 : index
          %parallel_loop3A_246 = tpu.vector_load %arg7[%parallel_loop3A_243, %parallel_loop3A_244, %parallel_loop3A_245] {strides = array<i32>} : memref<3x80x128xf32, #tpu.memory_space<vmem>>, vector<1x1x16xf32>,
          %parallel_loop3A_247 = vector.shape_cast %parallel_loop3A_246 : vector<1x1x16xf32> to vector<16xf32>
          %parallel_loop3A_248 = arith.addf %parallel_loop3A_241, %parallel_loop3A_247 : vector<16xf32>
          %parallel_loop3A_249 = arith.constant 0 : i32
          %parallel_loop3A_250 = arith.index_cast %parallel_loop3A_249 : i32 to index
          %parallel_loop3A_251 = arith.index_cast %parallel_loop3A_175 : i32 to index
          %parallel_loop3A_252 = arith.constant 48 : index
          %parallel_loop3A_253 = tpu.vector_load %arg8[%parallel_loop3A_250, %parallel_loop3A_251, %parallel_loop3A_252] {strides = array<i32>} : memref<3x80x128xf32, #tpu.memory_space<vmem>>, vector<1x1x16xf32>,
          %parallel_loop3A_254 = vector.shape_cast %parallel_loop3A_253 : vector<1x1x16xf32> to vector<16xf32>
          %parallel_loop3A_255 = vector.shape_cast %parallel_loop3A_248 : vector<16xf32> to vector<1x1x16xf32>
          tpu.vector_store %arg8[%parallel_loop3A_250, %parallel_loop3A_251, %parallel_loop3A_252], %parallel_loop3A_255 {strides = array<i32>} : memref<3x80x128xf32, #tpu.memory_space<vmem>>, vector<1x1x16xf32>,
          %parallel_loop3A_256 = arith.constant 0 : i32
          %parallel_loop3A_257 = arith.index_cast %parallel_loop3A_256 : i32 to index
          %parallel_loop3A_258 = arith.index_cast %parallel_loop3A_175 : i32 to index
          %parallel_loop3A_259 = arith.constant 64 : index
          %parallel_loop3A_260 = tpu.vector_load %arg6[%parallel_loop3A_257, %parallel_loop3A_258, %parallel_loop3A_259] {strides = array<i32>} : memref<3x80x128xf32, #tpu.memory_space<vmem>>, vector<1x1x16xf32>,
          %parallel_loop3A_261 = vector.shape_cast %parallel_loop3A_260 : vector<1x1x16xf32> to vector<16xf32>
          %parallel_loop3A_262 = arith.constant 0 : i32
          %parallel_loop3A_263 = arith.index_cast %parallel_loop3A_262 : i32 to index
          %parallel_loop3A_264 = arith.index_cast %parallel_loop3A_175 : i32 to index
          %parallel_loop3A_265 = arith.constant 64 : index
          %parallel_loop3A_266 = tpu.vector_load %arg7[%parallel_loop3A_263, %parallel_loop3A_264, %parallel_loop3A_265] {strides = array<i32>} : memref<3x80x128xf32, #tpu.memory_space<vmem>>, vector<1x1x16xf32>,
          %parallel_loop3A_267 = vector.shape_cast %parallel_loop3A_266 : vector<1x1x16xf32> to vector<16xf32>
          %parallel_loop3A_268 = arith.addf %parallel_loop3A_261, %parallel_loop3A_267 : vector<16xf32>
          %parallel_loop3A_269 = arith.constant 0 : i32
          %parallel_loop3A_270 = arith.index_cast %parallel_loop3A_269 : i32 to index
          %parallel_loop3A_271 = arith.index_cast %parallel_loop3A_175 : i32 to index
          %parallel_loop3A_272 = arith.constant 64 : index
          %parallel_loop3A_273 = tpu.vector_load %arg8[%parallel_loop3A_270, %parallel_loop3A_271, %parallel_loop3A_272] {strides = array<i32>} : memref<3x80x128xf32, #tpu.memory_space<vmem>>, vector<1x1x16xf32>,
          %parallel_loop3A_274 = vector.shape_cast %parallel_loop3A_273 : vector<1x1x16xf32> to vector<16xf32>
          %parallel_loop3A_275 = vector.shape_cast %parallel_loop3A_268 : vector<16xf32> to vector<1x1x16xf32>
          tpu.vector_store %arg8[%parallel_loop3A_270, %parallel_loop3A_271, %parallel_loop3A_272], %parallel_loop3A_275 {strides = array<i32>} : memref<3x80x128xf32, #tpu.memory_space<vmem>>, vector<1x1x16xf32>,
          %parallel_loop3A_276 = arith.constant 0 : i32
          %parallel_loop3A_277 = arith.index_cast %parallel_loop3A_276 : i32 to index
          %parallel_loop3A_278 = arith.index_cast %parallel_loop3A_175 : i32 to index
          %parallel_loop3A_279 = arith.constant 80 : index
          %parallel_loop3A_280 = tpu.vector_load %arg6[%parallel_loop3A_277, %parallel_loop3A_278, %parallel_loop3A_279] {strides = array<i32>} : memref<3x80x128xf32, #tpu.memory_space<vmem>>, vector<1x1x16xf32>,
          %parallel_loop3A_281 = vector.shape_cast %parallel_loop3A_280 : vector<1x1x16xf32> to vector<16xf32>
          %parallel_loop3A_282 = arith.constant 0 : i32
          %parallel_loop3A_283 = arith.index_cast %parallel_loop3A_282 : i32 to index
          %parallel_loop3A_284 = arith.index_cast %parallel_loop3A_175 : i32 to index
          %parallel_loop3A_285 = arith.constant 80 : index
          %parallel_loop3A_286 = tpu.vector_load %arg7[%parallel_loop3A_283, %parallel_loop3A_284, %parallel_loop3A_285] {strides = array<i32>} : memref<3x80x128xf32, #tpu.memory_space<vmem>>, vector<1x1x16xf32>,
          %parallel_loop3A_287 = vector.shape_cast %parallel_loop3A_286 : vector<1x1x16xf32> to vector<16xf32>
          %parallel_loop3A_288 = arith.addf %parallel_loop3A_281, %parallel_loop3A_287 : vector<16xf32>
          %parallel_loop3A_289 = arith.constant 0 : i32
          %parallel_loop3A_290 = arith.index_cast %parallel_loop3A_289 : i32 to index
          %parallel_loop3A_291 = arith.index_cast %parallel_loop3A_175 : i32 to index
          %parallel_loop3A_292 = arith.constant 80 : index
          %parallel_loop3A_293 = tpu.vector_load %arg8[%parallel_loop3A_290, %parallel_loop3A_291, %parallel_loop3A_292] {strides = array<i32>} : memref<3x80x128xf32, #tpu.memory_space<vmem>>, vector<1x1x16xf32>,
          %parallel_loop3A_294 = vector.shape_cast %parallel_loop3A_293 : vector<1x1x16xf32> to vector<16xf32>
          %parallel_loop3A_295 = vector.shape_cast %parallel_loop3A_288 : vector<16xf32> to vector<1x1x16xf32>
          tpu.vector_store %arg8[%parallel_loop3A_290, %parallel_loop3A_291, %parallel_loop3A_292], %parallel_loop3A_295 {strides = array<i32>} : memref<3x80x128xf32, #tpu.memory_space<vmem>>, vector<1x1x16xf32>,
          %parallel_loop3A_296 = arith.constant 0 : i32
          %parallel_loop3A_297 = arith.index_cast %parallel_loop3A_296 : i32 to index
          %parallel_loop3A_298 = arith.index_cast %parallel_loop3A_175 : i32 to index
          %parallel_loop3A_299 = arith.constant 96 : index
          %parallel_loop3A_300 = tpu.vector_load %arg6[%parallel_loop3A_297, %parallel_loop3A_298, %parallel_loop3A_299] {strides = array<i32>} : memref<3x80x128xf32, #tpu.memory_space<vmem>>, vector<1x1x16xf32>,
          %parallel_loop3A_301 = vector.shape_cast %parallel_loop3A_300 : vector<1x1x16xf32> to vector<16xf32>
          %parallel_loop3A_302 = arith.constant 0 : i32
          %parallel_loop3A_303 = arith.index_cast %parallel_loop3A_302 : i32 to index
          %parallel_loop3A_304 = arith.index_cast %parallel_loop3A_175 : i32 to index
          %parallel_loop3A_305 = arith.constant 96 : index
          %parallel_loop3A_306 = tpu.vector_load %arg7[%parallel_loop3A_303, %parallel_loop3A_304, %parallel_loop3A_305] {strides = array<i32>} : memref<3x80x128xf32, #tpu.memory_space<vmem>>, vector<1x1x16xf32>,
          %parallel_loop3A_307 = vector.shape_cast %parallel_loop3A_306 : vector<1x1x16xf32> to vector<16xf32>
          %parallel_loop3A_308 = arith.addf %parallel_loop3A_301, %parallel_loop3A_307 : vector<16xf32>
          %parallel_loop3A_309 = arith.constant 0 : i32
          %parallel_loop3A_310 = arith.index_cast %parallel_loop3A_309 : i32 to index
          %parallel_loop3A_311 = arith.index_cast %parallel_loop3A_175 : i32 to index
          %parallel_loop3A_312 = arith.constant 96 : index
          %parallel_loop3A_313 = tpu.vector_load %arg8[%parallel_loop3A_310, %parallel_loop3A_311, %parallel_loop3A_312] {strides = array<i32>} : memref<3x80x128xf32, #tpu.memory_space<vmem>>, vector<1x1x16xf32>,
          %parallel_loop3A_314 = vector.shape_cast %parallel_loop3A_313 : vector<1x1x16xf32> to vector<16xf32>
          %parallel_loop3A_315 = vector.shape_cast %parallel_loop3A_308 : vector<16xf32> to vector<1x1x16xf32>
          tpu.vector_store %arg8[%parallel_loop3A_310, %parallel_loop3A_311, %parallel_loop3A_312], %parallel_loop3A_315 {strides = array<i32>} : memref<3x80x128xf32, #tpu.memory_space<vmem>>, vector<1x1x16xf32>,
          %parallel_loop3A_316 = arith.constant 0 : i32
          %parallel_loop3A_317 = arith.index_cast %parallel_loop3A_316 : i32 to index
          %parallel_loop3A_318 = arith.index_cast %parallel_loop3A_175 : i32 to index
          %parallel_loop3A_319 = arith.constant 112 : index
          %parallel_loop3A_320 = tpu.vector_load %arg6[%parallel_loop3A_317, %parallel_loop3A_318, %parallel_loop3A_319] {strides = array<i32>} : memref<3x80x128xf32, #tpu.memory_space<vmem>>, vector<1x1x16xf32>,
          %parallel_loop3A_321 = vector.shape_cast %parallel_loop3A_320 : vector<1x1x16xf32> to vector<16xf32>
          %parallel_loop3A_322 = arith.constant 0 : i32
          %parallel_loop3A_323 = arith.index_cast %parallel_loop3A_322 : i32 to index
          %parallel_loop3A_324 = arith.index_cast %parallel_loop3A_175 : i32 to index
          %parallel_loop3A_325 = arith.constant 112 : index
          %parallel_loop3A_326 = tpu.vector_load %arg7[%parallel_loop3A_323, %parallel_loop3A_324, %parallel_loop3A_325] {strides = array<i32>} : memref<3x80x128xf32, #tpu.memory_space<vmem>>, vector<1x1x16xf32>,
          %parallel_loop3A_327 = vector.shape_cast %parallel_loop3A_326 : vector<1x1x16xf32> to vector<16xf32>
          %parallel_loop3A_328 = arith.addf %parallel_loop3A_321, %parallel_loop3A_327 : vector<16xf32>
          %parallel_loop3A_329 = arith.constant 0 : i32
          %parallel_loop3A_330 = arith.index_cast %parallel_loop3A_329 : i32 to index
          %parallel_loop3A_331 = arith.index_cast %parallel_loop3A_175 : i32 to index
          %parallel_loop3A_332 = arith.constant 112 : index
          %parallel_loop3A_333 = tpu.vector_load %arg8[%parallel_loop3A_330, %parallel_loop3A_331, %parallel_loop3A_332] {strides = array<i32>} : memref<3x80x128xf32, #tpu.memory_space<vmem>>, vector<1x1x16xf32>,
          %parallel_loop3A_334 = vector.shape_cast %parallel_loop3A_333 : vector<1x1x16xf32> to vector<16xf32>
          %parallel_loop3A_335 = vector.shape_cast %parallel_loop3A_328 : vector<16xf32> to vector<1x1x16xf32>
          tpu.vector_store %arg8[%parallel_loop3A_330, %parallel_loop3A_331, %parallel_loop3A_332], %parallel_loop3A_335 {strides = array<i32>} : memref<3x80x128xf32, #tpu.memory_space<vmem>>, vector<1x1x16xf32>,
        } {sc.loop_unroll_factor = 4 : i64, sc.parallel_access}
        %mul3A_159 = arith.constant 80 : i32
        %mul3A_160 = arith.muli %scan3A_97, %mul3A_159 : i32
        %add3A_161 = arith.addi %mul3A_2, %mul3A_160 : i32
        %dma_start3A_162 = arith.constant 0 : i32
        %dma_start3A_163 = arith.constant 0 : i32
        %dma_start3A_164 = arith.constant 0 : i32
        %dma_start3A_165 = tpu.memref_slice %arg8[%dma_start3A_162, %dma_start3A_163, %dma_start3A_164] : memref<3x80x128xf32, #tpu.memory_space<vmem>> -> memref<1x80x128xf32, #tpu.memory_space<vmem>>
        %dma_start3A_166 = tpu.memref_squeeze %dma_start3A_165 : memref<1x80x128xf32, #tpu.memory_space<vmem>> -> memref<80x128xf32, #tpu.memory_space<vmem>>
        %dma_start3A_167 = arith.constant 0 : i32
        %dma_start3A_168 = tpu.memref_slice %arg5[%add3A_161, %dma_start3A_167] : memref<320000x128xf32, #tpu.memory_space<hbm>> -> memref<80x128xf32, #tpu.memory_space<hbm>>
        %dma_start3A_169 = arith.constant 0 : i32
        %dma_start3A_170 = tpu.memref_slice %arg5[%add3A_161, %dma_start3A_169] : memref<320000x128xf32, #tpu.memory_space<hbm>> -> memref<80x128xf32, #tpu.memory_space<hbm>>
        %dma_start3A_171 = arith.constant 0 : i32
        %dma_start3A_172 = arith.constant 0 : i32
        %dma_start3A_173 = tpu.memref_slice %arg8[%dma_start3A_162, %dma_start3A_171, %dma_start3A_172] : memref<3x80x128xf32, #tpu.memory_space<vmem>> -> memref<1x80x128xf32, #tpu.memory_space<vmem>>
        %dma_start3A_174 = tpu.memref_squeeze %dma_start3A_173 : memref<1x80x128xf32, #tpu.memory_space<vmem>> -> memref<80x128xf32, #tpu.memory_space<vmem>>
        tpu.enqueue_dma source(%dma_start3A_174 : memref<80x128xf32, #tpu.memory_space<vmem>>) target(%dma_start3A_170 : memref<80x128xf32, #tpu.memory_space<hbm>>) target_semaphore(%arg17 : memref<!tpu.dma_semaphore, #tpu.memory_space<semaphore_mem>>)
      } else {
      }
      %eq3A_113 = arith.constant 1 : i32
      %eq3A_114 = arith.cmpi eq, %select_n3A_107, %eq3A_113 : i32
      %convert_element_type3A_115 = arith.extui %eq3A_114 : i1 to i32
      %cond3A_116 = arith.constant 0 : i32
      %cond3A_117 = arith.cmpi ne, %convert_element_type3A_115, %cond3A_116 : i32
      scf.if %cond3A_117 {
        %add3A_123 = arith.constant 2 : i32
        %add3A_124 = arith.addi %scan3A_97, %add3A_123 : i32
        %lt3A_125 = arith.constant 125 : i32
        %lt3A_126 = arith.cmpi slt, %add3A_124, %lt3A_125 : i32
        %convert_element_type3A_127 = arith.extui %lt3A_126 : i1 to i32
        %cond3A_128 = arith.constant 0 : i32
        %cond3A_129 = arith.cmpi ne, %convert_element_type3A_127, %cond3A_128 : i32
        scf.if %cond3A_129 {
          %mul3A_175 = arith.constant 80 : i32
          %mul3A_176 = arith.muli %add3A_124, %mul3A_175 : i32
          %add3A_177 = arith.addi %mul3A_2, %mul3A_176 : i32
          %dma_start3A_178 = arith.constant 0 : i32
          %dma_start3A_179 = arith.constant 0 : i32
          %dma_start3A_180 = arith.constant 0 : i32
          %dma_start3A_181 = tpu.memref_slice %arg6[%dma_start3A_178, %dma_start3A_179, %dma_start3A_180] : memref<3x80x128xf32, #tpu.memory_space<vmem>> -> memref<1x80x128xf32, #tpu.memory_space<vmem>>
          %dma_start3A_182 = tpu.memref_squeeze %dma_start3A_181 : memref<1x80x128xf32, #tpu.memory_space<vmem>> -> memref<80x128xf32, #tpu.memory_space<vmem>>
          %dma_start3A_183 = arith.constant 0 : i32
          %dma_start3A_184 = tpu.memref_slice %arg2[%add3A_177, %dma_start3A_183] : memref<320000x128xf32, #tpu.memory_space<hbm>> -> memref<80x128xf32, #tpu.memory_space<hbm>>
          %dma_start3A_185 = arith.constant 0 : i32
          %dma_start3A_186 = arith.constant 0 : i32
          %dma_start3A_187 = tpu.memref_slice %arg6[%dma_start3A_178, %dma_start3A_185, %dma_start3A_186] : memref<3x80x128xf32, #tpu.memory_space<vmem>> -> memref<1x80x128xf32, #tpu.memory_space<vmem>>
          %dma_start3A_188 = tpu.memref_squeeze %dma_start3A_187 : memref<1x80x128xf32, #tpu.memory_space<vmem>> -> memref<80x128xf32, #tpu.memory_space<vmem>>
          %dma_start3A_189 = arith.constant 0 : i32
          %dma_start3A_190 = tpu.memref_slice %arg2[%add3A_177, %dma_start3A_189] : memref<320000x128xf32, #tpu.memory_space<hbm>> -> memref<80x128xf32, #tpu.memory_space<hbm>>
          tpu.enqueue_dma source(%dma_start3A_190 : memref<80x128xf32, #tpu.memory_space<hbm>>) target(%dma_start3A_188 : memref<80x128xf32, #tpu.memory_space<vmem>>) target_semaphore(%arg11 : memref<!tpu.dma_semaphore, #tpu.memory_space<semaphore_mem>>)
          %mul3A_191 = arith.constant 80 : i32
          %mul3A_192 = arith.muli %add3A_124, %mul3A_191 : i32
          %dma_start3A_193 = arith.constant 0 : i32
          %dma_start3A_194 = arith.constant 0 : i32
          %dma_start3A_195 = arith.constant 0 : i32
          %dma_start3A_196 = tpu.memref_slice %arg7[%dma_start3A_193, %dma_start3A_194, %dma_start3A_195] : memref<3x80x128xf32, #tpu.memory_space<vmem>> -> memref<1x80x128xf32, #tpu.memory_space<vmem>>
          %dma_start3A_197 = tpu.memref_squeeze %dma_start3A_196 : memref<1x80x128xf32, #tpu.memory_space<vmem>> -> memref<80x128xf32, #tpu.memory_space<vmem>>
          %dma_start3A_198 = tpu.memref_slice %arg9[%mul3A_192] : memref<10000xi32, #tpu.memory_space<vmem>> -> memref<80xi32, #tpu.memory_space<vmem>>
          %dma_start3A_199 = arith.constant 0 : i32
          %dma_start3A_200 = arith.constant 0 : i32
          %dma_start3A_201 = tpu.memref_slice %arg10[%dma_start3A_199, %dma_start3A_200] : memref<512x128xf32, #tpu.memory_space<vmem_shared>> -> memref<512x128xf32, #tpu.memory_space<vmem_shared>>
          tpu.enqueue_indirect_dma source(%dma_start3A_201 : memref<512x128xf32, #tpu.memory_space<vmem_shared>>) target(%dma_start3A_197 : memref<80x128xf32, #tpu.memory_space<vmem>>) offsets(%dma_start3A_198 : memref<80xi32, #tpu.memory_space<vmem>>) semaphore(%arg14 : memref<!tpu.dma_semaphore, #tpu.memory_space<semaphore_mem>>)
        } else {
        }
        %ge3A = arith.constant 3 : i32
        %ge3A_130 = arith.cmpi sge, %scan3A_97, %ge3A : i32
        %convert_element_type3A_131 = arith.extui %ge3A_130 : i1 to i32
        %cond3A_132 = arith.constant 0 : i32
        %cond3A_133 = arith.cmpi ne, %convert_element_type3A_131, %cond3A_132 : i32
        scf.if %cond3A_133 {
          %dma_wait3A_175 = arith.constant 1 : i32
          %dma_wait3A_176 = arith.constant 0 : i32
          %dma_wait3A_177 = arith.constant 0 : i32
          %dma_wait3A_178 = tpu.memref_slice %arg8[%dma_wait3A_175, %dma_wait3A_176, %dma_wait3A_177] : memref<3x80x128xf32, #tpu.memory_space<vmem>> -> memref<1x80x128xf32, #tpu.memory_space<vmem>>
          %dma_wait3A_179 = tpu.memref_squeeze %dma_wait3A_178 : memref<1x80x128xf32, #tpu.memory_space<vmem>> -> memref<80x128xf32, #tpu.memory_space<vmem>>
          %dma_wait3A_180 = arith.constant 0 : i32
          %dma_wait3A_181 = tpu.memref_slice %arg5[%mul3A_2, %dma_wait3A_180] : memref<320000x128xf32, #tpu.memory_space<hbm>> -> memref<80x128xf32, #tpu.memory_space<hbm>>
          %dma_wait3A_182 = arith.constant 0 : i32
          %dma_wait3A_183 = tpu.memref_slice %arg5[%mul3A_2, %dma_wait3A_182] : memref<320000x128xf32, #tpu.memory_space<hbm>> -> memref<80x128xf32, #tpu.memory_space<hbm>>
          %dma_wait3A_184 = arith.constant 0 : i32
          %dma_wait3A_185 = arith.constant 0 : i32
          %dma_wait3A_186 = tpu.memref_slice %arg8[%dma_wait3A_175, %dma_wait3A_184, %dma_wait3A_185] : memref<3x80x128xf32, #tpu.memory_space<vmem>> -> memref<1x80x128xf32, #tpu.memory_space<vmem>>
          %dma_wait3A_187 = tpu.memref_squeeze %dma_wait3A_186 : memref<1x80x128xf32, #tpu.memory_space<vmem>> -> memref<80x128xf32, #tpu.memory_space<vmem>>
          tpu.wait_dma2 semaphore(%arg18 : memref<!tpu.dma_semaphore, #tpu.memory_space<semaphore_mem>>) src(%dma_wait3A_187 : memref<80x128xf32, #tpu.memory_space<vmem>>) dst(%dma_wait3A_183 : memref<80x128xf32, #tpu.memory_space<hbm>>)
        } else {
        }
        %dma_wait3A_134 = arith.constant 1 : i32
        %dma_wait3A_135 = arith.constant 0 : i32
        %dma_wait3A_136 = arith.constant 0 : i32
        %dma_wait3A_137 = tpu.memref_slice %arg6[%dma_wait3A_134, %dma_wait3A_135, %dma_wait3A_136] : memref<3x80x128xf32, #tpu.memory_space<vmem>> -> memref<1x80x128xf32, #tpu.memory_space<vmem>>
        %dma_wait3A_138 = tpu.memref_squeeze %dma_wait3A_137 : memref<1x80x128xf32, #tpu.memory_space<vmem>> -> memref<80x128xf32, #tpu.memory_space<vmem>>
        %dma_wait3A_139 = arith.constant 0 : i32
        %dma_wait3A_140 = tpu.memref_slice %arg2[%mul3A_2, %dma_wait3A_139] : memref<320000x128xf32, #tpu.memory_space<hbm>> -> memref<80x128xf32, #tpu.memory_space<hbm>>
        %dma_wait3A_141 = arith.constant 0 : i32
        %dma_wait3A_142 = arith.constant 0 : i32
        %dma_wait3A_143 = tpu.memref_slice %arg6[%dma_wait3A_134, %dma_wait3A_141, %dma_wait3A_142] : memref<3x80x128xf32, #tpu.memory_space<vmem>> -> memref<1x80x128xf32, #tpu.memory_space<vmem>>
        %dma_wait3A_144 = tpu.memref_squeeze %dma_wait3A_143 : memref<1x80x128xf32, #tpu.memory_space<vmem>> -> memref<80x128xf32, #tpu.memory_space<vmem>>
        %dma_wait3A_145 = arith.constant 0 : i32
        %dma_wait3A_146 = tpu.memref_slice %arg2[%mul3A_2, %dma_wait3A_145] : memref<320000x128xf32, #tpu.memory_space<hbm>> -> memref<80x128xf32, #tpu.memory_space<hbm>>
        tpu.wait_dma2 semaphore(%arg12 : memref<!tpu.dma_semaphore, #tpu.memory_space<semaphore_mem>>) src(%dma_wait3A_146 : memref<80x128xf32, #tpu.memory_space<hbm>>) dst(%dma_wait3A_144 : memref<80x128xf32, #tpu.memory_space<vmem>>)
        %dma_wait3A_147 = arith.constant 1 : i32
        %dma_wait3A_148 = arith.constant 0 : i32
        %dma_wait3A_149 = arith.constant 0 : i32
        %dma_wait3A_150 = tpu.memref_slice %arg7[%dma_wait3A_147, %dma_wait3A_148, %dma_wait3A_149] : memref<3x80x128xf32, #tpu.memory_space<vmem>> -> memref<1x80x128xf32, #tpu.memory_space<vmem>>
        %dma_wait3A_151 = tpu.memref_squeeze %dma_wait3A_150 : memref<1x80x128xf32, #tpu.memory_space<vmem>> -> memref<80x128xf32, #tpu.memory_space<vmem>>
        %dma_wait3A_152 = arith.constant 0 : i32
        %dma_wait3A_153 = tpu.memref_slice %arg9[%dma_wait3A_152] : memref<10000xi32, #tpu.memory_space<vmem>> -> memref<80xi32, #tpu.memory_space<vmem>>
        %dma_wait3A_154 = arith.constant 0 : i32
        %dma_wait3A_155 = arith.constant 0 : i32
        %dma_wait3A_156 = tpu.memref_slice %arg10[%dma_wait3A_154, %dma_wait3A_155] : memref<512x128xf32, #tpu.memory_space<vmem_shared>> -> memref<512x128xf32, #tpu.memory_space<vmem_shared>>
        tpu.wait_indirect_dma semaphore(%arg15 : memref<!tpu.dma_semaphore, #tpu.memory_space<semaphore_mem>>) src(%dma_wait3A_156 : memref<512x128xf32, #tpu.memory_space<vmem_shared>>) dst(%dma_wait3A_151 : memref<80x128xf32, #tpu.memory_space<vmem>>)
        %parallel_loop3A = arith.constant 0 : i32
        %parallel_loop3A_157 = arith.constant 80 : i32
        %parallel_loop3A_158 = arith.constant 1 : i32
        scf.for %parallel_loop3A_175 = %parallel_loop3A to %parallel_loop3A_157 step %parallel_loop3A_158  : i32 {
          %parallel_loop3A_176 = arith.constant 1 : i32
          %parallel_loop3A_177 = arith.index_cast %parallel_loop3A_176 : i32 to index
          %parallel_loop3A_178 = arith.index_cast %parallel_loop3A_175 : i32 to index
          %parallel_loop3A_179 = arith.constant 0 : index
          %parallel_loop3A_180 = tpu.vector_load %arg6[%parallel_loop3A_177, %parallel_loop3A_178, %parallel_loop3A_179] {strides = array<i32>} : memref<3x80x128xf32, #tpu.memory_space<vmem>>, vector<1x1x16xf32>,
          %parallel_loop3A_181 = vector.shape_cast %parallel_loop3A_180 : vector<1x1x16xf32> to vector<16xf32>
          %parallel_loop3A_182 = arith.constant 1 : i32
          %parallel_loop3A_183 = arith.index_cast %parallel_loop3A_182 : i32 to index
          %parallel_loop3A_184 = arith.index_cast %parallel_loop3A_175 : i32 to index
          %parallel_loop3A_185 = arith.constant 0 : index
          %parallel_loop3A_186 = tpu.vector_load %arg7[%parallel_loop3A_183, %parallel_loop3A_184, %parallel_loop3A_185] {strides = array<i32>} : memref<3x80x128xf32, #tpu.memory_space<vmem>>, vector<1x1x16xf32>,
          %parallel_loop3A_187 = vector.shape_cast %parallel_loop3A_186 : vector<1x1x16xf32> to vector<16xf32>
          %parallel_loop3A_188 = arith.addf %parallel_loop3A_181, %parallel_loop3A_187 : vector<16xf32>
          %parallel_loop3A_189 = arith.constant 1 : i32
          %parallel_loop3A_190 = arith.index_cast %parallel_loop3A_189 : i32 to index
          %parallel_loop3A_191 = arith.index_cast %parallel_loop3A_175 : i32 to index
          %parallel_loop3A_192 = arith.constant 0 : index
          %parallel_loop3A_193 = tpu.vector_load %arg8[%parallel_loop3A_190, %parallel_loop3A_191, %parallel_loop3A_192] {strides = array<i32>} : memref<3x80x128xf32, #tpu.memory_space<vmem>>, vector<1x1x16xf32>,
          %parallel_loop3A_194 = vector.shape_cast %parallel_loop3A_193 : vector<1x1x16xf32> to vector<16xf32>
          %parallel_loop3A_195 = vector.shape_cast %parallel_loop3A_188 : vector<16xf32> to vector<1x1x16xf32>
          tpu.vector_store %arg8[%parallel_loop3A_190, %parallel_loop3A_191, %parallel_loop3A_192], %parallel_loop3A_195 {strides = array<i32>} : memref<3x80x128xf32, #tpu.memory_space<vmem>>, vector<1x1x16xf32>,
          %parallel_loop3A_196 = arith.constant 1 : i32
          %parallel_loop3A_197 = arith.index_cast %parallel_loop3A_196 : i32 to index
          %parallel_loop3A_198 = arith.index_cast %parallel_loop3A_175 : i32 to index
          %parallel_loop3A_199 = arith.constant 16 : index
          %parallel_loop3A_200 = tpu.vector_load %arg6[%parallel_loop3A_197, %parallel_loop3A_198, %parallel_loop3A_199] {strides = array<i32>} : memref<3x80x128xf32, #tpu.memory_space<vmem>>, vector<1x1x16xf32>,
          %parallel_loop3A_201 = vector.shape_cast %parallel_loop3A_200 : vector<1x1x16xf32> to vector<16xf32>
          %parallel_loop3A_202 = arith.constant 1 : i32
          %parallel_loop3A_203 = arith.index_cast %parallel_loop3A_202 : i32 to index
          %parallel_loop3A_204 = arith.index_cast %parallel_loop3A_175 : i32 to index
          %parallel_loop3A_205 = arith.constant 16 : index
          %parallel_loop3A_206 = tpu.vector_load %arg7[%parallel_loop3A_203, %parallel_loop3A_204, %parallel_loop3A_205] {strides = array<i32>} : memref<3x80x128xf32, #tpu.memory_space<vmem>>, vector<1x1x16xf32>,
          %parallel_loop3A_207 = vector.shape_cast %parallel_loop3A_206 : vector<1x1x16xf32> to vector<16xf32>
          %parallel_loop3A_208 = arith.addf %parallel_loop3A_201, %parallel_loop3A_207 : vector<16xf32>
          %parallel_loop3A_209 = arith.constant 1 : i32
          %parallel_loop3A_210 = arith.index_cast %parallel_loop3A_209 : i32 to index
          %parallel_loop3A_211 = arith.index_cast %parallel_loop3A_175 : i32 to index
          %parallel_loop3A_212 = arith.constant 16 : index
          %parallel_loop3A_213 = tpu.vector_load %arg8[%parallel_loop3A_210, %parallel_loop3A_211, %parallel_loop3A_212] {strides = array<i32>} : memref<3x80x128xf32, #tpu.memory_space<vmem>>, vector<1x1x16xf32>,
          %parallel_loop3A_214 = vector.shape_cast %parallel_loop3A_213 : vector<1x1x16xf32> to vector<16xf32>
          %parallel_loop3A_215 = vector.shape_cast %parallel_loop3A_208 : vector<16xf32> to vector<1x1x16xf32>
          tpu.vector_store %arg8[%parallel_loop3A_210, %parallel_loop3A_211, %parallel_loop3A_212], %parallel_loop3A_215 {strides = array<i32>} : memref<3x80x128xf32, #tpu.memory_space<vmem>>, vector<1x1x16xf32>,
          %parallel_loop3A_216 = arith.constant 1 : i32
          %parallel_loop3A_217 = arith.index_cast %parallel_loop3A_216 : i32 to index
          %parallel_loop3A_218 = arith.index_cast %parallel_loop3A_175 : i32 to index
          %parallel_loop3A_219 = arith.constant 32 : index
          %parallel_loop3A_220 = tpu.vector_load %arg6[%parallel_loop3A_217, %parallel_loop3A_218, %parallel_loop3A_219] {strides = array<i32>} : memref<3x80x128xf32, #tpu.memory_space<vmem>>, vector<1x1x16xf32>,
          %parallel_loop3A_221 = vector.shape_cast %parallel_loop3A_220 : vector<1x1x16xf32> to vector<16xf32>
          %parallel_loop3A_222 = arith.constant 1 : i32
          %parallel_loop3A_223 = arith.index_cast %parallel_loop3A_222 : i32 to index
          %parallel_loop3A_224 = arith.index_cast %parallel_loop3A_175 : i32 to index
          %parallel_loop3A_225 = arith.constant 32 : index
          %parallel_loop3A_226 = tpu.vector_load %arg7[%parallel_loop3A_223, %parallel_loop3A_224, %parallel_loop3A_225] {strides = array<i32>} : memref<3x80x128xf32, #tpu.memory_space<vmem>>, vector<1x1x16xf32>,
          %parallel_loop3A_227 = vector.shape_cast %parallel_loop3A_226 : vector<1x1x16xf32> to vector<16xf32>
          %parallel_loop3A_228 = arith.addf %parallel_loop3A_221, %parallel_loop3A_227 : vector<16xf32>
          %parallel_loop3A_229 = arith.constant 1 : i32
          %parallel_loop3A_230 = arith.index_cast %parallel_loop3A_229 : i32 to index
          %parallel_loop3A_231 = arith.index_cast %parallel_loop3A_175 : i32 to index
          %parallel_loop3A_232 = arith.constant 32 : index
          %parallel_loop3A_233 = tpu.vector_load %arg8[%parallel_loop3A_230, %parallel_loop3A_231, %parallel_loop3A_232] {strides = array<i32>} : memref<3x80x128xf32, #tpu.memory_space<vmem>>, vector<1x1x16xf32>,
          %parallel_loop3A_234 = vector.shape_cast %parallel_loop3A_233 : vector<1x1x16xf32> to vector<16xf32>
          %parallel_loop3A_235 = vector.shape_cast %parallel_loop3A_228 : vector<16xf32> to vector<1x1x16xf32>
          tpu.vector_store %arg8[%parallel_loop3A_230, %parallel_loop3A_231, %parallel_loop3A_232], %parallel_loop3A_235 {strides = array<i32>} : memref<3x80x128xf32, #tpu.memory_space<vmem>>, vector<1x1x16xf32>,
          %parallel_loop3A_236 = arith.constant 1 : i32
          %parallel_loop3A_237 = arith.index_cast %parallel_loop3A_236 : i32 to index
          %parallel_loop3A_238 = arith.index_cast %parallel_loop3A_175 : i32 to index
          %parallel_loop3A_239 = arith.constant 48 : index
          %parallel_loop3A_240 = tpu.vector_load %arg6[%parallel_loop3A_237, %parallel_loop3A_238, %parallel_loop3A_239] {strides = array<i32>} : memref<3x80x128xf32, #tpu.memory_space<vmem>>, vector<1x1x16xf32>,
          %parallel_loop3A_241 = vector.shape_cast %parallel_loop3A_240 : vector<1x1x16xf32> to vector<16xf32>
          %parallel_loop3A_242 = arith.constant 1 : i32
          %parallel_loop3A_243 = arith.index_cast %parallel_loop3A_242 : i32 to index
          %parallel_loop3A_244 = arith.index_cast %parallel_loop3A_175 : i32 to index
          %parallel_loop3A_245 = arith.constant 48 : index
          %parallel_loop3A_246 = tpu.vector_load %arg7[%parallel_loop3A_243, %parallel_loop3A_244, %parallel_loop3A_245] {strides = array<i32>} : memref<3x80x128xf32, #tpu.memory_space<vmem>>, vector<1x1x16xf32>,
          %parallel_loop3A_247 = vector.shape_cast %parallel_loop3A_246 : vector<1x1x16xf32> to vector<16xf32>
          %parallel_loop3A_248 = arith.addf %parallel_loop3A_241, %parallel_loop3A_247 : vector<16xf32>
          %parallel_loop3A_249 = arith.constant 1 : i32
          %parallel_loop3A_250 = arith.index_cast %parallel_loop3A_249 : i32 to index
          %parallel_loop3A_251 = arith.index_cast %parallel_loop3A_175 : i32 to index
          %parallel_loop3A_252 = arith.constant 48 : index
          %parallel_loop3A_253 = tpu.vector_load %arg8[%parallel_loop3A_250, %parallel_loop3A_251, %parallel_loop3A_252] {strides = array<i32>} : memref<3x80x128xf32, #tpu.memory_space<vmem>>, vector<1x1x16xf32>,
          %parallel_loop3A_254 = vector.shape_cast %parallel_loop3A_253 : vector<1x1x16xf32> to vector<16xf32>
          %parallel_loop3A_255 = vector.shape_cast %parallel_loop3A_248 : vector<16xf32> to vector<1x1x16xf32>
          tpu.vector_store %arg8[%parallel_loop3A_250, %parallel_loop3A_251, %parallel_loop3A_252], %parallel_loop3A_255 {strides = array<i32>} : memref<3x80x128xf32, #tpu.memory_space<vmem>>, vector<1x1x16xf32>,
          %parallel_loop3A_256 = arith.constant 1 : i32
          %parallel_loop3A_257 = arith.index_cast %parallel_loop3A_256 : i32 to index
          %parallel_loop3A_258 = arith.index_cast %parallel_loop3A_175 : i32 to index
          %parallel_loop3A_259 = arith.constant 64 : index
          %parallel_loop3A_260 = tpu.vector_load %arg6[%parallel_loop3A_257, %parallel_loop3A_258, %parallel_loop3A_259] {strides = array<i32>} : memref<3x80x128xf32, #tpu.memory_space<vmem>>, vector<1x1x16xf32>,
          %parallel_loop3A_261 = vector.shape_cast %parallel_loop3A_260 : vector<1x1x16xf32> to vector<16xf32>
          %parallel_loop3A_262 = arith.constant 1 : i32
          %parallel_loop3A_263 = arith.index_cast %parallel_loop3A_262 : i32 to index
          %parallel_loop3A_264 = arith.index_cast %parallel_loop3A_175 : i32 to index
          %parallel_loop3A_265 = arith.constant 64 : index
          %parallel_loop3A_266 = tpu.vector_load %arg7[%parallel_loop3A_263, %parallel_loop3A_264, %parallel_loop3A_265] {strides = array<i32>} : memref<3x80x128xf32, #tpu.memory_space<vmem>>, vector<1x1x16xf32>,
          %parallel_loop3A_267 = vector.shape_cast %parallel_loop3A_266 : vector<1x1x16xf32> to vector<16xf32>
          %parallel_loop3A_268 = arith.addf %parallel_loop3A_261, %parallel_loop3A_267 : vector<16xf32>
          %parallel_loop3A_269 = arith.constant 1 : i32
          %parallel_loop3A_270 = arith.index_cast %parallel_loop3A_269 : i32 to index
          %parallel_loop3A_271 = arith.index_cast %parallel_loop3A_175 : i32 to index
          %parallel_loop3A_272 = arith.constant 64 : index
          %parallel_loop3A_273 = tpu.vector_load %arg8[%parallel_loop3A_270, %parallel_loop3A_271, %parallel_loop3A_272] {strides = array<i32>} : memref<3x80x128xf32, #tpu.memory_space<vmem>>, vector<1x1x16xf32>,
          %parallel_loop3A_274 = vector.shape_cast %parallel_loop3A_273 : vector<1x1x16xf32> to vector<16xf32>
          %parallel_loop3A_275 = vector.shape_cast %parallel_loop3A_268 : vector<16xf32> to vector<1x1x16xf32>
          tpu.vector_store %arg8[%parallel_loop3A_270, %parallel_loop3A_271, %parallel_loop3A_272], %parallel_loop3A_275 {strides = array<i32>} : memref<3x80x128xf32, #tpu.memory_space<vmem>>, vector<1x1x16xf32>,
          %parallel_loop3A_276 = arith.constant 1 : i32
          %parallel_loop3A_277 = arith.index_cast %parallel_loop3A_276 : i32 to index
          %parallel_loop3A_278 = arith.index_cast %parallel_loop3A_175 : i32 to index
          %parallel_loop3A_279 = arith.constant 80 : index
          %parallel_loop3A_280 = tpu.vector_load %arg6[%parallel_loop3A_277, %parallel_loop3A_278, %parallel_loop3A_279] {strides = array<i32>} : memref<3x80x128xf32, #tpu.memory_space<vmem>>, vector<1x1x16xf32>,
          %parallel_loop3A_281 = vector.shape_cast %parallel_loop3A_280 : vector<1x1x16xf32> to vector<16xf32>
          %parallel_loop3A_282 = arith.constant 1 : i32
          %parallel_loop3A_283 = arith.index_cast %parallel_loop3A_282 : i32 to index
          %parallel_loop3A_284 = arith.index_cast %parallel_loop3A_175 : i32 to index
          %parallel_loop3A_285 = arith.constant 80 : index
          %parallel_loop3A_286 = tpu.vector_load %arg7[%parallel_loop3A_283, %parallel_loop3A_284, %parallel_loop3A_285] {strides = array<i32>} : memref<3x80x128xf32, #tpu.memory_space<vmem>>, vector<1x1x16xf32>,
          %parallel_loop3A_287 = vector.shape_cast %parallel_loop3A_286 : vector<1x1x16xf32> to vector<16xf32>
          %parallel_loop3A_288 = arith.addf %parallel_loop3A_281, %parallel_loop3A_287 : vector<16xf32>
          %parallel_loop3A_289 = arith.constant 1 : i32
          %parallel_loop3A_290 = arith.index_cast %parallel_loop3A_289 : i32 to index
          %parallel_loop3A_291 = arith.index_cast %parallel_loop3A_175 : i32 to index
          %parallel_loop3A_292 = arith.constant 80 : index
          %parallel_loop3A_293 = tpu.vector_load %arg8[%parallel_loop3A_290, %parallel_loop3A_291, %parallel_loop3A_292] {strides = array<i32>} : memref<3x80x128xf32, #tpu.memory_space<vmem>>, vector<1x1x16xf32>,
          %parallel_loop3A_294 = vector.shape_cast %parallel_loop3A_293 : vector<1x1x16xf32> to vector<16xf32>
          %parallel_loop3A_295 = vector.shape_cast %parallel_loop3A_288 : vector<16xf32> to vector<1x1x16xf32>
          tpu.vector_store %arg8[%parallel_loop3A_290, %parallel_loop3A_291, %parallel_loop3A_292], %parallel_loop3A_295 {strides = array<i32>} : memref<3x80x128xf32, #tpu.memory_space<vmem>>, vector<1x1x16xf32>,
          %parallel_loop3A_296 = arith.constant 1 : i32
          %parallel_loop3A_297 = arith.index_cast %parallel_loop3A_296 : i32 to index
          %parallel_loop3A_298 = arith.index_cast %parallel_loop3A_175 : i32 to index
          %parallel_loop3A_299 = arith.constant 96 : index
          %parallel_loop3A_300 = tpu.vector_load %arg6[%parallel_loop3A_297, %parallel_loop3A_298, %parallel_loop3A_299] {strides = array<i32>} : memref<3x80x128xf32, #tpu.memory_space<vmem>>, vector<1x1x16xf32>,
          %parallel_loop3A_301 = vector.shape_cast %parallel_loop3A_300 : vector<1x1x16xf32> to vector<16xf32>
          %parallel_loop3A_302 = arith.constant 1 : i32
          %parallel_loop3A_303 = arith.index_cast %parallel_loop3A_302 : i32 to index
          %parallel_loop3A_304 = arith.index_cast %parallel_loop3A_175 : i32 to index
          %parallel_loop3A_305 = arith.constant 96 : index
          %parallel_loop3A_306 = tpu.vector_load %arg7[%parallel_loop3A_303, %parallel_loop3A_304, %parallel_loop3A_305] {strides = array<i32>} : memref<3x80x128xf32, #tpu.memory_space<vmem>>, vector<1x1x16xf32>,
          %parallel_loop3A_307 = vector.shape_cast %parallel_loop3A_306 : vector<1x1x16xf32> to vector<16xf32>
          %parallel_loop3A_308 = arith.addf %parallel_loop3A_301, %parallel_loop3A_307 : vector<16xf32>
          %parallel_loop3A_309 = arith.constant 1 : i32
          %parallel_loop3A_310 = arith.index_cast %parallel_loop3A_309 : i32 to index
          %parallel_loop3A_311 = arith.index_cast %parallel_loop3A_175 : i32 to index
          %parallel_loop3A_312 = arith.constant 96 : index
          %parallel_loop3A_313 = tpu.vector_load %arg8[%parallel_loop3A_310, %parallel_loop3A_311, %parallel_loop3A_312] {strides = array<i32>} : memref<3x80x128xf32, #tpu.memory_space<vmem>>, vector<1x1x16xf32>,
          %parallel_loop3A_314 = vector.shape_cast %parallel_loop3A_313 : vector<1x1x16xf32> to vector<16xf32>
          %parallel_loop3A_315 = vector.shape_cast %parallel_loop3A_308 : vector<16xf32> to vector<1x1x16xf32>
          tpu.vector_store %arg8[%parallel_loop3A_310, %parallel_loop3A_311, %parallel_loop3A_312], %parallel_loop3A_315 {strides = array<i32>} : memref<3x80x128xf32, #tpu.memory_space<vmem>>, vector<1x1x16xf32>,
          %parallel_loop3A_316 = arith.constant 1 : i32
          %parallel_loop3A_317 = arith.index_cast %parallel_loop3A_316 : i32 to index
          %parallel_loop3A_318 = arith.index_cast %parallel_loop3A_175 : i32 to index
          %parallel_loop3A_319 = arith.constant 112 : index
          %parallel_loop3A_320 = tpu.vector_load %arg6[%parallel_loop3A_317, %parallel_loop3A_318, %parallel_loop3A_319] {strides = array<i32>} : memref<3x80x128xf32, #tpu.memory_space<vmem>>, vector<1x1x16xf32>,
          %parallel_loop3A_321 = vector.shape_cast %parallel_loop3A_320 : vector<1x1x16xf32> to vector<16xf32>
          %parallel_loop3A_322 = arith.constant 1 : i32
          %parallel_loop3A_323 = arith.index_cast %parallel_loop3A_322 : i32 to index
          %parallel_loop3A_324 = arith.index_cast %parallel_loop3A_175 : i32 to index
          %parallel_loop3A_325 = arith.constant 112 : index
          %parallel_loop3A_326 = tpu.vector_load %arg7[%parallel_loop3A_323, %parallel_loop3A_324, %parallel_loop3A_325] {strides = array<i32>} : memref<3x80x128xf32, #tpu.memory_space<vmem>>, vector<1x1x16xf32>,
          %parallel_loop3A_327 = vector.shape_cast %parallel_loop3A_326 : vector<1x1x16xf32> to vector<16xf32>
          %parallel_loop3A_328 = arith.addf %parallel_loop3A_321, %parallel_loop3A_327 : vector<16xf32>
          %parallel_loop3A_329 = arith.constant 1 : i32
          %parallel_loop3A_330 = arith.index_cast %parallel_loop3A_329 : i32 to index
          %parallel_loop3A_331 = arith.index_cast %parallel_loop3A_175 : i32 to index
          %parallel_loop3A_332 = arith.constant 112 : index
          %parallel_loop3A_333 = tpu.vector_load %arg8[%parallel_loop3A_330, %parallel_loop3A_331, %parallel_loop3A_332] {strides = array<i32>} : memref<3x80x128xf32, #tpu.memory_space<vmem>>, vector<1x1x16xf32>,
          %parallel_loop3A_334 = vector.shape_cast %parallel_loop3A_333 : vector<1x1x16xf32> to vector<16xf32>
          %parallel_loop3A_335 = vector.shape_cast %parallel_loop3A_328 : vector<16xf32> to vector<1x1x16xf32>
          tpu.vector_store %arg8[%parallel_loop3A_330, %parallel_loop3A_331, %parallel_loop3A_332], %parallel_loop3A_335 {strides = array<i32>} : memref<3x80x128xf32, #tpu.memory_space<vmem>>, vector<1x1x16xf32>,
        } {sc.loop_unroll_factor = 4 : i64, sc.parallel_access}
        %mul3A_159 = arith.constant 80 : i32
        %mul3A_160 = arith.muli %scan3A_97, %mul3A_159 : i32
        %add3A_161 = arith.addi %mul3A_2, %mul3A_160 : i32
        %dma_start3A_162 = arith.constant 1 : i32
        %dma_start3A_163 = arith.constant 0 : i32
        %dma_start3A_164 = arith.constant 0 : i32
        %dma_start3A_165 = tpu.memref_slice %arg8[%dma_start3A_162, %dma_start3A_163, %dma_start3A_164] : memref<3x80x128xf32, #tpu.memory_space<vmem>> -> memref<1x80x128xf32, #tpu.memory_space<vmem>>
        %dma_start3A_166 = tpu.memref_squeeze %dma_start3A_165 : memref<1x80x128xf32, #tpu.memory_space<vmem>> -> memref<80x128xf32, #tpu.memory_space<vmem>>
        %dma_start3A_167 = arith.constant 0 : i32
        %dma_start3A_168 = tpu.memref_slice %arg5[%add3A_161, %dma_start3A_167] : memref<320000x128xf32, #tpu.memory_space<hbm>> -> memref<80x128xf32, #tpu.memory_space<hbm>>
        %dma_start3A_169 = arith.constant 0 : i32
        %dma_start3A_170 = tpu.memref_slice %arg5[%add3A_161, %dma_start3A_169] : memref<320000x128xf32, #tpu.memory_space<hbm>> -> memref<80x128xf32, #tpu.memory_space<hbm>>
        %dma_start3A_171 = arith.constant 0 : i32
        %dma_start3A_172 = arith.constant 0 : i32
        %dma_start3A_173 = tpu.memref_slice %arg8[%dma_start3A_162, %dma_start3A_171, %dma_start3A_172] : memref<3x80x128xf32, #tpu.memory_space<vmem>> -> memref<1x80x128xf32, #tpu.memory_space<vmem>>
        %dma_start3A_174 = tpu.memref_squeeze %dma_start3A_173 : memref<1x80x128xf32, #tpu.memory_space<vmem>> -> memref<80x128xf32, #tpu.memory_space<vmem>>
        tpu.enqueue_dma source(%dma_start3A_174 : memref<80x128xf32, #tpu.memory_space<vmem>>) target(%dma_start3A_170 : memref<80x128xf32, #tpu.memory_space<hbm>>) target_semaphore(%arg18 : memref<!tpu.dma_semaphore, #tpu.memory_space<semaphore_mem>>)
      } else {
      }
      %eq3A_118 = arith.constant 2 : i32
      %eq3A_119 = arith.cmpi eq, %select_n3A_107, %eq3A_118 : i32
      %convert_element_type3A_120 = arith.extui %eq3A_119 : i1 to i32
      %cond3A_121 = arith.constant 0 : i32
      %cond3A_122 = arith.cmpi ne, %convert_element_type3A_120, %cond3A_121 : i32
      scf.if %cond3A_122 {
        %add3A_123 = arith.constant 2 : i32
        %add3A_124 = arith.addi %scan3A_97, %add3A_123 : i32
        %lt3A_125 = arith.constant 125 : i32
        %lt3A_126 = arith.cmpi slt, %add3A_124, %lt3A_125 : i32
        %convert_element_type3A_127 = arith.extui %lt3A_126 : i1 to i32
        %cond3A_128 = arith.constant 0 : i32
        %cond3A_129 = arith.cmpi ne, %convert_element_type3A_127, %cond3A_128 : i32
        scf.if %cond3A_129 {
          %mul3A_175 = arith.constant 80 : i32
          %mul3A_176 = arith.muli %add3A_124, %mul3A_175 : i32
          %add3A_177 = arith.addi %mul3A_2, %mul3A_176 : i32
          %dma_start3A_178 = arith.constant 1 : i32
          %dma_start3A_179 = arith.constant 0 : i32
          %dma_start3A_180 = arith.constant 0 : i32
          %dma_start3A_181 = tpu.memref_slice %arg6[%dma_start3A_178, %dma_start3A_179, %dma_start3A_180] : memref<3x80x128xf32, #tpu.memory_space<vmem>> -> memref<1x80x128xf32, #tpu.memory_space<vmem>>
          %dma_start3A_182 = tpu.memref_squeeze %dma_start3A_181 : memref<1x80x128xf32, #tpu.memory_space<vmem>> -> memref<80x128xf32, #tpu.memory_space<vmem>>
          %dma_start3A_183 = arith.constant 0 : i32
          %dma_start3A_184 = tpu.memref_slice %arg2[%add3A_177, %dma_start3A_183] : memref<320000x128xf32, #tpu.memory_space<hbm>> -> memref<80x128xf32, #tpu.memory_space<hbm>>
          %dma_start3A_185 = arith.constant 0 : i32
          %dma_start3A_186 = arith.constant 0 : i32
          %dma_start3A_187 = tpu.memref_slice %arg6[%dma_start3A_178, %dma_start3A_185, %dma_start3A_186] : memref<3x80x128xf32, #tpu.memory_space<vmem>> -> memref<1x80x128xf32, #tpu.memory_space<vmem>>
          %dma_start3A_188 = tpu.memref_squeeze %dma_start3A_187 : memref<1x80x128xf32, #tpu.memory_space<vmem>> -> memref<80x128xf32, #tpu.memory_space<vmem>>
          %dma_start3A_189 = arith.constant 0 : i32
          %dma_start3A_190 = tpu.memref_slice %arg2[%add3A_177, %dma_start3A_189] : memref<320000x128xf32, #tpu.memory_space<hbm>> -> memref<80x128xf32, #tpu.memory_space<hbm>>
          tpu.enqueue_dma source(%dma_start3A_190 : memref<80x128xf32, #tpu.memory_space<hbm>>) target(%dma_start3A_188 : memref<80x128xf32, #tpu.memory_space<vmem>>) target_semaphore(%arg12 : memref<!tpu.dma_semaphore, #tpu.memory_space<semaphore_mem>>)
          %mul3A_191 = arith.constant 80 : i32
          %mul3A_192 = arith.muli %add3A_124, %mul3A_191 : i32
          %dma_start3A_193 = arith.constant 1 : i32
          %dma_start3A_194 = arith.constant 0 : i32
          %dma_start3A_195 = arith.constant 0 : i32
          %dma_start3A_196 = tpu.memref_slice %arg7[%dma_start3A_193, %dma_start3A_194, %dma_start3A_195] : memref<3x80x128xf32, #tpu.memory_space<vmem>> -> memref<1x80x128xf32, #tpu.memory_space<vmem>>
          %dma_start3A_197 = tpu.memref_squeeze %dma_start3A_196 : memref<1x80x128xf32, #tpu.memory_space<vmem>> -> memref<80x128xf32, #tpu.memory_space<vmem>>
          %dma_start3A_198 = tpu.memref_slice %arg9[%mul3A_192] : memref<10000xi32, #tpu.memory_space<vmem>> -> memref<80xi32, #tpu.memory_space<vmem>>
          %dma_start3A_199 = arith.constant 0 : i32
          %dma_start3A_200 = arith.constant 0 : i32
          %dma_start3A_201 = tpu.memref_slice %arg10[%dma_start3A_199, %dma_start3A_200] : memref<512x128xf32, #tpu.memory_space<vmem_shared>> -> memref<512x128xf32, #tpu.memory_space<vmem_shared>>
          tpu.enqueue_indirect_dma source(%dma_start3A_201 : memref<512x128xf32, #tpu.memory_space<vmem_shared>>) target(%dma_start3A_197 : memref<80x128xf32, #tpu.memory_space<vmem>>) offsets(%dma_start3A_198 : memref<80xi32, #tpu.memory_space<vmem>>) semaphore(%arg15 : memref<!tpu.dma_semaphore, #tpu.memory_space<semaphore_mem>>)
        } else {
        }
        %ge3A = arith.constant 3 : i32
        %ge3A_130 = arith.cmpi sge, %scan3A_97, %ge3A : i32
        %convert_element_type3A_131 = arith.extui %ge3A_130 : i1 to i32
        %cond3A_132 = arith.constant 0 : i32
        %cond3A_133 = arith.cmpi ne, %convert_element_type3A_131, %cond3A_132 : i32
        scf.if %cond3A_133 {
          %dma_wait3A_175 = arith.constant 2 : i32
          %dma_wait3A_176 = arith.constant 0 : i32
          %dma_wait3A_177 = arith.constant 0 : i32
          %dma_wait3A_178 = tpu.memref_slice %arg8[%dma_wait3A_175, %dma_wait3A_176, %dma_wait3A_177] : memref<3x80x128xf32, #tpu.memory_space<vmem>> -> memref<1x80x128xf32, #tpu.memory_space<vmem>>
          %dma_wait3A_179 = tpu.memref_squeeze %dma_wait3A_178 : memref<1x80x128xf32, #tpu.memory_space<vmem>> -> memref<80x128xf32, #tpu.memory_space<vmem>>
          %dma_wait3A_180 = arith.constant 0 : i32
          %dma_wait3A_181 = tpu.memref_slice %arg5[%mul3A_2, %dma_wait3A_180] : memref<320000x128xf32, #tpu.memory_space<hbm>> -> memref<80x128xf32, #tpu.memory_space<hbm>>
          %dma_wait3A_182 = arith.constant 0 : i32
          %dma_wait3A_183 = tpu.memref_slice %arg5[%mul3A_2, %dma_wait3A_182] : memref<320000x128xf32, #tpu.memory_space<hbm>> -> memref<80x128xf32, #tpu.memory_space<hbm>>
          %dma_wait3A_184 = arith.constant 0 : i32
          %dma_wait3A_185 = arith.constant 0 : i32
          %dma_wait3A_186 = tpu.memref_slice %arg8[%dma_wait3A_175, %dma_wait3A_184, %dma_wait3A_185] : memref<3x80x128xf32, #tpu.memory_space<vmem>> -> memref<1x80x128xf32, #tpu.memory_space<vmem>>
          %dma_wait3A_187 = tpu.memref_squeeze %dma_wait3A_186 : memref<1x80x128xf32, #tpu.memory_space<vmem>> -> memref<80x128xf32, #tpu.memory_space<vmem>>
          tpu.wait_dma2 semaphore(%arg19 : memref<!tpu.dma_semaphore, #tpu.memory_space<semaphore_mem>>) src(%dma_wait3A_187 : memref<80x128xf32, #tpu.memory_space<vmem>>) dst(%dma_wait3A_183 : memref<80x128xf32, #tpu.memory_space<hbm>>)
        } else {
        }
        %dma_wait3A_134 = arith.constant 2 : i32
        %dma_wait3A_135 = arith.constant 0 : i32
        %dma_wait3A_136 = arith.constant 0 : i32
        %dma_wait3A_137 = tpu.memref_slice %arg6[%dma_wait3A_134, %dma_wait3A_135, %dma_wait3A_136] : memref<3x80x128xf32, #tpu.memory_space<vmem>> -> memref<1x80x128xf32, #tpu.memory_space<vmem>>
        %dma_wait3A_138 = tpu.memref_squeeze %dma_wait3A_137 : memref<1x80x128xf32, #tpu.memory_space<vmem>> -> memref<80x128xf32, #tpu.memory_space<vmem>>
        %dma_wait3A_139 = arith.constant 0 : i32
        %dma_wait3A_140 = tpu.memref_slice %arg2[%mul3A_2, %dma_wait3A_139] : memref<320000x128xf32, #tpu.memory_space<hbm>> -> memref<80x128xf32, #tpu.memory_space<hbm>>
        %dma_wait3A_141 = arith.constant 0 : i32
        %dma_wait3A_142 = arith.constant 0 : i32
        %dma_wait3A_143 = tpu.memref_slice %arg6[%dma_wait3A_134, %dma_wait3A_141, %dma_wait3A_142] : memref<3x80x128xf32, #tpu.memory_space<vmem>> -> memref<1x80x128xf32, #tpu.memory_space<vmem>>
        %dma_wait3A_144 = tpu.memref_squeeze %dma_wait3A_143 : memref<1x80x128xf32, #tpu.memory_space<vmem>> -> memref<80x128xf32, #tpu.memory_space<vmem>>
        %dma_wait3A_145 = arith.constant 0 : i32
        %dma_wait3A_146 = tpu.memref_slice %arg2[%mul3A_2, %dma_wait3A_145] : memref<320000x128xf32, #tpu.memory_space<hbm>> -> memref<80x128xf32, #tpu.memory_space<hbm>>
        tpu.wait_dma2 semaphore(%arg13 : memref<!tpu.dma_semaphore, #tpu.memory_space<semaphore_mem>>) src(%dma_wait3A_146 : memref<80x128xf32, #tpu.memory_space<hbm>>) dst(%dma_wait3A_144 : memref<80x128xf32, #tpu.memory_space<vmem>>)
        %dma_wait3A_147 = arith.constant 2 : i32
        %dma_wait3A_148 = arith.constant 0 : i32
        %dma_wait3A_149 = arith.constant 0 : i32
        %dma_wait3A_150 = tpu.memref_slice %arg7[%dma_wait3A_147, %dma_wait3A_148, %dma_wait3A_149] : memref<3x80x128xf32, #tpu.memory_space<vmem>> -> memref<1x80x128xf32, #tpu.memory_space<vmem>>
        %dma_wait3A_151 = tpu.memref_squeeze %dma_wait3A_150 : memref<1x80x128xf32, #tpu.memory_space<vmem>> -> memref<80x128xf32, #tpu.memory_space<vmem>>
        %dma_wait3A_152 = arith.constant 0 : i32
        %dma_wait3A_153 = tpu.memref_slice %arg9[%dma_wait3A_152] : memref<10000xi32, #tpu.memory_space<vmem>> -> memref<80xi32, #tpu.memory_space<vmem>>
        %dma_wait3A_154 = arith.constant 0 : i32
        %dma_wait3A_155 = arith.constant 0 : i32
        %dma_wait3A_156 = tpu.memref_slice %arg10[%dma_wait3A_154, %dma_wait3A_155] : memref<512x128xf32, #tpu.memory_space<vmem_shared>> -> memref<512x128xf32, #tpu.memory_space<vmem_shared>>
        tpu.wait_indirect_dma semaphore(%arg16 : memref<!tpu.dma_semaphore, #tpu.memory_space<semaphore_mem>>) src(%dma_wait3A_156 : memref<512x128xf32, #tpu.memory_space<vmem_shared>>) dst(%dma_wait3A_151 : memref<80x128xf32, #tpu.memory_space<vmem>>)
        %parallel_loop3A = arith.constant 0 : i32
        %parallel_loop3A_157 = arith.constant 80 : i32
        %parallel_loop3A_158 = arith.constant 1 : i32
        scf.for %parallel_loop3A_175 = %parallel_loop3A to %parallel_loop3A_157 step %parallel_loop3A_158  : i32 {
          %parallel_loop3A_176 = arith.constant 2 : i32
          %parallel_loop3A_177 = arith.index_cast %parallel_loop3A_176 : i32 to index
          %parallel_loop3A_178 = arith.index_cast %parallel_loop3A_175 : i32 to index
          %parallel_loop3A_179 = arith.constant 0 : index
          %parallel_loop3A_180 = tpu.vector_load %arg6[%parallel_loop3A_177, %parallel_loop3A_178, %parallel_loop3A_179] {strides = array<i32>} : memref<3x80x128xf32, #tpu.memory_space<vmem>>, vector<1x1x16xf32>,
          %parallel_loop3A_181 = vector.shape_cast %parallel_loop3A_180 : vector<1x1x16xf32> to vector<16xf32>
          %parallel_loop3A_182 = arith.constant 2 : i32
          %parallel_loop3A_183 = arith.index_cast %parallel_loop3A_182 : i32 to index
          %parallel_loop3A_184 = arith.index_cast %parallel_loop3A_175 : i32 to index
          %parallel_loop3A_185 = arith.constant 0 : index
          %parallel_loop3A_186 = tpu.vector_load %arg7[%parallel_loop3A_183, %parallel_loop3A_184, %parallel_loop3A_185] {strides = array<i32>} : memref<3x80x128xf32, #tpu.memory_space<vmem>>, vector<1x1x16xf32>,
          %parallel_loop3A_187 = vector.shape_cast %parallel_loop3A_186 : vector<1x1x16xf32> to vector<16xf32>
          %parallel_loop3A_188 = arith.addf %parallel_loop3A_181, %parallel_loop3A_187 : vector<16xf32>
          %parallel_loop3A_189 = arith.constant 2 : i32
          %parallel_loop3A_190 = arith.index_cast %parallel_loop3A_189 : i32 to index
          %parallel_loop3A_191 = arith.index_cast %parallel_loop3A_175 : i32 to index
          %parallel_loop3A_192 = arith.constant 0 : index
          %parallel_loop3A_193 = tpu.vector_load %arg8[%parallel_loop3A_190, %parallel_loop3A_191, %parallel_loop3A_192] {strides = array<i32>} : memref<3x80x128xf32, #tpu.memory_space<vmem>>, vector<1x1x16xf32>,
          %parallel_loop3A_194 = vector.shape_cast %parallel_loop3A_193 : vector<1x1x16xf32> to vector<16xf32>
          %parallel_loop3A_195 = vector.shape_cast %parallel_loop3A_188 : vector<16xf32> to vector<1x1x16xf32>
          tpu.vector_store %arg8[%parallel_loop3A_190, %parallel_loop3A_191, %parallel_loop3A_192], %parallel_loop3A_195 {strides = array<i32>} : memref<3x80x128xf32, #tpu.memory_space<vmem>>, vector<1x1x16xf32>,
          %parallel_loop3A_196 = arith.constant 2 : i32
          %parallel_loop3A_197 = arith.index_cast %parallel_loop3A_196 : i32 to index
          %parallel_loop3A_198 = arith.index_cast %parallel_loop3A_175 : i32 to index
          %parallel_loop3A_199 = arith.constant 16 : index
          %parallel_loop3A_200 = tpu.vector_load %arg6[%parallel_loop3A_197, %parallel_loop3A_198, %parallel_loop3A_199] {strides = array<i32>} : memref<3x80x128xf32, #tpu.memory_space<vmem>>, vector<1x1x16xf32>,
          %parallel_loop3A_201 = vector.shape_cast %parallel_loop3A_200 : vector<1x1x16xf32> to vector<16xf32>
          %parallel_loop3A_202 = arith.constant 2 : i32
          %parallel_loop3A_203 = arith.index_cast %parallel_loop3A_202 : i32 to index
          %parallel_loop3A_204 = arith.index_cast %parallel_loop3A_175 : i32 to index
          %parallel_loop3A_205 = arith.constant 16 : index
          %parallel_loop3A_206 = tpu.vector_load %arg7[%parallel_loop3A_203, %parallel_loop3A_204, %parallel_loop3A_205] {strides = array<i32>} : memref<3x80x128xf32, #tpu.memory_space<vmem>>, vector<1x1x16xf32>,
          %parallel_loop3A_207 = vector.shape_cast %parallel_loop3A_206 : vector<1x1x16xf32> to vector<16xf32>
          %parallel_loop3A_208 = arith.addf %parallel_loop3A_201, %parallel_loop3A_207 : vector<16xf32>
          %parallel_loop3A_209 = arith.constant 2 : i32
          %parallel_loop3A_210 = arith.index_cast %parallel_loop3A_209 : i32 to index
          %parallel_loop3A_211 = arith.index_cast %parallel_loop3A_175 : i32 to index
          %parallel_loop3A_212 = arith.constant 16 : index
          %parallel_loop3A_213 = tpu.vector_load %arg8[%parallel_loop3A_210, %parallel_loop3A_211, %parallel_loop3A_212] {strides = array<i32>} : memref<3x80x128xf32, #tpu.memory_space<vmem>>, vector<1x1x16xf32>,
          %parallel_loop3A_214 = vector.shape_cast %parallel_loop3A_213 : vector<1x1x16xf32> to vector<16xf32>
          %parallel_loop3A_215 = vector.shape_cast %parallel_loop3A_208 : vector<16xf32> to vector<1x1x16xf32>
          tpu.vector_store %arg8[%parallel_loop3A_210, %parallel_loop3A_211, %parallel_loop3A_212], %parallel_loop3A_215 {strides = array<i32>} : memref<3x80x128xf32, #tpu.memory_space<vmem>>, vector<1x1x16xf32>,
          %parallel_loop3A_216 = arith.constant 2 : i32
          %parallel_loop3A_217 = arith.index_cast %parallel_loop3A_216 : i32 to index
          %parallel_loop3A_218 = arith.index_cast %parallel_loop3A_175 : i32 to index
          %parallel_loop3A_219 = arith.constant 32 : index
          %parallel_loop3A_220 = tpu.vector_load %arg6[%parallel_loop3A_217, %parallel_loop3A_218, %parallel_loop3A_219] {strides = array<i32>} : memref<3x80x128xf32, #tpu.memory_space<vmem>>, vector<1x1x16xf32>,
          %parallel_loop3A_221 = vector.shape_cast %parallel_loop3A_220 : vector<1x1x16xf32> to vector<16xf32>
          %parallel_loop3A_222 = arith.constant 2 : i32
          %parallel_loop3A_223 = arith.index_cast %parallel_loop3A_222 : i32 to index
          %parallel_loop3A_224 = arith.index_cast %parallel_loop3A_175 : i32 to index
          %parallel_loop3A_225 = arith.constant 32 : index
          %parallel_loop3A_226 = tpu.vector_load %arg7[%parallel_loop3A_223, %parallel_loop3A_224, %parallel_loop3A_225] {strides = array<i32>} : memref<3x80x128xf32, #tpu.memory_space<vmem>>, vector<1x1x16xf32>,
          %parallel_loop3A_227 = vector.shape_cast %parallel_loop3A_226 : vector<1x1x16xf32> to vector<16xf32>
          %parallel_loop3A_228 = arith.addf %parallel_loop3A_221, %parallel_loop3A_227 : vector<16xf32>
          %parallel_loop3A_229 = arith.constant 2 : i32
          %parallel_loop3A_230 = arith.index_cast %parallel_loop3A_229 : i32 to index
          %parallel_loop3A_231 = arith.index_cast %parallel_loop3A_175 : i32 to index
          %parallel_loop3A_232 = arith.constant 32 : index
          %parallel_loop3A_233 = tpu.vector_load %arg8[%parallel_loop3A_230, %parallel_loop3A_231, %parallel_loop3A_232] {strides = array<i32>} : memref<3x80x128xf32, #tpu.memory_space<vmem>>, vector<1x1x16xf32>,
          %parallel_loop3A_234 = vector.shape_cast %parallel_loop3A_233 : vector<1x1x16xf32> to vector<16xf32>
          %parallel_loop3A_235 = vector.shape_cast %parallel_loop3A_228 : vector<16xf32> to vector<1x1x16xf32>
          tpu.vector_store %arg8[%parallel_loop3A_230, %parallel_loop3A_231, %parallel_loop3A_232], %parallel_loop3A_235 {strides = array<i32>} : memref<3x80x128xf32, #tpu.memory_space<vmem>>, vector<1x1x16xf32>,
          %parallel_loop3A_236 = arith.constant 2 : i32
          %parallel_loop3A_237 = arith.index_cast %parallel_loop3A_236 : i32 to index
          %parallel_loop3A_238 = arith.index_cast %parallel_loop3A_175 : i32 to index
          %parallel_loop3A_239 = arith.constant 48 : index
          %parallel_loop3A_240 = tpu.vector_load %arg6[%parallel_loop3A_237, %parallel_loop3A_238, %parallel_loop3A_239] {strides = array<i32>} : memref<3x80x128xf32, #tpu.memory_space<vmem>>, vector<1x1x16xf32>,
          %parallel_loop3A_241 = vector.shape_cast %parallel_loop3A_240 : vector<1x1x16xf32> to vector<16xf32>
          %parallel_loop3A_242 = arith.constant 2 : i32
          %parallel_loop3A_243 = arith.index_cast %parallel_loop3A_242 : i32 to index
          %parallel_loop3A_244 = arith.index_cast %parallel_loop3A_175 : i32 to index
          %parallel_loop3A_245 = arith.constant 48 : index
          %parallel_loop3A_246 = tpu.vector_load %arg7[%parallel_loop3A_243, %parallel_loop3A_244, %parallel_loop3A_245] {strides = array<i32>} : memref<3x80x128xf32, #tpu.memory_space<vmem>>, vector<1x1x16xf32>,
          %parallel_loop3A_247 = vector.shape_cast %parallel_loop3A_246 : vector<1x1x16xf32> to vector<16xf32>
          %parallel_loop3A_248 = arith.addf %parallel_loop3A_241, %parallel_loop3A_247 : vector<16xf32>
          %parallel_loop3A_249 = arith.constant 2 : i32
          %parallel_loop3A_250 = arith.index_cast %parallel_loop3A_249 : i32 to index
          %parallel_loop3A_251 = arith.index_cast %parallel_loop3A_175 : i32 to index
          %parallel_loop3A_252 = arith.constant 48 : index
          %parallel_loop3A_253 = tpu.vector_load %arg8[%parallel_loop3A_250, %parallel_loop3A_251, %parallel_loop3A_252] {strides = array<i32>} : memref<3x80x128xf32, #tpu.memory_space<vmem>>, vector<1x1x16xf32>,
          %parallel_loop3A_254 = vector.shape_cast %parallel_loop3A_253 : vector<1x1x16xf32> to vector<16xf32>
          %parallel_loop3A_255 = vector.shape_cast %parallel_loop3A_248 : vector<16xf32> to vector<1x1x16xf32>
          tpu.vector_store %arg8[%parallel_loop3A_250, %parallel_loop3A_251, %parallel_loop3A_252], %parallel_loop3A_255 {strides = array<i32>} : memref<3x80x128xf32, #tpu.memory_space<vmem>>, vector<1x1x16xf32>,
          %parallel_loop3A_256 = arith.constant 2 : i32
          %parallel_loop3A_257 = arith.index_cast %parallel_loop3A_256 : i32 to index
          %parallel_loop3A_258 = arith.index_cast %parallel_loop3A_175 : i32 to index
          %parallel_loop3A_259 = arith.constant 64 : index
          %parallel_loop3A_260 = tpu.vector_load %arg6[%parallel_loop3A_257, %parallel_loop3A_258, %parallel_loop3A_259] {strides = array<i32>} : memref<3x80x128xf32, #tpu.memory_space<vmem>>, vector<1x1x16xf32>,
          %parallel_loop3A_261 = vector.shape_cast %parallel_loop3A_260 : vector<1x1x16xf32> to vector<16xf32>
          %parallel_loop3A_262 = arith.constant 2 : i32
          %parallel_loop3A_263 = arith.index_cast %parallel_loop3A_262 : i32 to index
          %parallel_loop3A_264 = arith.index_cast %parallel_loop3A_175 : i32 to index
          %parallel_loop3A_265 = arith.constant 64 : index
          %parallel_loop3A_266 = tpu.vector_load %arg7[%parallel_loop3A_263, %parallel_loop3A_264, %parallel_loop3A_265] {strides = array<i32>} : memref<3x80x128xf32, #tpu.memory_space<vmem>>, vector<1x1x16xf32>,
          %parallel_loop3A_267 = vector.shape_cast %parallel_loop3A_266 : vector<1x1x16xf32> to vector<16xf32>
          %parallel_loop3A_268 = arith.addf %parallel_loop3A_261, %parallel_loop3A_267 : vector<16xf32>
          %parallel_loop3A_269 = arith.constant 2 : i32
          %parallel_loop3A_270 = arith.index_cast %parallel_loop3A_269 : i32 to index
          %parallel_loop3A_271 = arith.index_cast %parallel_loop3A_175 : i32 to index
          %parallel_loop3A_272 = arith.constant 64 : index
          %parallel_loop3A_273 = tpu.vector_load %arg8[%parallel_loop3A_270, %parallel_loop3A_271, %parallel_loop3A_272] {strides = array<i32>} : memref<3x80x128xf32, #tpu.memory_space<vmem>>, vector<1x1x16xf32>,
          %parallel_loop3A_274 = vector.shape_cast %parallel_loop3A_273 : vector<1x1x16xf32> to vector<16xf32>
          %parallel_loop3A_275 = vector.shape_cast %parallel_loop3A_268 : vector<16xf32> to vector<1x1x16xf32>
          tpu.vector_store %arg8[%parallel_loop3A_270, %parallel_loop3A_271, %parallel_loop3A_272], %parallel_loop3A_275 {strides = array<i32>} : memref<3x80x128xf32, #tpu.memory_space<vmem>>, vector<1x1x16xf32>,
          %parallel_loop3A_276 = arith.constant 2 : i32
          %parallel_loop3A_277 = arith.index_cast %parallel_loop3A_276 : i32 to index
          %parallel_loop3A_278 = arith.index_cast %parallel_loop3A_175 : i32 to index
          %parallel_loop3A_279 = arith.constant 80 : index
          %parallel_loop3A_280 = tpu.vector_load %arg6[%parallel_loop3A_277, %parallel_loop3A_278, %parallel_loop3A_279] {strides = array<i32>} : memref<3x80x128xf32, #tpu.memory_space<vmem>>, vector<1x1x16xf32>,
          %parallel_loop3A_281 = vector.shape_cast %parallel_loop3A_280 : vector<1x1x16xf32> to vector<16xf32>
          %parallel_loop3A_282 = arith.constant 2 : i32
          %parallel_loop3A_283 = arith.index_cast %parallel_loop3A_282 : i32 to index
          %parallel_loop3A_284 = arith.index_cast %parallel_loop3A_175 : i32 to index
          %parallel_loop3A_285 = arith.constant 80 : index
          %parallel_loop3A_286 = tpu.vector_load %arg7[%parallel_loop3A_283, %parallel_loop3A_284, %parallel_loop3A_285] {strides = array<i32>} : memref<3x80x128xf32, #tpu.memory_space<vmem>>, vector<1x1x16xf32>,
          %parallel_loop3A_287 = vector.shape_cast %parallel_loop3A_286 : vector<1x1x16xf32> to vector<16xf32>
          %parallel_loop3A_288 = arith.addf %parallel_loop3A_281, %parallel_loop3A_287 : vector<16xf32>
          %parallel_loop3A_289 = arith.constant 2 : i32
          %parallel_loop3A_290 = arith.index_cast %parallel_loop3A_289 : i32 to index
          %parallel_loop3A_291 = arith.index_cast %parallel_loop3A_175 : i32 to index
          %parallel_loop3A_292 = arith.constant 80 : index
          %parallel_loop3A_293 = tpu.vector_load %arg8[%parallel_loop3A_290, %parallel_loop3A_291, %parallel_loop3A_292] {strides = array<i32>} : memref<3x80x128xf32, #tpu.memory_space<vmem>>, vector<1x1x16xf32>,
          %parallel_loop3A_294 = vector.shape_cast %parallel_loop3A_293 : vector<1x1x16xf32> to vector<16xf32>
          %parallel_loop3A_295 = vector.shape_cast %parallel_loop3A_288 : vector<16xf32> to vector<1x1x16xf32>
          tpu.vector_store %arg8[%parallel_loop3A_290, %parallel_loop3A_291, %parallel_loop3A_292], %parallel_loop3A_295 {strides = array<i32>} : memref<3x80x128xf32, #tpu.memory_space<vmem>>, vector<1x1x16xf32>,
          %parallel_loop3A_296 = arith.constant 2 : i32
          %parallel_loop3A_297 = arith.index_cast %parallel_loop3A_296 : i32 to index
          %parallel_loop3A_298 = arith.index_cast %parallel_loop3A_175 : i32 to index
          %parallel_loop3A_299 = arith.constant 96 : index
          %parallel_loop3A_300 = tpu.vector_load %arg6[%parallel_loop3A_297, %parallel_loop3A_298, %parallel_loop3A_299] {strides = array<i32>} : memref<3x80x128xf32, #tpu.memory_space<vmem>>, vector<1x1x16xf32>,
          %parallel_loop3A_301 = vector.shape_cast %parallel_loop3A_300 : vector<1x1x16xf32> to vector<16xf32>
          %parallel_loop3A_302 = arith.constant 2 : i32
          %parallel_loop3A_303 = arith.index_cast %parallel_loop3A_302 : i32 to index
          %parallel_loop3A_304 = arith.index_cast %parallel_loop3A_175 : i32 to index
          %parallel_loop3A_305 = arith.constant 96 : index
          %parallel_loop3A_306 = tpu.vector_load %arg7[%parallel_loop3A_303, %parallel_loop3A_304, %parallel_loop3A_305] {strides = array<i32>} : memref<3x80x128xf32, #tpu.memory_space<vmem>>, vector<1x1x16xf32>,
          %parallel_loop3A_307 = vector.shape_cast %parallel_loop3A_306 : vector<1x1x16xf32> to vector<16xf32>
          %parallel_loop3A_308 = arith.addf %parallel_loop3A_301, %parallel_loop3A_307 : vector<16xf32>
          %parallel_loop3A_309 = arith.constant 2 : i32
          %parallel_loop3A_310 = arith.index_cast %parallel_loop3A_309 : i32 to index
          %parallel_loop3A_311 = arith.index_cast %parallel_loop3A_175 : i32 to index
          %parallel_loop3A_312 = arith.constant 96 : index
          %parallel_loop3A_313 = tpu.vector_load %arg8[%parallel_loop3A_310, %parallel_loop3A_311, %parallel_loop3A_312] {strides = array<i32>} : memref<3x80x128xf32, #tpu.memory_space<vmem>>, vector<1x1x16xf32>,
          %parallel_loop3A_314 = vector.shape_cast %parallel_loop3A_313 : vector<1x1x16xf32> to vector<16xf32>
          %parallel_loop3A_315 = vector.shape_cast %parallel_loop3A_308 : vector<16xf32> to vector<1x1x16xf32>
          tpu.vector_store %arg8[%parallel_loop3A_310, %parallel_loop3A_311, %parallel_loop3A_312], %parallel_loop3A_315 {strides = array<i32>} : memref<3x80x128xf32, #tpu.memory_space<vmem>>, vector<1x1x16xf32>,
          %parallel_loop3A_316 = arith.constant 2 : i32
          %parallel_loop3A_317 = arith.index_cast %parallel_loop3A_316 : i32 to index
          %parallel_loop3A_318 = arith.index_cast %parallel_loop3A_175 : i32 to index
          %parallel_loop3A_319 = arith.constant 112 : index
          %parallel_loop3A_320 = tpu.vector_load %arg6[%parallel_loop3A_317, %parallel_loop3A_318, %parallel_loop3A_319] {strides = array<i32>} : memref<3x80x128xf32, #tpu.memory_space<vmem>>, vector<1x1x16xf32>,
          %parallel_loop3A_321 = vector.shape_cast %parallel_loop3A_320 : vector<1x1x16xf32> to vector<16xf32>
          %parallel_loop3A_322 = arith.constant 2 : i32
          %parallel_loop3A_323 = arith.index_cast %parallel_loop3A_322 : i32 to index
          %parallel_loop3A_324 = arith.index_cast %parallel_loop3A_175 : i32 to index
          %parallel_loop3A_325 = arith.constant 112 : index
          %parallel_loop3A_326 = tpu.vector_load %arg7[%parallel_loop3A_323, %parallel_loop3A_324, %parallel_loop3A_325] {strides = array<i32>} : memref<3x80x128xf32, #tpu.memory_space<vmem>>, vector<1x1x16xf32>,
          %parallel_loop3A_327 = vector.shape_cast %parallel_loop3A_326 : vector<1x1x16xf32> to vector<16xf32>
          %parallel_loop3A_328 = arith.addf %parallel_loop3A_321, %parallel_loop3A_327 : vector<16xf32>
          %parallel_loop3A_329 = arith.constant 2 : i32
          %parallel_loop3A_330 = arith.index_cast %parallel_loop3A_329 : i32 to index
          %parallel_loop3A_331 = arith.index_cast %parallel_loop3A_175 : i32 to index
          %parallel_loop3A_332 = arith.constant 112 : index
          %parallel_loop3A_333 = tpu.vector_load %arg8[%parallel_loop3A_330, %parallel_loop3A_331, %parallel_loop3A_332] {strides = array<i32>} : memref<3x80x128xf32, #tpu.memory_space<vmem>>, vector<1x1x16xf32>,
          %parallel_loop3A_334 = vector.shape_cast %parallel_loop3A_333 : vector<1x1x16xf32> to vector<16xf32>
          %parallel_loop3A_335 = vector.shape_cast %parallel_loop3A_328 : vector<16xf32> to vector<1x1x16xf32>
          tpu.vector_store %arg8[%parallel_loop3A_330, %parallel_loop3A_331, %parallel_loop3A_332], %parallel_loop3A_335 {strides = array<i32>} : memref<3x80x128xf32, #tpu.memory_space<vmem>>, vector<1x1x16xf32>,
        } {sc.loop_unroll_factor = 4 : i64, sc.parallel_access}
        %mul3A_159 = arith.constant 80 : i32
        %mul3A_160 = arith.muli %scan3A_97, %mul3A_159 : i32
        %add3A_161 = arith.addi %mul3A_2, %mul3A_160 : i32
        %dma_start3A_162 = arith.constant 2 : i32
        %dma_start3A_163 = arith.constant 0 : i32
        %dma_start3A_164 = arith.constant 0 : i32
        %dma_start3A_165 = tpu.memref_slice %arg8[%dma_start3A_162, %dma_start3A_163, %dma_start3A_164] : memref<3x80x128xf32, #tpu.memory_space<vmem>> -> memref<1x80x128xf32, #tpu.memory_space<vmem>>
        %dma_start3A_166 = tpu.memref_squeeze %dma_start3A_165 : memref<1x80x128xf32, #tpu.memory_space<vmem>> -> memref<80x128xf32, #tpu.memory_space<vmem>>
        %dma_start3A_167 = arith.constant 0 : i32
        %dma_start3A_168 = tpu.memref_slice %arg5[%add3A_161, %dma_start3A_167] : memref<320000x128xf32, #tpu.memory_space<hbm>> -> memref<80x128xf32, #tpu.memory_space<hbm>>
        %dma_start3A_169 = arith.constant 0 : i32
        %dma_start3A_170 = tpu.memref_slice %arg5[%add3A_161, %dma_start3A_169] : memref<320000x128xf32, #tpu.memory_space<hbm>> -> memref<80x128xf32, #tpu.memory_space<hbm>>
        %dma_start3A_171 = arith.constant 0 : i32
        %dma_start3A_172 = arith.constant 0 : i32
        %dma_start3A_173 = tpu.memref_slice %arg8[%dma_start3A_162, %dma_start3A_171, %dma_start3A_172] : memref<3x80x128xf32, #tpu.memory_space<vmem>> -> memref<1x80x128xf32, #tpu.memory_space<vmem>>
        %dma_start3A_174 = tpu.memref_squeeze %dma_start3A_173 : memref<1x80x128xf32, #tpu.memory_space<vmem>> -> memref<80x128xf32, #tpu.memory_space<vmem>>
        tpu.enqueue_dma source(%dma_start3A_174 : memref<80x128xf32, #tpu.memory_space<vmem>>) target(%dma_start3A_170 : memref<80x128xf32, #tpu.memory_space<hbm>>) target_semaphore(%arg19 : memref<!tpu.dma_semaphore, #tpu.memory_space<semaphore_mem>>)
      } else {
      }
    }
    %scan3A_58 = arith.constant 125 : i32
    %dma_wait3A = arith.constant 1 : i32
    %dma_wait3A_59 = arith.constant 0 : i32
    %dma_wait3A_60 = arith.constant 0 : i32
    %dma_wait3A_61 = tpu.memref_slice %arg8[%dma_wait3A, %dma_wait3A_59, %dma_wait3A_60] : memref<3x80x128xf32, #tpu.memory_space<vmem>> -> memref<1x80x128xf32, #tpu.memory_space<vmem>>
    %dma_wait3A_62 = tpu.memref_squeeze %dma_wait3A_61 : memref<1x80x128xf32, #tpu.memory_space<vmem>> -> memref<80x128xf32, #tpu.memory_space<vmem>>
    %dma_wait3A_63 = arith.constant 0 : i32
    %dma_wait3A_64 = tpu.memref_slice %arg5[%mul3A_2, %dma_wait3A_63] : memref<320000x128xf32, #tpu.memory_space<hbm>> -> memref<80x128xf32, #tpu.memory_space<hbm>>
    %dma_wait3A_65 = arith.constant 0 : i32
    %dma_wait3A_66 = tpu.memref_slice %arg5[%mul3A_2, %dma_wait3A_65] : memref<320000x128xf32, #tpu.memory_space<hbm>> -> memref<80x128xf32, #tpu.memory_space<hbm>>
    %dma_wait3A_67 = arith.constant 0 : i32
    %dma_wait3A_68 = arith.constant 0 : i32
    %dma_wait3A_69 = tpu.memref_slice %arg8[%dma_wait3A, %dma_wait3A_67, %dma_wait3A_68] : memref<3x80x128xf32, #tpu.memory_space<vmem>> -> memref<1x80x128xf32, #tpu.memory_space<vmem>>
    %dma_wait3A_70 = tpu.memref_squeeze %dma_wait3A_69 : memref<1x80x128xf32, #tpu.memory_space<vmem>> -> memref<80x128xf32, #tpu.memory_space<vmem>>
    tpu.wait_dma2 semaphore(%arg18 : memref<!tpu.dma_semaphore, #tpu.memory_space<semaphore_mem>>) src(%dma_wait3A_70 : memref<80x128xf32, #tpu.memory_space<vmem>>) dst(%dma_wait3A_66 : memref<80x128xf32, #tpu.memory_space<hbm>>)
    %dma_wait3A_71 = arith.constant 0 : i32
    %dma_wait3A_72 = arith.constant 0 : i32
    %dma_wait3A_73 = arith.constant 0 : i32
    %dma_wait3A_74 = tpu.memref_slice %arg8[%dma_wait3A_71, %dma_wait3A_72, %dma_wait3A_73] : memref<3x80x128xf32, #tpu.memory_space<vmem>> -> memref<1x80x128xf32, #tpu.memory_space<vmem>>
    %dma_wait3A_75 = tpu.memref_squeeze %dma_wait3A_74 : memref<1x80x128xf32, #tpu.memory_space<vmem>> -> memref<80x128xf32, #tpu.memory_space<vmem>>
    %dma_wait3A_76 = arith.constant 0 : i32
    %dma_wait3A_77 = tpu.memref_slice %arg5[%mul3A_2, %dma_wait3A_76] : memref<320000x128xf32, #tpu.memory_space<hbm>> -> memref<80x128xf32, #tpu.memory_space<hbm>>
    %dma_wait3A_78 = arith.constant 0 : i32
    %dma_wait3A_79 = tpu.memref_slice %arg5[%mul3A_2, %dma_wait3A_78] : memref<320000x128xf32, #tpu.memory_space<hbm>> -> memref<80x128xf32, #tpu.memory_space<hbm>>
    %dma_wait3A_80 = arith.constant 0 : i32
    %dma_wait3A_81 = arith.constant 0 : i32
    %dma_wait3A_82 = tpu.memref_slice %arg8[%dma_wait3A_71, %dma_wait3A_80, %dma_wait3A_81] : memref<3x80x128xf32, #tpu.memory_space<vmem>> -> memref<1x80x128xf32, #tpu.memory_space<vmem>>
    %dma_wait3A_83 = tpu.memref_squeeze %dma_wait3A_82 : memref<1x80x128xf32, #tpu.memory_space<vmem>> -> memref<80x128xf32, #tpu.memory_space<vmem>>
    tpu.wait_dma2 semaphore(%arg17 : memref<!tpu.dma_semaphore, #tpu.memory_space<semaphore_mem>>) src(%dma_wait3A_83 : memref<80x128xf32, #tpu.memory_space<vmem>>) dst(%dma_wait3A_79 : memref<80x128xf32, #tpu.memory_space<hbm>>)
    %dma_wait3A_84 = arith.constant 2 : i32
    %dma_wait3A_85 = arith.constant 0 : i32
    %dma_wait3A_86 = arith.constant 0 : i32
    %dma_wait3A_87 = tpu.memref_slice %arg8[%dma_wait3A_84, %dma_wait3A_85, %dma_wait3A_86] : memref<3x80x128xf32, #tpu.memory_space<vmem>> -> memref<1x80x128xf32, #tpu.memory_space<vmem>>
    %dma_wait3A_88 = tpu.memref_squeeze %dma_wait3A_87 : memref<1x80x128xf32, #tpu.memory_space<vmem>> -> memref<80x128xf32, #tpu.memory_space<vmem>>
    %dma_wait3A_89 = arith.constant 0 : i32
    %dma_wait3A_90 = tpu.memref_slice %arg5[%mul3A_2, %dma_wait3A_89] : memref<320000x128xf32, #tpu.memory_space<hbm>> -> memref<80x128xf32, #tpu.memory_space<hbm>>
    %dma_wait3A_91 = arith.constant 0 : i32
    %dma_wait3A_92 = tpu.memref_slice %arg5[%mul3A_2, %dma_wait3A_91] : memref<320000x128xf32, #tpu.memory_space<hbm>> -> memref<80x128xf32, #tpu.memory_space<hbm>>
    %dma_wait3A_93 = arith.constant 0 : i32
    %dma_wait3A_94 = arith.constant 0 : i32
    %dma_wait3A_95 = tpu.memref_slice %arg8[%dma_wait3A_84, %dma_wait3A_93, %dma_wait3A_94] : memref<3x80x128xf32, #tpu.memory_space<vmem>> -> memref<1x80x128xf32, #tpu.memory_space<vmem>>
    %dma_wait3A_96 = tpu.memref_squeeze %dma_wait3A_95 : memref<1x80x128xf32, #tpu.memory_space<vmem>> -> memref<80x128xf32, #tpu.memory_space<vmem>>
    tpu.wait_dma2 semaphore(%arg19 : memref<!tpu.dma_semaphore, #tpu.memory_space<semaphore_mem>>) src(%dma_wait3A_96 : memref<80x128xf32, #tpu.memory_space<vmem>>) dst(%dma_wait3A_92 : memref<80x128xf32, #tpu.memory_space<hbm>>)
    return
  }
}

module attributes {stable_mosaic.version = 14 : i64} {
  func.func @_proj_body(%arg0: memref<2x512x128xf32, #tpu.memory_space<vmem>>, %arg1: memref<2x512x128xf32, #tpu.memory_space<vmem>>, %arg2: memref<128x128xf32, #tpu.memory_space<vmem>>, %arg3: memref<1x128xf32, #tpu.memory_space<vmem>>, %arg4: memref<512x128xf32, #tpu.memory_space<vmem>>) attributes {dimension_semantics = [], scalar_prefetch = 0 : i64, scratch_operands = 0 : i64, tpu.core_type = #tpu.core_type<tc>} {
    %get3A = arith.constant 0 : index
    %get3A_0 = arith.constant 0 : index
    %get3A_1 = arith.constant 0 : index
    %get3A_2 = vector.load %arg0[%get3A, %get3A_0, %get3A_1] : memref<2x512x128xf32, #tpu.memory_space<vmem>>, vector<2x512x128xf32>
    %reduce_sum3A = arith.constant dense<0.000000e+00> : vector<512x128xf32>
    %reduce_sum3A_3 = vector.multi_reduction <add>, %get3A_2, %reduce_sum3A [0] : vector<2x512x128xf32> to vector<512x128xf32>
    %get3A_4 = arith.constant 0 : index
    %get3A_5 = arith.constant 0 : index
    %get3A_6 = arith.constant 0 : index
    %get3A_7 = vector.load %arg1[%get3A_4, %get3A_5, %get3A_6] : memref<2x512x128xf32, #tpu.memory_space<vmem>>, vector<2x512x128xf32>
    %reduce_sum3A_8 = arith.constant dense<0.000000e+00> : vector<512x128xf32>
    %reduce_sum3A_9 = vector.multi_reduction <add>, %get3A_7, %reduce_sum3A_8 [0] : vector<2x512x128xf32> to vector<512x128xf32>
    %slice3A = vector.extract_strided_slice %reduce_sum3A_9 {offsets = [0, 0], sizes = [512, 1], strides = [1, 1]} : vector<512x128xf32> to vector<512x1xf32>
    %max3A = arith.constant 1.000000e+00 : f32
    %max3A_10 = vector.broadcast %max3A : f32 to vector<512x1xf32>
    %max3A_11 = arith.maximumf %slice3A, %max3A_10 : vector<512x1xf32>
    %div3A = vector.broadcast %max3A_11 : vector<512x1xf32> to vector<512x128xf32>
    %div3A_12 = arith.divf %reduce_sum3A_3, %div3A : vector<512x128xf32>
    %get3A_13 = arith.constant 0 : index
    %get3A_14 = arith.constant 0 : index
    %get3A_15 = vector.load %arg2[%get3A_13, %get3A_14] : memref<128x128xf32, #tpu.memory_space<vmem>>, vector<128x128xf32>
    %dot_general3A = arith.constant dense<0.000000e+00> : vector<512x128xf32>
    %dot_general3A_16 = tpu.matmul %div3A_12, %get3A_15, %dot_general3A {dimension_numbers = #tpu.dot_dimension_numbers<[1], [1], [0], [0], [0, 0, 1, 0], [], []>, transpose_lhs_hint = false} : vector<512x128xf32>, vector<128x128xf32>, vector<512x128xf32> -> vector<512x128xf32>
    %get3A_17 = arith.constant 0 : index
    %get3A_18 = arith.constant 0 : index
    %get3A_19 = vector.load %arg3[%get3A_17, %get3A_18] : memref<1x128xf32, #tpu.memory_space<vmem>>, vector<1x128xf32>
    %add3A = vector.broadcast %get3A_19 : vector<1x128xf32> to vector<512x128xf32>
    %add3A_20 = arith.addf %dot_general3A_16, %add3A : vector<512x128xf32>
    %swap3A = arith.constant 0 : index
    %swap3A_21 = arith.constant 0 : index
    %swap3A_22 = vector.load %arg4[%swap3A, %swap3A_21] : memref<512x128xf32, #tpu.memory_space<vmem>>, vector<512x128xf32>
    tpu.vector_store %arg4[%swap3A, %swap3A_21], %add3A_20 {strides = array<i32>} : memref<512x128xf32, #tpu.memory_space<vmem>>, vector<512x128xf32>,
    return
  }
}

</mosaic_0001>

<sc_bundles>
// kernel: kernel.5.cloned.1.call-start
scs
__scs_entry_jumppad:
0x0: {  	(pc) =	sbr.rel $0x88, $3  }
0x1: {  	(tag) =	ssettag $0x0;
	lr =	simm.s32 $0x1  }
0x2: {  	[smem:$0x3F9D] =	sst lr;
	_ =	strace $0xD0000000  }
0x3: {  	_ = 	snop  }
0x4: {  	_ = 	snop  }
0x5: {  	_ = 	snop  }
0x6: {  	_ = 	snop  }
0x7: {  	_ = 	snop  }
__scs_overlays_trampoline_lowered:
0x8: {  	[smem:$0x3FAC] =	sst s0  }
0x9: {  	[smem:$0x3FAD] =	sst s1  }
0xa: {  	[smem:$0x3FAE] =	sst s2  }
0xb: {  	[smem:$0x3FAF] =	sst s3  }
0xc: {  	[smem:$0x3FB0] =	sst s4  }
0xd: {  	[smem:$0x3FB1] =	sst s5  }
0xe: {  	[smem:$0x3FB2] =	sst s6  }
0xf: {  	[smem:$0x3FB3] =	sst s7  }
0x10: {  	[smem:$0x3FB4] =	sst s8  }
0x11: {  	[smem:$0x3FB5] =	sst s9;
	s0 =	simm.s32 @!p0 $0x0  }
0x12: {  	s1 =	sld [smem:$0x3F9B];
	s0 =	simm.s32 @p0 $0x1  }
0x13: {  	[smem:$0x3FB6] =	sst s0;
	s0 =	simm.s32 @!p1 $0x0  }
0x14: {  	s2 =	sld [smem:$0x3F9A];
	s0 =	simm.s32 @p1 $0x1  }
0x15: {  	[smem:$0x3FB7] =	sst s0;
	s0 =	simm.s32 @!p2 $0x0  }
0x16: {  	s3 =	sld [smem:$0x3FDB];
	s0 =	simm.s32 @p2 $0x1  }
0x17: {  	s4 =	simm.s32 $0x1BF5;
	[smem:$0x3FB9] =	sst s0  }
0x18: {  	s0 =	sld [smem:$0x3F9C];
	_ =	swait.ge [sflag:s4], $0x0  }
0x19: {  	s7 =	sld [smem:$0x3F9D]  }
0x1a: {  	s8 =	sadd.s32 $0xFFFFE003, lr  }
0x1b: {  	s9 =	sadd.s32 $0xFFFFFEF7, lr;
	s5 =	simm.s32 $0xFFFFFFFF;
	p2 =	slt.u32 s8, $0xFFFFF086  }
0x1c: {  	p1 =	slt.u32 s9, $0xF7A;
	s5 =	simm.s32 @!p2 $0x0  }
0x1d: {  	s5 =	simm.s32 @p1 $0x1;
	p0 =	seq.s32 s7, s2  }
0x1e: {  	s7 =	smul.u32 @!p0 $0xF7A, s2;
	p2 =	seq.s32 @!p0 s5, $0x0  }
0x1f: {  	s9 =	smul.u32 $0xF7A, s1;
	s8 =	simm.s32 @!p0 $0x1BF5;
	p2 =	por !p2, p0  }
0x20: {  	[sflag:s8] =	ssyncset.s32 @!p0 $0xFFFFF086;
	s6 =	sadd.s32 @!p0 s3, s7;
	s7 =	simm.s32 @!p0 $0x108  }
0x21: {  	s3 =	sadd.s32 s3, s9;
	s6 =	sadd.s32 @!p0 $0x88, s6;
	s7 =	simm.s32 @p2 $0x1082  }
0x22: {  	[simem:s7], [sflag:s8] =	dma.local @!p0 [hbm:s6], $0xF7A  }
0x23: {  	s9 =	sor.u32 $0xD0000000, s2;
	s6 =	simm.s32 $0x108;
	_ =	swait.ge @!p0 [sflag:s8], $0x0  }
0x24: {  	s3 =	sadd.s32 $0x88, s3;
	s6 =	simm.s32 @!p1 $0x1082;
	[sflag:s4] =	ssyncset.s32 $0xFFFFF086  }
0x25: {  	[simem:s6], [sflag:s4] =	dma.local [hbm:s3], $0xF7A  }
0x26: {  	[smem:$0x3F9D] =	sst s1;
	(tag) =	ssettag s2;
	_ =	strace s9  }
0x27: {  	s1 =	sld [smem:$0x3FAD]  }
0x28: {  	s2 =	sld [smem:$0x3FAE]  }
0x29: {  	s4 =	sld [smem:$0x3FB0]  }
0x2a: {  	p0 =	seq.s32 s5, $0x0;
	s5 =	sld [smem:$0x3FB1]  }
0x2b: {  	s6 =	sld [smem:$0x3FB2]  }
0x2c: {  	s7 =	sld [smem:$0x3FB3]  }
0x2d: {  	s3 =	simm.s32 $0x108;
	s8 =	sld [smem:$0x3FB4]  }
0x2e: {  	s3 =	simm.s32 @!p0 $0x1082;
	s9 =	sld [smem:$0x3FB5]  }
0x2f: {  	lr =	sadd.s32 s0, s3;
	s0 =	sld [smem:$0x3FAC]  }
0x30: {  	s3 =	sld [smem:$0x3FAF]  }
0x31: {  	[smem:$0x3FB8] =	sst s10  }
0x32: {  	s10 =	sld [smem:$0x3FB6];
	_ =	sdelay $0x3  }
0x33: {  	p0 =	seq.s32 s10, $0x1;
	s10 =	sld [smem:$0x3FB8];
	_ =	sdelay $0x3  }
0x34: {  	[smem:$0x3FB8] =	sst s10  }
0x35: {  	s10 =	sld [smem:$0x3FB7];
	_ =	sdelay $0x3  }
0x36: {  	p1 =	seq.s32 s10, $0x1;
	s10 =	sld [smem:$0x3FB8];
	_ =	sdelay $0x3  }
0x37: {  	[smem:$0x3FB8] =	sst s10  }
0x38: {  	s10 =	sld [smem:$0x3FB9]  }
0x39: {  	_ = 	snop;
	(pc) =	sbr.ind lr, $3  }
0x3a: {  	_ = 	snop  }
0x3b: {  	_ = 	snop  }
0x3c: {  	p2 =	seq.s32 s10, $0x1;
	s10 =	sld [smem:$0x3FB8]  }
0x3d: {  	_ =	shalt  }
0x3e: {  	_ =	shalt  }
0x3f: {  	_ =	shalt  }
0x40: {  	_ =	shalt  }
0x41: {  	_ =	shalt  }
0x42: {  	_ =	shalt  }
0x43: {  	_ =	shalt  }
0x44: {  	_ =	shalt  }
0x45: {  	_ =	shalt  }
0x46: {  	_ =	shalt  }
0x47: {  	_ =	shalt  }
0x48: {  	_ =	shalt  }
0x49: {  	_ =	shalt  }
0x4a: {  	_ =	shalt  }
0x4b: {  	_ =	shalt  }
0x4c: {  	_ =	shalt  }
0x4d: {  	_ =	shalt  }
0x4e: {  	_ =	shalt  }
0x4f: {  	_ =	shalt  }
0x50: {  	_ =	shalt  }
0x51: {  	_ =	shalt  }
0x52: {  	_ =	shalt  }
0x53: {  	_ =	shalt  }
0x54: {  	_ =	shalt  }
0x55: {  	_ =	shalt  }
0x56: {  	_ =	shalt  }
0x57: {  	_ =	shalt  }
0x58: {  	_ =	shalt  }
0x59: {  	_ =	shalt  }
0x5a: {  	_ =	shalt  }
0x5b: {  	_ =	shalt  }
0x5c: {  	_ =	shalt  }
0x5d: {  	_ =	shalt  }
0x5e: {  	_ =	shalt  }
0x5f: {  	_ =	shalt  }
0x60: {  	_ =	shalt  }
0x61: {  	_ =	shalt  }
0x62: {  	_ =	shalt  }
0x63: {  	_ =	shalt  }
0x64: {  	_ =	shalt  }
0x65: {  	_ =	shalt  }
0x66: {  	_ =	shalt  }
0x67: {  	_ =	shalt  }
0x68: {  	_ =	shalt  }
0x69: {  	_ =	shalt  }
0x6a: {  	_ =	shalt  }
0x6b: {  	_ =	shalt  }
0x6c: {  	_ =	shalt  }
0x6d: {  	_ =	shalt  }
0x6e: {  	_ =	shalt  }
0x6f: {  	_ =	shalt  }
0x70: {  	_ =	shalt  }
0x71: {  	_ =	shalt  }
0x72: {  	_ =	shalt  }
0x73: {  	_ =	shalt  }
0x74: {  	_ =	shalt  }
0x75: {  	_ =	shalt  }
0x76: {  	_ =	shalt  }
0x77: {  	_ =	shalt  }
0x78: {  	_ =	shalt  }
0x79: {  	_ =	shalt  }
0x7a: {  	_ =	shalt  }
0x7b: {  	_ =	shalt  }
0x7c: {  	_ =	shalt  }
0x7d: {  	_ =	shalt  }
0x7e: {  	_ =	shalt  }
0x7f: {  	_ =	shalt  }
0x80: {  	_ =	shalt  }
0x81: {  	_ =	shalt  }
0x82: {  	_ =	shalt  }
0x83: {  	_ =	shalt  }
0x84: {  	_ =	shalt  }
0x85: {  	_ =	shalt  }
0x86: {  	_ =	shalt  }
0x87: {  	_ =	shalt  }
.Lfunc_end0:
.L_simem_size_0:
called_computation_lowered:
.L_overlay_start_0:
0x88: {  	s2 =	sld [smem:$0x3FD9]  }
0x89: {  	s3 =	sld [smem:$0x3FFE];
	_ =	sdelay $0x1  }
0x8a: {  	s1 =	srdreg.scid  }
0x8b: {  	s0 =	sand.u32 $0x1, s1  }
0x8c: {  	s14 =	sshll.u32 s0, $0xA;
	s2 =	sadd.s32 s3, s2  }
0x8d: {  	s2 =	sadd.s32 s2, s14  }
0x8e: {  	[smem:$0x3FC4] =	sst s2  }
0x8f: {  	_ = 	snop  }
0x90: {  	s2 =	sld [smem:$0x3FD0];
	_ =	sdelay $0x1  }
0x91: {  	s15 =	sld [smem:$0x3FC9]  }
0x92: {  	s5 =	simm.s32 $0xA;
	s6 =	simm.s32 $0x10;
	s4 =	sld [smem:$0x3FC8]  }
0x93: {  	[smem:s6], [sflag:s5] =	dma.local [hbm:s2], $0x1  }
0x94: {  	_ =	swait.eq [sflag:s5], $0x1  }
0x95: {  	[sflag:s5] =	ssyncset.done $0x0  }
0x96: {  	s16 =	sld [smem:$0x10];
	[sflag:s5] =	ssyncadd.s32 $0xFFFFFFFF  }
0x97: {  	s17 =	sld [smem:$0x11];
	(tm) =	ssettm $0x1  }
0x98: {  	s18 =	sld [smem:$0x3FFB];
	_ =	sdelay $0x3  }
0x99: {  	_ =	strace s18  }
0x9a: {  	s6 =	sld [smem:$0x3FFC];
	_ =	sdelay $0x3  }
0x9b: {  	_ =	strace s6  }
0x9c: {  	s6 =	sld [smem:$0x3FFD];
	_ =	sdelay $0x3  }
0x9d: {  	_ =	strace s6  }
0x9e: {  	_ =	strace $0x8FFFFFFF  }
0x9f: {  	s19 =	sld [smem:$0x3FDB];
	_ =	sdelay $0x1  }
0xa0: {  	s7 =	simm.s32 $_scs_section_size  }
0xa1: {  	s8 =	simm.s32 $_size__tile_overlayer_lowered;
	s9 =	simm.s32 $_tile_overlayer_lowered  }
0xa2: {  	s22 =	simm.s32 $0x1BFF;
	s21 =	sshll.u32 s9, $0x1;
	s6 =	sadd.s32 s7, s19  }
0xa3: {  	s10 =	simm.s32 $0x0;
	s20 =	sshll.u32 s8, $0x1;
	s8 =	sadd.s32 s21, s6  }
0xa4: {  	[timem:s10], [sflag:s22] =	dma.local [hbm:s8], s20  }
0xa5: {  	_ =	swait.ge [sflag:s22], s20  }
0xa6: {  	s7 =	ssub.s32 $0x0, s20;
	[sflag:s22] =	ssyncset.done $0x0  }
0xa7: {  	[sflag:s22] =	ssyncadd.s32 s7;
	_ =	sdelay $0x1  }
0xa8: {  	s23 =	simm.s32 $0x1B8B  }
0xa9: {  	_ =	swait.ge [sflag:s23], $0x1  }
0xaa: {  	[sflag:s23] =	ssyncset.done $0x0  }
0xab: {  	s25 =	simm.s32 $0x1B8E;
	s24 =	sld [smem:$0x3FFE];
	[sflag:s23] =	ssyncadd.s32 $0xFFFFFFFF  }
0xac: {  	s26 =	simm.s32 $execute0_lowered;
	[smem:$0x3FD2] =	sst s25  }
0xad: {  	s8 =	sshll.u32 s26, $0x1;
	_ =	strace $0x80000046;
	[dreg:$0x1] =	wrdreg $0xFFFFFFFF  }
0xae: {  	s28 =	simm.s32 $_size_execute0_lowered;
	s6 =	sadd.s32 s6, s8;
	[dreg:$0x0] =	wrdreg $0x0  }
0xaf: {  	s8 =	sshll.u32 s28, $0x1;
	[dreg:$0x2] =	wrdreg s6  }
0xb0: {  	[dreg:$0x3] =	wrdreg s8  }
0xb1: {  	[dreg:$0x4] =	wrdreg $0xC0  }
0xb2: {  	_ =	task [dreg:s10], $0x5FFFF  }
0xb3: {  	[dreg:$0x1] =	wrdreg $0xFFFFFFFF  }
0xb4: {  	[dreg:$0x0] =	wrdreg $0x60  }
0xb5: {  	[dreg:$0x2] =	wrdreg s15  }
0xb6: {  	[dreg:$0x3] =	wrdreg s4  }
0xb7: {  	[dreg:$0x4] =	wrdreg s17  }
0xb8: {  	[dreg:$0x5] =	wrdreg s24  }
0xb9: {  	[dreg:$0x6] =	wrdreg s16  }
0xba: {  	[dreg:$0x7] =	wrdreg $0x79000  }
0xbb: {  	[dreg:$0x8] =	wrdreg $0x89000  }
0xbc: {  	[dreg:$0x9] =	wrdreg $0x9  }
0xbd: {  	_ =	task.clear_ibuf [dreg:s10], $0xAFFFF;
	_ =	strace $0x90000046  }
0xbe: {  	s29 =	simm.s32 $0x9;
	_ =	strace $0x80000048  }
0xbf: {  	_ =	swait.ge [sflag:s29], $0x1  }
0xc0: {  	[sflag:s29] =	ssyncadd.s32 $0xFFFFFFFF  }
0xc1: {  	_ =	strace $0x90000048  }
0xc2: {  	_ =	sfence  }
0xc3: {  	s30 =	sld [smem:$0x0];
	_ =	sdelay $0x2  }
0xc4: {  	s31 =	sshll.u32 s1, $0xD;
	s1 =	sshrl.u32 s1, $0x2  }
0xc5: {  	s3 =	sand.u32 $0x4000, s31;
	s1 =	sadd.s32 s1, s30  }
0xc6: {  	s0 =	sor.u32 s3, s0;
	s1 =	sshll.u32 s1, $0x11  }
0xc7: {  	s0 =	sor.u32 s1, s0  }
0xc8: {  	s0 =	sadd.s32 $0x8F2B, s0  }
0xc9: {  	[sflag:s0] =	ssyncadd.remote.s32 $0x1  }
0xca: {  	_ =	sfence.sel $0xFFFF  }
0xcb: {  	[dreg:$0x0] =	wrdreg $0xFFFFFFFF;
	(pc) =	sbr.abs _section_cstart, $3  }
0xcc: {  	[dreg:$0x1] =	wrdreg $0xFFFFFFFF  }
0xcd: {  	_ =	task.clear_ibuf [dreg:s10], $0x2FFFF;
	_ =	strace $0x9FFFFFFF  }
0xce: {  	(tm) =	ssettm $0x7FFFFFFF  }
0xcf: {  	_ =	shalt  }
tec
execute0_lowered:
.L_overlay_start_1:
0x0: {  	(tag) =	ssettag $0x1  }
0x1: {  	s0 =	rddreg [dreg:$0x0]  }
0x2: {  	s1 =	rddreg [dreg:$0x1]  }
0x3: {  	s5 =	rddreg [dreg:$0x3]  }
0x4: {  	s6 =	rddreg [dreg:$0x4]  }
0x5: {  	s2 =	rddreg [dreg:$0x5]  }
0x6: {  	s3 =	rddreg [dreg:$0x6];
	s4 =	simm.s32 $0x0  }
0x7: {  	s7 =	srdreg.scid;
	s13 =	stileid.u32;
	s19 =	simm.s32 $0x5000  }
0x8: {  	s28 =	simm.s32 $0x5;
	s29 =	simm.s32 $0x7;
	s30 =	simm.s32 $0x4  }
0x9: {  	s31 =	simm.s32 $0x2;
	[smem:$0x7FF] =	sst s4;
	s11 =	sand.u32 $0x1, s7  }
0xa: {  	s20 =	sshll.u32 s13, $0x1;
	s8 =	sadd.s32 $0x1400, s5;
	s14 =	smul.u32 $0x4E20, s13  }
0xb: {  	s24 =	smul.u32 $0x4E200, s13;
	p0 =	sne.s32 s13, $0x0;
	_ =	strace $0x80000047  }
0xc: {  	s7 =	sor.u32 s11, s20;
	[dreg:$0x8] =	wrdreg s8;
	s23 =	smul.u32 $0x2710, s11  }
0xd: {  	s21 =	ssub.s32 $0x2, s11;
	s10 =	sshll.u32 s11, $0xD;
	s16 =	smul.u32 $0x27100, s11  }
0xe: {  	s17 =	sshrl.u32 @!p0 s2, $0x3;
	s18 =	sshrl.u32 @!p0 s3, $0x3;
	s9 =	smul.u32 $0x2710, s7  }
0xf: {  	s20 =	simm.s32 $0x5080;
	s12 =	sshrl.u32 s21, $0x1;
	s7 =	smul.u32 $0x27100, s7  }
0x10: {  	s5 =	sadd.s32 s10, s5;
	s6 =	sadd.s32 s6, s10;
	s12 =	ssub.s32 s21, s12  }
0x11: {  	[dreg:$0xb] =	wrdreg s6;
	s5 =	sadd.s32 $0x1A00, s5;
	s6 =	sadd.s32 s23, s14  }
0x12: {  	s21 =	simm.s32 $0x2800;
	s23 =	simm.s32 $0x50;
	s22 =	sshrl.u32 s9, $0x3  }
0x13: {  	s7 =	sadd.s32 s0, s7;
	s15 =	sadd.s32 $0x50, s9;
	[dreg:$0xc] =	wrdreg s5  }
0x14: {  	s10 =	smax.u32 s12, $0x1;
	s5 =	sadd.s32 s24, s0;
	s6 =	sadd.s32 $0xA0, s6  }
0x15: {  	s24 =	simm.s32 $0x6;
	s8 =	sadd.s32 s1, s22;
	[dreg:$0xa] =	wrdreg s7  }
0x16: {  	s25 =	sshrl.u32 s15, $0x3;
	s26 =	sshll.u32 s15, $0x4;
	s5 =	sadd.s32 s16, s5  }
0x17: {  	s6 =	sshrl.u32 s6, $0x3;
	s15 =	simm.s32 $0x5100;
	s16 =	simm.s32 $0x9  }
0x18: {  	s22 =	simm.s32 $0x3;
	[dreg:$0x9] =	wrdreg s8;
	s11 =	sadd.s32 s1, s25  }
0x19: {  	s12 =	sadd.s32 s0, s26;
	s5 =	sadd.s32 $0xA00, s5;
	s1 =	sadd.s32 s6, s1  }
0x1a: {  	s25 =	simm.s32 $0x8;
	s26 =	simm.s32 $0x1;
	s0 =	simm.s32 $0x0  }
.LBB2_1:
0x1b: {  	s6 =	rddreg [dreg:$0x8]  }
0x1c: {  	[tilespmem:s15], [sflag:$0x9] =	stream.linear.gather [hbm4b:s6+s4], $0x2800, $0x38;
	[tilespmem:$0x9900] =	vst v63  }
0x1d: {  	_ =	swait.ge [sflag:s16], $0x2800  }
0x1e: {  	[sflag:s16] =	ssyncset.done $0x0  }
0x1f: {  	[sflag:s16] =	ssyncadd.s32 $0xFFFFD800  }
0x20: {  	s13 =	simm.s32 @!p0 $0x9;
	s6 =	simm.s32 @!p0 $0x1C09;
	s7 =	rddreg [dreg:$0x2]  }
0x21: {  	[spmem:s17], [sflag:s6] =	dma.local @!p0 [hbm:s7], $0x2000  }
0x22: {  	_ =	swait.ge @!p0 [sflag:s13], $0x2000  }
0x23: {  	[sflag:s13] =	ssyncset.done @!p0 $0x0  }
0x24: {  	[sflag:s13] =	ssyncadd.s32 @!p0 $0xFFFFE000  }
0x25: {  	[spmem:s18], [sflag:s6] =	dma.local @!p0 [hbm:s7], $0x2000  }
0x26: {  	_ =	swait.ge @!p0 [sflag:s13], $0x2000  }
0x27: {  	[sflag:s13] =	ssyncset.done @!p0 $0x0  }
0x28: {  	[sflag:s13] =	ssyncadd.s32 @!p0 $0xFFFFE000  }
0x29: {  	[bflag:$0x0] =	sbarrier.arrive $0xFFFF  }
0x2a: {  	s13 =	rddreg [dreg:$0x9]  }
0x2b: {  	[tilespmem:s19], [sflag:$0x3] =	stream.linear.gather [hbm4b:s13+s4], $0x50, $0x38;
	[tilespmem:$0x9900] =	vst v63  }
0x2c: {  	s14 =	rddreg [dreg:$0xa]  }
0x2d: {  	[tilespmem:s4], [sflag:$0x1] =	stream.linear.gather [hbm4b:s14+s4], $0x2800, $0x38;
	[tilespmem:$0x9900] =	vst v63  }
0x2e: {  	_ = 	snop  }
0x2f: {  	[tilespmem:s20], [sflag:$0x4] =	stream.linear.gather [hbm4b:s11+s4], $0x50, $0x38;
	[tilespmem:$0x9900] =	vst v63  }
0x30: {  	_ = 	snop  }
0x31: {  	[tilespmem:s21], [sflag:$0x2] =	stream.linear.gather [hbm4b:s12+s4], $0x2800, $0x38;
	[tilespmem:$0x9900] =	vst v63  }
0x32: {  	_ =	swait.ge [sflag:s22], $0x50  }
0x33: {  	[sflag:s22] =	ssyncset.done $0x0  }
0x34: {  	[sflag:s22] =	ssyncadd.s32 $0xFFFFFFB0  }
0x35: {  	_ =	swait.ge [sflag:s26], $0x2800  }
0x36: {  	[sflag:s26] =	ssyncset.done $0x0  }
0x37: {  	[sflag:s26] =	ssyncadd.s32 $0xFFFFD800  }
0x38: {  	[spmem:s2] =	stream.indirect.scatter.add.f32 [tilespmem:s4], [sflag:$0x5], $0x80, s19, s23, $0xb8;
	[tilespmem:$0x9900] =	vst v63  }
0x39: {  	s6 =	simm.s32 $0x1;
	s13 =	smov.u32 s5;
	s14 =	smov.u32 s1  }
0x3a: {  	[spmem:s3] =	stream.indirect.scatter.add.f32 [tilespmem:s15], [sflag:$0x7], $0x80, s19, s23, $0xb8;
	[tilespmem:$0x9900] =	vst v63  }
.LBB2_2:
0x3b: {  	s7 =	sand.u32 $0x1, s6  }
0x3c: {  	p1 =	seq.s32 s7, $0x1  }
0x3d: {  	s7 =	simm.s32 @!p1 $0x6  }
0x3e: {  	_ =	swait.ge @!p1 [sflag:s7], $0x2800  }
0x3f: {  	[sflag:s7] =	ssyncset.done @!p1 $0x0  }
0x40: {  	[sflag:s7] =	ssyncadd.s32 @!p1 $0xFFFFD800;
	s7 =	simm.s32 @!p1 $0x8  }
0x41: {  	_ =	swait.ge @!p1 [sflag:s7], $0x2800  }
0x42: {  	[sflag:s7] =	ssyncset.done @!p1 $0x0  }
0x43: {  	s8 =	simm.s32 @!p1 $0x5080;
	[sflag:s7] =	ssyncadd.s32 @!p1 $0xFFFFD800;
	s7 =	simm.s32 @!p1 $0x0  }
0x44: {  	[tilespmem:s8], [sflag:$0x4] =	stream.linear.gather @!p1 [hbm4b:s14+s7], $0x50, $0x38;
	[tilespmem:$0x9900] =	vst v63  }
0x45: {  	s8 =	simm.s32 @!p1 $0x2800  }
0x46: {  	[tilespmem:s8], [sflag:$0x2] =	stream.linear.gather @!p1 [hbm4b:s13+s7], $0x2800, $0x38;
	[tilespmem:$0x9900] =	vst v63  }
0x47: {  	s8 =	simm.s32 @!p1 $0x3  }
0x48: {  	_ =	swait.ge @!p1 [sflag:s8], $0x50  }
0x49: {  	[sflag:s8] =	ssyncset.done @!p1 $0x0  }
0x4a: {  	[sflag:s8] =	ssyncadd.s32 @!p1 $0xFFFFFFB0;
	s8 =	simm.s32 @!p1 $0x1  }
0x4b: {  	_ =	swait.ge @!p1 [sflag:s8], $0x2800  }
0x4c: {  	[sflag:s8] =	ssyncset.done @!p1 $0x0  }
0x4d: {  	s9 =	simm.s32 @!p1 $0x5000;
	[sflag:s8] =	ssyncadd.s32 @!p1 $0xFFFFD800;
	s8 =	simm.s32 @!p1 $0x50  }
0x4e: {  	[spmem:s2] =	stream.indirect.scatter.add.f32 @!p1 [tilespmem:s7], [sflag:$0x5], $0x80, s9, s8, $0xb8;
	[tilespmem:$0x9900] =	vst v63  }
0x4f: {  	s7 =	simm.s32 @!p1 $0x5100  }
0x50: {  	[spmem:s3] =	stream.indirect.scatter.add.f32 @!p1 [tilespmem:s7], [sflag:$0x7], $0x80, s9, s8, $0xb8;
	[tilespmem:$0x9900] =	vst v63  }
0x51: {  	s7 =	sand.u32 @!p1 $0x1, s6  }
0x52: {  	p2 =	seq.s32 @!p1 s7, $0x0  }
0x53: {  	p1 =	por p1, !p2  }
0x54: {  	_ =	swait.ge @p1 [sflag:s28], $0x2800  }
0x55: {  	[sflag:s28] =	ssyncset.done @p1 $0x0  }
0x56: {  	[sflag:s28] =	ssyncadd.s32 @p1 $0xFFFFD800  }
0x57: {  	_ =	swait.ge @p1 [sflag:s29], $0x2800  }
0x58: {  	[sflag:s29] =	ssyncset.done @p1 $0x0  }
0x59: {  	[sflag:s29] =	ssyncadd.s32 @p1 $0xFFFFD800  }
0x5a: {  	[tilespmem:s19], [sflag:$0x3] =	stream.linear.gather @p1 [hbm4b:s14+s4], $0x50, $0x38;
	[tilespmem:$0x9900] =	vst v63  }
0x5b: {  	_ = 	snop  }
0x5c: {  	[tilespmem:s4], [sflag:$0x1] =	stream.linear.gather @p1 [hbm4b:s13+s4], $0x2800, $0x38;
	[tilespmem:$0x9900] =	vst v63  }
0x5d: {  	_ =	swait.ge @p1 [sflag:s30], $0x50  }
0x5e: {  	[sflag:s30] =	ssyncset.done @p1 $0x0  }
0x5f: {  	[sflag:s30] =	ssyncadd.s32 @p1 $0xFFFFFFB0  }
0x60: {  	_ =	swait.ge @p1 [sflag:s31], $0x2800  }
0x61: {  	[sflag:s31] =	ssyncset.done @p1 $0x0  }
0x62: {  	[sflag:s31] =	ssyncadd.s32 @p1 $0xFFFFD800  }
0x63: {  	[spmem:s2] =	stream.indirect.scatter.add.f32 @p1 [tilespmem:s21], [sflag:$0x6], $0x80, s20, s23, $0xb8;
	[tilespmem:$0x9900] =	vst v63  }
0x64: {  	s6 =	sadd.s32 $0x1, s6  }
0x65: {  	[spmem:s3] =	stream.indirect.scatter.add.f32 @p1 [tilespmem:s15], [sflag:$0x8], $0x80, s20, s23, $0xb8;
	[tilespmem:$0x9900] =	vst v63  }
0x66: {  	p1 =	sne.s32 s6, $0x7C  }
.Ltmp0:
0x67: {  	_ = 	snop;
	(pc) =	sbr.rel @p1 .LBB2_2-.Ltmp0, $2  }
0x68: {  	_ =	sdelay $0x2  }
0x69: {  	s14 =	sadd.s32 $0xA, s14;
	s13 =	sadd.s32 $0x500, s13  }
0x6a: {  	_ =	swait.ge [sflag:s24], $0x2800  }
0x6b: {  	[sflag:s24] =	ssyncset.done $0x0  }
0x6c: {  	[sflag:s24] =	ssyncadd.s32 $0xFFFFD800  }
0x6d: {  	_ =	swait.ge [sflag:s25], $0x2800  }
0x6e: {  	[sflag:s25] =	ssyncset.done $0x0  }
0x6f: {  	[sflag:s25] =	ssyncadd.s32 $0xFFFFD800  }
0x70: {  	_ =	swait.ge [sflag:s22], $0x50  }
0x71: {  	[sflag:s22] =	ssyncset.done $0x0  }
0x72: {  	[sflag:s22] =	ssyncadd.s32 $0xFFFFFFB0  }
0x73: {  	_ =	swait.ge [sflag:s26], $0x2800  }
0x74: {  	[sflag:s26] =	ssyncset.done $0x0  }
0x75: {  	[sflag:s26] =	ssyncadd.s32 $0xFFFFD800  }
0x76: {  	[spmem:s2] =	stream.indirect.scatter.add.f32 [tilespmem:s4], [sflag:$0x5], $0x80, s19, s23, $0xb8;
	[tilespmem:$0x9900] =	vst v63  }
0x77: {  	_ = 	snop  }
0x78: {  	[spmem:s3] =	stream.indirect.scatter.add.f32 [tilespmem:s15], [sflag:$0x7], $0x80, s19, s23, $0xb8;
	[tilespmem:$0x9900] =	vst v63  }
0x79: {  	_ =	swait.ge [sflag:s28], $0x2800  }
0x7a: {  	[sflag:s28] =	ssyncset.done $0x0  }
0x7b: {  	[sflag:s28] =	ssyncadd.s32 $0xFFFFD800  }
0x7c: {  	_ =	swait.ge [sflag:s29], $0x2800  }
0x7d: {  	[sflag:s29] =	ssyncset.done $0x0  }
0x7e: {  	[sflag:s29] =	ssyncadd.s32 $0xFFFFD800  }
0x7f: {  	[bflag:$0x0] =	sbarrier.arrive $0xFFFF  }
0x80: {  	s6 =	simm.s32 @!p0 $0x1C09;
	s7 =	rddreg [dreg:$0xb]  }
0x81: {  	[hbm:s7], [sflag:s6] =	dma.local @!p0 [spmem:s17], $0x2000  }
0x82: {  	s7 =	simm.s32 @!p0 $0x9  }
0x83: {  	s0 =	sadd.s32 $0x1, s0;
	_ =	swait.ge @!p0 [sflag:s7], $0x2000  }
0x84: {  	p1 =	sne.s32 s0, s10;
	[sflag:s7] =	ssyncset.done @!p0 $0x0  }
.Ltmp1:
0x85: {  	s8 =	rddreg [dreg:$0xc];
	[sflag:s7] =	ssyncadd.s32 @!p0 $0xFFFFE000;
	(pc) =	sbr.rel @p1 .LBB2_1-.Ltmp1, $4  }
0x86: {  	[hbm:s8], [sflag:s6] =	dma.local @!p0 [spmem:s18], $0x2000  }
0x87: {  	_ =	swait.ge @!p0 [sflag:s7], $0x2000  }
0x88: {  	[sflag:s7] =	ssyncset.done @!p0 $0x0  }
0x89: {  	[sflag:s7] =	ssyncadd.s32 @!p0 $0xFFFFE000  }
0x8a: {  	_ =	sfence.sel $0x180000  }
0x8b: {  	[bflag:$0x0] =	sbarrier.arrive $0xFFFF  }
0x8c: {  	_ =	strace $0x90000047  }
0x8d: {  	[bflag:$0x2] =	sbarrier.arrive $0xFFFF  }
0x8e: {  	s0 =	rddreg [dreg:$0x7]  }
0x8f: {  	s0 =	sadd.s32 @!p0 $0x100000, s0  }
0x90: {  	[sflag:s0] =	ssyncadd.tile.s32 @!p0 $0x1;
	_ =	shalt  }
.Lfunc_end2:
_tile_overlayer_lowered:
.L_overlay_start_2:
0x91: {  	(tag) =	ssettag $0x2  }
0x92: {  	s0 =	rddreg [dreg:$0x0];
	s2 =	stileid.u32  }
0x93: {  	s1 =	rddreg [dreg:$0x1];
	p0 =	sne.s32 s2, $0x0  }
0x94: {  	s3 =	rddreg [dreg:$0x2];
	[bflag:$0x3] =	sbarrier.arrive $0xFFFF;
	s2 =	simm.s32 @!p0 $0x1C09  }
0x95: {  	[timem:s3], [sflag:s2] =	dma.local @!p0 [hbm:s0], s1  }
0x96: {  	s0 =	simm.s32 @!p0 $0x9  }
0x97: {  	_ =	swait.ge @!p0 [sflag:s0], s1  }
0x98: {  	s1 =	ssub.s32 @!p0 $0x0, s1;
	[sflag:s0] =	ssyncset.done @!p0 $0x0  }
0x99: {  	[sflag:s0] =	ssyncadd.s32 @!p0 s1  }
0x9a: {  	[bflag:$0x3] =	sbarrier.arrive $0xFFFF  }
0x9b: {  	_ =	shalt  }

// kernel: kernel.8.cloned.1.call-start
scs
__scs_entry_jumppad:
0x0: {  	(pc) =	sbr.rel $0x88, $3  }
0x1: {  	(tag) =	ssettag $0x0;
	lr =	simm.s32 $0x1  }
0x2: {  	[smem:$0x3F9D] =	sst lr;
	_ =	strace $0xD0000000  }
0x3: {  	_ = 	snop  }
0x4: {  	_ = 	snop  }
0x5: {  	_ = 	snop  }
0x6: {  	_ = 	snop  }
0x7: {  	_ = 	snop  }
__scs_overlays_trampoline_lowered:
0x8: {  	[smem:$0x3FAC] =	sst s0  }
0x9: {  	[smem:$0x3FAD] =	sst s1  }
0xa: {  	[smem:$0x3FAE] =	sst s2  }
0xb: {  	[smem:$0x3FAF] =	sst s3  }
0xc: {  	[smem:$0x3FB0] =	sst s4  }
0xd: {  	[smem:$0x3FB1] =	sst s5  }
0xe: {  	[smem:$0x3FB2] =	sst s6  }
0xf: {  	[smem:$0x3FB3] =	sst s7  }
0x10: {  	[smem:$0x3FB4] =	sst s8  }
0x11: {  	[smem:$0x3FB5] =	sst s9;
	s0 =	simm.s32 @!p0 $0x0  }
0x12: {  	s1 =	sld [smem:$0x3F9B];
	s0 =	simm.s32 @p0 $0x1  }
0x13: {  	[smem:$0x3FB6] =	sst s0;
	s0 =	simm.s32 @!p1 $0x0  }
0x14: {  	s2 =	sld [smem:$0x3F9A];
	s0 =	simm.s32 @p1 $0x1  }
0x15: {  	[smem:$0x3FB7] =	sst s0;
	s0 =	simm.s32 @!p2 $0x0  }
0x16: {  	s3 =	sld [smem:$0x3FDB];
	s0 =	simm.s32 @p2 $0x1  }
0x17: {  	s4 =	simm.s32 $0x1BF5;
	[smem:$0x3FB9] =	sst s0  }
0x18: {  	s0 =	sld [smem:$0x3F9C];
	_ =	swait.ge [sflag:s4], $0x0  }
0x19: {  	s7 =	sld [smem:$0x3F9D]  }
0x1a: {  	s8 =	sadd.s32 $0xFFFFE003, lr  }
0x1b: {  	s9 =	sadd.s32 $0xFFFFFEF7, lr;
	s5 =	simm.s32 $0xFFFFFFFF;
	p2 =	slt.u32 s8, $0xFFFFF086  }
0x1c: {  	p1 =	slt.u32 s9, $0xF7A;
	s5 =	simm.s32 @!p2 $0x0  }
0x1d: {  	s5 =	simm.s32 @p1 $0x1;
	p0 =	seq.s32 s7, s2  }
0x1e: {  	s7 =	smul.u32 @!p0 $0xF7A, s2;
	p2 =	seq.s32 @!p0 s5, $0x0  }
0x1f: {  	s9 =	smul.u32 $0xF7A, s1;
	s8 =	simm.s32 @!p0 $0x1BF5;
	p2 =	por !p2, p0  }
0x20: {  	[sflag:s8] =	ssyncset.s32 @!p0 $0xFFFFF086;
	s6 =	sadd.s32 @!p0 s3, s7;
	s7 =	simm.s32 @!p0 $0x108  }
0x21: {  	s3 =	sadd.s32 s3, s9;
	s6 =	sadd.s32 @!p0 $0x88, s6;
	s7 =	simm.s32 @p2 $0x1082  }
0x22: {  	[simem:s7], [sflag:s8] =	dma.local @!p0 [hbm:s6], $0xF7A  }
0x23: {  	s9 =	sor.u32 $0xD0000000, s2;
	s6 =	simm.s32 $0x108;
	_ =	swait.ge @!p0 [sflag:s8], $0x0  }
0x24: {  	s3 =	sadd.s32 $0x88, s3;
	s6 =	simm.s32 @!p1 $0x1082;
	[sflag:s4] =	ssyncset.s32 $0xFFFFF086  }
0x25: {  	[simem:s6], [sflag:s4] =	dma.local [hbm:s3], $0xF7A  }
0x26: {  	[smem:$0x3F9D] =	sst s1;
	(tag) =	ssettag s2;
	_ =	strace s9  }
0x27: {  	s1 =	sld [smem:$0x3FAD]  }
0x28: {  	s2 =	sld [smem:$0x3FAE]  }
0x29: {  	s4 =	sld [smem:$0x3FB0]  }
0x2a: {  	p0 =	seq.s32 s5, $0x0;
	s5 =	sld [smem:$0x3FB1]  }
0x2b: {  	s6 =	sld [smem:$0x3FB2]  }
0x2c: {  	s7 =	sld [smem:$0x3FB3]  }
0x2d: {  	s3 =	simm.s32 $0x108;
	s8 =	sld [smem:$0x3FB4]  }
0x2e: {  	s3 =	simm.s32 @!p0 $0x1082;
	s9 =	sld [smem:$0x3FB5]  }
0x2f: {  	lr =	sadd.s32 s0, s3;
	s0 =	sld [smem:$0x3FAC]  }
0x30: {  	s3 =	sld [smem:$0x3FAF]  }
0x31: {  	[smem:$0x3FB8] =	sst s10  }
0x32: {  	s10 =	sld [smem:$0x3FB6];
	_ =	sdelay $0x3  }
0x33: {  	p0 =	seq.s32 s10, $0x1;
	s10 =	sld [smem:$0x3FB8];
	_ =	sdelay $0x3  }
0x34: {  	[smem:$0x3FB8] =	sst s10  }
0x35: {  	s10 =	sld [smem:$0x3FB7];
	_ =	sdelay $0x3  }
0x36: {  	p1 =	seq.s32 s10, $0x1;
	s10 =	sld [smem:$0x3FB8];
	_ =	sdelay $0x3  }
0x37: {  	[smem:$0x3FB8] =	sst s10  }
0x38: {  	s10 =	sld [smem:$0x3FB9]  }
0x39: {  	_ = 	snop;
	(pc) =	sbr.ind lr, $3  }
0x3a: {  	_ = 	snop  }
0x3b: {  	_ = 	snop  }
0x3c: {  	p2 =	seq.s32 s10, $0x1;
	s10 =	sld [smem:$0x3FB8]  }
0x3d: {  	_ =	shalt  }
0x3e: {  	_ =	shalt  }
0x3f: {  	_ =	shalt  }
0x40: {  	_ =	shalt  }
0x41: {  	_ =	shalt  }
0x42: {  	_ =	shalt  }
0x43: {  	_ =	shalt  }
0x44: {  	_ =	shalt  }
0x45: {  	_ =	shalt  }
0x46: {  	_ =	shalt  }
0x47: {  	_ =	shalt  }
0x48: {  	_ =	shalt  }
0x49: {  	_ =	shalt  }
0x4a: {  	_ =	shalt  }
0x4b: {  	_ =	shalt  }
0x4c: {  	_ =	shalt  }
0x4d: {  	_ =	shalt  }
0x4e: {  	_ =	shalt  }
0x4f: {  	_ =	shalt  }
0x50: {  	_ =	shalt  }
0x51: {  	_ =	shalt  }
0x52: {  	_ =	shalt  }
0x53: {  	_ =	shalt  }
0x54: {  	_ =	shalt  }
0x55: {  	_ =	shalt  }
0x56: {  	_ =	shalt  }
0x57: {  	_ =	shalt  }
0x58: {  	_ =	shalt  }
0x59: {  	_ =	shalt  }
0x5a: {  	_ =	shalt  }
0x5b: {  	_ =	shalt  }
0x5c: {  	_ =	shalt  }
0x5d: {  	_ =	shalt  }
0x5e: {  	_ =	shalt  }
0x5f: {  	_ =	shalt  }
0x60: {  	_ =	shalt  }
0x61: {  	_ =	shalt  }
0x62: {  	_ =	shalt  }
0x63: {  	_ =	shalt  }
0x64: {  	_ =	shalt  }
0x65: {  	_ =	shalt  }
0x66: {  	_ =	shalt  }
0x67: {  	_ =	shalt  }
0x68: {  	_ =	shalt  }
0x69: {  	_ =	shalt  }
0x6a: {  	_ =	shalt  }
0x6b: {  	_ =	shalt  }
0x6c: {  	_ =	shalt  }
0x6d: {  	_ =	shalt  }
0x6e: {  	_ =	shalt  }
0x6f: {  	_ =	shalt  }
0x70: {  	_ =	shalt  }
0x71: {  	_ =	shalt  }
0x72: {  	_ =	shalt  }
0x73: {  	_ =	shalt  }
0x74: {  	_ =	shalt  }
0x75: {  	_ =	shalt  }
0x76: {  	_ =	shalt  }
0x77: {  	_ =	shalt  }
0x78: {  	_ =	shalt  }
0x79: {  	_ =	shalt  }
0x7a: {  	_ =	shalt  }
0x7b: {  	_ =	shalt  }
0x7c: {  	_ =	shalt  }
0x7d: {  	_ =	shalt  }
0x7e: {  	_ =	shalt  }
0x7f: {  	_ =	shalt  }
0x80: {  	_ =	shalt  }
0x81: {  	_ =	shalt  }
0x82: {  	_ =	shalt  }
0x83: {  	_ =	shalt  }
0x84: {  	_ =	shalt  }
0x85: {  	_ =	shalt  }
0x86: {  	_ =	shalt  }
0x87: {  	_ =	shalt  }
.Lfunc_end0:
.L_simem_size_0:
called_computation.1_lowered:
.L_overlay_start_0:
0x88: {  	s2 =	sld [smem:$0x3FD9]  }
0x89: {  	s3 =	sld [smem:$0x3FFE];
	_ =	sdelay $0x1  }
0x8a: {  	s1 =	srdreg.scid  }
0x8b: {  	s0 =	sand.u32 $0x1, s1  }
0x8c: {  	s15 =	sshll.u32 s0, $0xA;
	s2 =	sadd.s32 s3, s2  }
0x8d: {  	s2 =	sadd.s32 s2, s15  }
0x8e: {  	[smem:$0x3FC4] =	sst s2  }
0x8f: {  	_ = 	snop  }
0x90: {  	s2 =	sld [smem:$0x3FD0];
	_ =	sdelay $0x1  }
0x91: {  	s16 =	sld [smem:$0x3FC9]  }
0x92: {  	s5 =	simm.s32 $0xA;
	s6 =	simm.s32 $0x10;
	s4 =	sld [smem:$0x3FC8]  }
0x93: {  	[smem:s6], [sflag:s5] =	dma.local [hbm:s2], $0x1  }
0x94: {  	_ =	swait.eq [sflag:s5], $0x1  }
0x95: {  	[sflag:s5] =	ssyncset.done $0x0  }
0x96: {  	s17 =	sld [smem:$0x10];
	[sflag:s5] =	ssyncadd.s32 $0xFFFFFFFF  }
0x97: {  	s18 =	sld [smem:$0x11];
	(tm) =	ssettm $0x1  }
0x98: {  	s19 =	sld [smem:$0x3FFB];
	_ =	sdelay $0x3  }
0x99: {  	_ =	strace s19  }
0x9a: {  	s6 =	sld [smem:$0x3FFC];
	_ =	sdelay $0x3  }
0x9b: {  	_ =	strace s6  }
0x9c: {  	s6 =	sld [smem:$0x3FFD];
	_ =	sdelay $0x3  }
0x9d: {  	_ =	strace s6  }
0x9e: {  	_ =	strace $0x8FFFFFFF  }
0x9f: {  	s20 =	sld [smem:$0x3FDB];
	_ =	sdelay $0x1  }
0xa0: {  	s7 =	simm.s32 $_scs_section_size  }
0xa1: {  	s8 =	simm.s32 $_size__tile_overlayer_lowered;
	s9 =	simm.s32 $_tile_overlayer_lowered  }
0xa2: {  	s23 =	simm.s32 $0x1BFF;
	s22 =	sshll.u32 s9, $0x1;
	s6 =	sadd.s32 s7, s20  }
0xa3: {  	s10 =	simm.s32 $0x0;
	s21 =	sshll.u32 s8, $0x1;
	s8 =	sadd.s32 s22, s6  }
0xa4: {  	[timem:s10], [sflag:s23] =	dma.local [hbm:s8], s21  }
0xa5: {  	_ =	swait.ge [sflag:s23], s21  }
0xa6: {  	s7 =	ssub.s32 $0x0, s21;
	[sflag:s23] =	ssyncset.done $0x0  }
0xa7: {  	[sflag:s23] =	ssyncadd.s32 s7;
	_ =	sdelay $0x1  }
0xa8: {  	s24 =	simm.s32 $0x1B8B  }
0xa9: {  	_ =	swait.ge [sflag:s24], $0x1  }
0xaa: {  	[sflag:s24] =	ssyncset.done $0x0  }
0xab: {  	s25 =	simm.s32 $0x1B8E;
	[sflag:s24] =	ssyncadd.s32 $0xFFFFFFFF  }
0xac: {  	s26 =	simm.s32 $execute0_lowered;
	[smem:$0x3FD2] =	sst s25  }
0xad: {  	s7 =	sshll.u32 s26, $0x1;
	_ =	strace $0x80000049;
	[dreg:$0x1] =	wrdreg $0xFFFFFFFF  }
0xae: {  	s28 =	simm.s32 $_size_execute0_lowered;
	s6 =	sadd.s32 s6, s7;
	[dreg:$0x0] =	wrdreg $0x0  }
0xaf: {  	s7 =	sshll.u32 s28, $0x1;
	[dreg:$0x2] =	wrdreg s6  }
0xb0: {  	[dreg:$0x3] =	wrdreg s7  }
0xb1: {  	[dreg:$0x4] =	wrdreg $0xC0  }
0xb2: {  	_ =	task [dreg:s10], $0x5FFFF  }
0xb3: {  	[dreg:$0x1] =	wrdreg $0xFFFFFFFF  }
0xb4: {  	[dreg:$0x0] =	wrdreg $0x60  }
0xb5: {  	[dreg:$0x2] =	wrdreg s16  }
0xb6: {  	[dreg:$0x3] =	wrdreg s4  }
0xb7: {  	[dreg:$0x4] =	wrdreg s18  }
0xb8: {  	[dreg:$0x5] =	wrdreg s17  }
0xb9: {  	[dreg:$0x6] =	wrdreg $0x18F800  }
0xba: {  	[dreg:$0x7] =	wrdreg $0x9  }
0xbb: {  	_ =	task.clear_ibuf [dreg:s10], $0x8FFFF;
	_ =	strace $0x90000049  }
0xbc: {  	s29 =	simm.s32 $0x9;
	_ =	strace $0x8000004B  }
0xbd: {  	_ =	swait.ge [sflag:s29], $0x1  }
0xbe: {  	[sflag:s29] =	ssyncadd.s32 $0xFFFFFFFF  }
0xbf: {  	_ =	strace $0x9000004B  }
0xc0: {  	_ =	sfence  }
0xc1: {  	s30 =	sld [smem:$0x0];
	_ =	sdelay $0x2  }
0xc2: {  	s31 =	sshll.u32 s1, $0xD;
	s1 =	sshrl.u32 s1, $0x2  }
0xc3: {  	s3 =	sand.u32 $0x4000, s31;
	s1 =	sadd.s32 s1, s30  }
0xc4: {  	s0 =	sor.u32 s3, s0;
	s1 =	sshll.u32 s1, $0x11  }
0xc5: {  	s0 =	sor.u32 s1, s0  }
0xc6: {  	s0 =	sadd.s32 $0x8F2B, s0  }
0xc7: {  	[sflag:s0] =	ssyncadd.remote.s32 $0x1  }
0xc8: {  	_ =	sfence.sel $0xFFFF  }
0xc9: {  	[dreg:$0x0] =	wrdreg $0xFFFFFFFF;
	(pc) =	sbr.abs _section_cstart, $3  }
0xca: {  	[dreg:$0x1] =	wrdreg $0xFFFFFFFF  }
0xcb: {  	_ =	task.clear_ibuf [dreg:s10], $0x2FFFF;
	_ =	strace $0x9FFFFFFF  }
0xcc: {  	(tm) =	ssettm $0x7FFFFFFF  }
0xcd: {  	_ =	shalt  }
tec
execute0_lowered:
.L_overlay_start_1:
0x0: {  	(tag) =	ssettag $0x1  }
0x1: {  	s0 =	rddreg [dreg:$0x0]  }
0x2: {  	s1 =	rddreg [dreg:$0x1]  }
0x3: {  	s2 =	srdreg.scid;
	s3 =	rddreg [dreg:$0x3]  }
0x4: {  	s7 =	stileid.u32;
	s4 =	rddreg [dreg:$0x4];
	s12 =	simm.s32 $0xA  }
0x5: {  	s19 =	simm.s32 $0x9;
	s20 =	simm.s32 $0x3;
	s21 =	simm.s32 $0x6  }
0x6: {  	s22 =	simm.s32 $0x14000;
	s23 =	simm.s32 $0x8;
	s24 =	simm.s32 $0x7  }
0x7: {  	s28 =	simm.s32 $0x11800;
	s2 =	sand.u32 $0x1, s2;
	s5 =	sshll.u32 s7, $0x1  }
0x8: {  	s29 =	simm.s32 $0x1;
	s30 =	simm.s32 $0x4;
	s8 =	sor.u32 s2, s5  }
0x9: {  	s31 =	simm.s32 $0xF000;
	p0 =	sne.s32 s7, $0x0;
	s6 =	smul.u32 $0x2710, s8  }
0xa: {  	s5 =	simm.s32 $0x0;
	s2 =	ssub.s32 $0x2, s2;
	s9 =	smul.u32 $0x138800, s8  }
0xb: {  	s13 =	sshrl.u32 @!p0 s4, $0x3;
	[smem:$0x7FF] =	sst s5;
	s8 =	smul.u32 $0x27100, s8  }
.Ltmp0:
0xc: {  	s10 =	sshrl.u32 s2, $0x1;
	_ =	strace $0x8000004A;
	(pc) =	sbr.rel .LBB2_1-.Ltmp0, $4  }
0xd: {  	s2 =	ssub.s32 s2, s10;
	s25 =	sshrl.u32 s6, $0x3;
	s9 =	sshrl.u32 s9, $0x3  }
0xe: {  	s8 =	sadd.s32 s0, s8;
	s10 =	smax.u32 s2, $0x1;
	s2 =	simm.s32 $0x0  }
0xf: {  	s1 =	sadd.s32 s1, s25;
	s26 =	sadd.s32 s0, s9;
	s25 =	simm.s32 $0x2  }
0x10: {  	[dreg:$0x6] =	wrdreg s1;
	s9 =	sadd.s32 $0x500, s26;
	s26 =	simm.s32 $0x5  }
.LBB2_14:
0x11: {  	_ =	swait.ge [sflag:s23], $0x2800  }
0x12: {  	[sflag:s23] =	ssyncset.done $0x0  }
0x13: {  	s2 =	sadd.s32 $0x1, s2;
	[sflag:s23] =	ssyncadd.s32 $0xFFFFD800  }
0x14: {  	p1 =	sne.s32 s2, s10;
	_ =	swait.ge [sflag:s24], $0x2800  }
.Ltmp1:
0x15: {  	[sflag:s24] =	ssyncset.done $0x0;
	(pc) =	sbr.rel @!p1 .LBB2_15-.Ltmp1, $4  }
0x16: {  	[sflag:s24] =	ssyncadd.s32 $0xFFFFD800  }
0x17: {  	_ =	swait.ge [sflag:s19], $0x2800  }
0x18: {  	[sflag:s19] =	ssyncset.done $0x0  }
0x19: {  	[sflag:s19] =	ssyncadd.s32 $0xFFFFD800  }
.LBB2_1:
0x1a: {  	s1 =	rddreg [dreg:$0x6];
	s11 =	simm.s32 $0x16800  }
0x1b: {  	[tilespmem:s11], [sflag:$0xA] =	stream.linear.gather [hbm4b:s1+s5], $0x2710, $0x38;
	[tilespmem:$0x19F80] =	vst v63  }
0x1c: {  	_ =	swait.ge [sflag:s12], $0x2710  }
0x1d: {  	[sflag:s12] =	ssyncset.done $0x0  }
0x1e: {  	[sflag:s12] =	ssyncadd.s32 $0xFFFFD8F0  }
0x1f: {  	s1 =	simm.s32 @!p0 $0x1C0A;
	s7 =	rddreg [dreg:$0x2]  }
0x20: {  	[spmem:s13], [sflag:s1] =	dma.local @!p0 [hbm:s7], $0x2000  }
0x21: {  	s1 =	simm.s32 @!p0 $0xA  }
0x22: {  	_ =	swait.ge @!p0 [sflag:s1], $0x2000  }
0x23: {  	[sflag:s1] =	ssyncset.done @!p0 $0x0  }
0x24: {  	[sflag:s1] =	ssyncadd.s32 @!p0 $0xFFFFE000  }
0x25: {  	[bflag:$0x0] =	sbarrier.arrive $0xFFFF  }
0x26: {  	[tilespmem:s5], [sflag:$0x1] =	stream.linear.gather [hbm4b:s8+s5], $0x2800, $0x38;
	[tilespmem:$0x19F80] =	vst v63  }
0x27: {  	s14 =	simm.s32 $0x50;
	s15 =	simm.s32 $0x7800  }
0x28: {  	[tilespmem:s15], [sflag:$0x4] =	stream.indirect.gather [spmem:s4], $0x80, s11, s14, $0xb8;
	[tilespmem:$0x19F80] =	vst v63  }
.Ltmp2:
0x29: {  	_ = 	snop;
	(pc) =	sbr.rel .LBB2_2-.Ltmp2, $4  }
0x2a: {  	s16 =	simm.s32 $0x2800  }
0x2b: {  	[tilespmem:s16], [sflag:$0x2] =	stream.linear.gather [hbm4b:s9+s5], $0x2800, $0x38;
	[tilespmem:$0x19F80] =	vst v63  }
0x2c: {  	s17 =	simm.s32 $0x16850;
	s18 =	simm.s32 $0xA000;
	s1 =	simm.s32 $0x0  }
0x2d: {  	[tilespmem:s18], [sflag:$0x5] =	stream.indirect.gather [spmem:s4], $0x80, s17, s14, $0xb8;
	[tilespmem:$0x19F80] =	vst v63  }
.LBB2_13:
0x2e: {  	s1 =	sadd.s32 $0x1, s1  }
0x2f: {  	p1 =	sne.s32 s1, $0x7D  }
.Ltmp3:
0x30: {  	_ = 	snop;
	(pc) =	sbr.rel @!p1 .LBB2_14-.Ltmp3, $1  }
0x31: {  	_ =	sdelay $0x3  }
.LBB2_2:
0x32: {  	s7 =	smul.u32 $0xAB, s1;
	_ =	sdelay $0x1  }
0x33: {  	s7 =	sshrl.u32 s7, $0x9  }
0x34: {  	s7 =	sand.u32 $0x7F, s7  }
0x35: {  	s7 =	smul.u32 $0x3, s7;
	_ =	sdelay $0x1  }
0x36: {  	s7 =	ssub.s32 s1, s7  }
0x37: {  	s7 =	sand.u32 $0xFF, s7  }
0x38: {  	p2 =	seq.s32 s7, $0x2  }
.Ltmp4:
0x39: {  	_ = 	snop;
	(pc) =	sbr.rel @p2 .LBB2_10-.Ltmp4, $2  }
0x3a: {  	_ =	sdelay $0x2  }
0x3b: {  	p1 =	sgt.u32 s1, $0x7A  }
0x3c: {  	p3 =	seq.s32 s7, $0x1  }
.Ltmp5:
0x3d: {  	_ = 	snop;
	(pc) =	sbr.rel @!p3 .LBB2_4-.Ltmp5, $2  }
0x3e: {  	_ =	sdelay $0x2  }
0x3f: {  	s7 =	smul.u32 @!p1 $0x50, s1;
	p2 =	slt.u32 @!p1 s1, $0x3  }
0x40: {  	_ = 	snop  }
0x41: {  	s11 =	sadd.s32 @!p1 s6, s7  }
0x42: {  	s11 =	sshll.u32 @!p1 s11, $0x4  }
0x43: {  	s11 =	sadd.s32 @!p1 s0, s11  }
0x44: {  	s14 =	simm.s32 @!p1 $0x0;
	s11 =	sadd.s32 @!p1 $0xA00, s11  }
0x45: {  	[tilespmem:s14], [sflag:$0x1] =	stream.linear.gather @!p1 [hbm4b:s11+s14], $0x2800, $0x38;
	[tilespmem:$0x19F80] =	vst v63  }
0x46: {  	s7 =	sadd.s32 @!p1 $0x168A0, s7;
	s11 =	simm.s32 @!p1 $0x50;
	s14 =	simm.s32 @!p1 $0x7800  }
0x47: {  	[tilespmem:s14], [sflag:$0x4] =	stream.indirect.gather @!p1 [spmem:s4], $0x80, s7, s11, $0xb8;
	[tilespmem:$0x19F80] =	vst v63  }
0x48: {  	p1 =	por p1, !p2  }
0x49: {  	_ =	swait.ge @p1 [sflag:s23], $0x2800  }
0x4a: {  	[sflag:s23] =	ssyncset.done @p1 $0x0  }
0x4b: {  	[sflag:s23] =	ssyncadd.s32 @p1 $0xFFFFD800  }
0x4c: {  	_ =	swait.ge [sflag:s25], $0x2800  }
0x4d: {  	[sflag:s25] =	ssyncset.done $0x0  }
0x4e: {  	[sflag:s25] =	ssyncadd.s32 $0xFFFFD800  }
0x4f: {  	_ =	swait.ge [sflag:s26], $0x2800  }
0x50: {  	[sflag:s26] =	ssyncset.done $0x0  }
0x51: {  	s15 =	simm.s32 $0x29F0;
	[sflag:s26] =	ssyncadd.s32 $0xFFFFD800  }
0x52: {  	s16 =	simm.s32 $0xA1F0;
	v0 =	vld [tilespmem:s15+$0xFFFFFF90]  }
0x53: {  	v1 =	vld [tilespmem:s16+$0xFFFFFF90];
	_ =	sdelay $0x2  }
0x54: {  	v2 =	vld [tilespmem:s15+$0xFFFFFE90]  }
0x55: {  	v3 =	vld [tilespmem:s16+$0xFFFFFE90]  }
0x56: {  	v4 =	vld [tilespmem:s16+$0xFFFFFE10];
	v0 =	vadd.f32 v1, v0  }
0x57: {  	s17 =	simm.s32 $0x119F0;
	v1 =	vld [tilespmem:s15+$0xFFFFFE10]  }
0x58: {  	[tilespmem:s17+$0xFFFFFF90] =	vst v0  }
0x59: {  	v0 =	vld [tilespmem:s15+$0xFFFFFFA0]  }
0x5a: {  	v2 =	vadd.f32 v3, v2;
	v3 =	vld [tilespmem:s16+$0xFFFFFFA0]  }
0x5b: {  	v5 =	vld [tilespmem:s15+$0xFFFFFF10]  }
0x5c: {  	v6 =	vld [tilespmem:s16+$0xFFFFFF10];
	[tilespmem:s17+$0xFFFFFE90] =	vst v2;
	v1 =	vadd.f32 v4, v1  }
0x5d: {  	v2 =	vld [tilespmem:s15+$0xFFFFFEA0]  }
0x5e: {  	v4 =	vld [tilespmem:s16+$0xFFFFFEA0];
	[tilespmem:s17+$0xFFFFFE10] =	vst v1  }
0x5f: {  	v1 =	vld [tilespmem:s15+$0xFFFFFE20];
	v0 =	vadd.f32 v3, v0  }
0x60: {  	v3 =	vld [tilespmem:s16+$0xFFFFFE20]  }
0x61: {  	v5 =	vadd.f32 v6, v5;
	[tilespmem:s17+$0xFFFFFFA0] =	vst v0  }
0x62: {  	v0 =	vld [tilespmem:s15+$0xFFFFFFB0]  }
0x63: {  	[tilespmem:s17+$0xFFFFFF10] =	vst v5;
	v2 =	vadd.f32 v4, v2;
	v4 =	vld [tilespmem:s16+$0xFFFFFFB0]  }
0x64: {  	v5 =	vld [tilespmem:s15+$0xFFFFFF20]  }
0x65: {  	v6 =	vld [tilespmem:s16+$0xFFFFFF20];
	[tilespmem:s17+$0xFFFFFEA0] =	vst v2;
	v1 =	vadd.f32 v3, v1  }
0x66: {  	v2 =	vld [tilespmem:s15+$0xFFFFFEB0]  }
0x67: {  	v3 =	vld [tilespmem:s16+$0xFFFFFEB0];
	[tilespmem:s17+$0xFFFFFE20] =	vst v1  }
0x68: {  	v1 =	vld [tilespmem:s15+$0xFFFFFE30];
	v0 =	vadd.f32 v4, v0  }
0x69: {  	v4 =	vld [tilespmem:s16+$0xFFFFFE30]  }
0x6a: {  	v5 =	vadd.f32 v6, v5;
	[tilespmem:s17+$0xFFFFFFB0] =	vst v0  }
0x6b: {  	v0 =	vld [tilespmem:s15+$0xFFFFFFC0]  }
0x6c: {  	[tilespmem:s17+$0xFFFFFF20] =	vst v5;
	v2 =	vadd.f32 v3, v2;
	v3 =	vld [tilespmem:s16+$0xFFFFFFC0]  }
0x6d: {  	v5 =	vld [tilespmem:s15+$0xFFFFFF30]  }
0x6e: {  	[tilespmem:s17+$0xFFFFFEB0] =	vst v2;
	v2 =	vld [tilespmem:s16+$0xFFFFFF30];
	v1 =	vadd.f32 v4, v1  }
0x6f: {  	v4 =	vld [tilespmem:s15+$0xFFFFFEC0]  }
0x70: {  	v6 =	vld [tilespmem:s16+$0xFFFFFEC0];
	[tilespmem:s17+$0xFFFFFE30] =	vst v1  }
0x71: {  	v1 =	vld [tilespmem:s15+$0xFFFFFE40];
	v0 =	vadd.f32 v3, v0  }
0x72: {  	v3 =	vld [tilespmem:s16+$0xFFFFFE40]  }
0x73: {  	v2 =	vadd.f32 v2, v5;
	[tilespmem:s17+$0xFFFFFFC0] =	vst v0  }
0x74: {  	v0 =	vld [tilespmem:s15+$0xFFFFFFD0]  }
0x75: {  	v4 =	vadd.f32 v6, v4;
	[tilespmem:s17+$0xFFFFFF30] =	vst v2;
	v2 =	vld [tilespmem:s16+$0xFFFFFFD0]  }
0x76: {  	v5 =	vld [tilespmem:s15+$0xFFFFFF40]  }
0x77: {  	[tilespmem:s17+$0xFFFFFEC0] =	vst v4;
	v1 =	vadd.f32 v3, v1;
	v3 =	vld [tilespmem:s16+$0xFFFFFF40]  }
0x78: {  	v4 =	vld [tilespmem:s15+$0xFFFFFED0]  }
0x79: {  	[tilespmem:s17+$0xFFFFFE40] =	vst v1;
	v1 =	vld [tilespmem:s16+$0xFFFFFED0]  }
0x7a: {  	v6 =	vld [tilespmem:s15+$0xFFFFFE50];
	v0 =	vadd.f32 v2, v0  }
0x7b: {  	v2 =	vld [tilespmem:s16+$0xFFFFFE50]  }
0x7c: {  	v3 =	vadd.f32 v3, v5;
	[tilespmem:s17+$0xFFFFFFD0] =	vst v0  }
0x7d: {  	v0 =	vld [tilespmem:s15+$0xFFFFFFE0]  }
0x7e: {  	v1 =	vadd.f32 v1, v4;
	[tilespmem:s17+$0xFFFFFF40] =	vst v3;
	v3 =	vld [tilespmem:s16+$0xFFFFFFE0]  }
0x7f: {  	v4 =	vld [tilespmem:s15+$0xFFFFFF50]  }
0x80: {  	v2 =	vadd.f32 v2, v6;
	[tilespmem:s17+$0xFFFFFED0] =	vst v1;
	v1 =	vld [tilespmem:s16+$0xFFFFFF50]  }
0x81: {  	v5 =	vld [tilespmem:s15+$0xFFFFFEE0]  }
0x82: {  	[tilespmem:s17+$0xFFFFFE50] =	vst v2;
	v2 =	vld [tilespmem:s16+$0xFFFFFEE0]  }
0x83: {  	v6 =	vld [tilespmem:s15+$0xFFFFFE60];
	v0 =	vadd.f32 v3, v0  }
0x84: {  	v3 =	vld [tilespmem:s16+$0xFFFFFE60]  }
0x85: {  	v1 =	vadd.f32 v1, v4;
	[tilespmem:s17+$0xFFFFFFE0] =	vst v0  }
0x86: {  	v7 =	vld [tilespmem:s15+$0xFFFFFFF0]  }
0x87: {  	v0 =	vadd.f32 v2, v5;
	v5 =	vld [tilespmem:s16+$0xFFFFFFF0];
	[tilespmem:s17+$0xFFFFFF50] =	vst v1  }
0x88: {  	v1 =	vld [tilespmem:s15+$0xFFFFFF60]  }
0x89: {  	v2 =	vadd.f32 v3, v6;
	[tilespmem:s17+$0xFFFFFEE0] =	vst v0;
	v4 =	vld [tilespmem:s16+$0xFFFFFF60]  }
0x8a: {  	v0 =	vld [tilespmem:s15+$0xFFFFFEF0]  }
0x8b: {  	v3 =	vld [tilespmem:s16+$0xFFFFFEF0];
	[tilespmem:s17+$0xFFFFFE60] =	vst v2  }
0x8c: {  	s18 =	simm.s32 $0x119F0;
	v2 =	vld [tilespmem:s15+$0xFFFFFE70];
	v6 =	vadd.f32 v5, v7  }
0x8d: {  	s11 =	simm.s32 $0x0;
	s14 =	simm.s32 $0x2BF0;
	s7 =	simm.s32 $0xA1F0;
	v5 =	vld [tilespmem:s16+$0xFFFFFE70]  }
.LBB2_8:
0x8e: {  	v7 =	vld [tilespmem:s14+$0xFFFFFF90];
	v1 =	vadd.f32 v4, v1;
	[tilespmem:s17+$0xFFFFFFF0] =	vst v6  }
0x8f: {  	v4 =	vld [tilespmem:s15+$0x0]  }
0x90: {  	s7 =	sadd.s32 $0x200, s7;
	v0 =	vadd.f32 v3, v0;
	[tilespmem:s17+$0xFFFFFF60] =	vst v1;
	v1 =	vld [tilespmem:s16+$0x0]  }
0x91: {  	v3 =	vld [tilespmem:s7+$0xFFFFFF90]  }
0x92: {  	v6 =	vld [tilespmem:s7+$0xFFFFFE10];
	v2 =	vadd.f32 v5, v2;
	[tilespmem:s17+$0xFFFFFEF0] =	vst v0  }
0x93: {  	v0 =	vld [tilespmem:s14+$0xFFFFFE90]  }
0x94: {  	v5 =	vld [tilespmem:s7+$0xFFFFFE90];
	[tilespmem:s17+$0xFFFFFE70] =	vst v2  }
0x95: {  	v2 =	vld [tilespmem:s14+$0xFFFFFF10];
	v1 =	vadd.f32 v1, v4  }
0x96: {  	v4 =	vld [tilespmem:s7+$0xFFFFFF10];
	v3 =	vadd.f32 v3, v7  }
0x97: {  	s17 =	sadd.s32 $0x200, s17;
	v7 =	vld [tilespmem:s14+$0xFFFFFE10];
	[tilespmem:s18+$0x0] =	vst v1  }
0x98: {  	s11 =	sadd.s32 $0x4, s11;
	[tilespmem:s17+$0xFFFFFF90] =	vst v3;
	v1 =	vld [tilespmem:s15+$0xFFFFFF70]  }
0x99: {  	p1 =	slt.u32 s11, $0x4C;
	v0 =	vadd.f32 v5, v0;
	v3 =	vld [tilespmem:s14+$0xFFFFFFA0]  }
0x9a: {  	v5 =	vld [tilespmem:s7+$0xFFFFFFA0]  }
0x9b: {  	[tilespmem:s17+$0xFFFFFE90] =	vst v0;
	v0 =	vadd.f32 v4, v2;
	v2 =	vld [tilespmem:s16+$0xFFFFFF70]  }
0x9c: {  	v4 =	vadd.f32 v6, v7;
	v6 =	vld [tilespmem:s14+$0xFFFFFEA0]  }
0x9d: {  	v7 =	vld [tilespmem:s7+$0xFFFFFEA0];
	[tilespmem:s17+$0xFFFFFF10] =	vst v0  }
0x9e: {  	[tilespmem:s17+$0xFFFFFE10] =	vst v4;
	v0 =	vld [tilespmem:s14+$0xFFFFFF20]  }
0x9f: {  	v4 =	vld [tilespmem:s14+$0xFFFFFE20];
	v3 =	vadd.f32 v5, v3  }
0xa0: {  	v5 =	vld [tilespmem:s7+$0xFFFFFE20];
	v1 =	vadd.f32 v2, v1  }
0xa1: {  	v2 =	vld [tilespmem:s7+$0xFFFFFF20];
	[tilespmem:s17+$0xFFFFFFA0] =	vst v3  }
0xa2: {  	v3 =	vadd.f32 v7, v6;
	v6 =	vld [tilespmem:s14+$0xFFFFFFB0];
	[tilespmem:s18+$0xFFFFFF70] =	vst v1  }
0xa3: {  	v1 =	vld [tilespmem:s7+$0xFFFFFFB0]  }
0xa4: {  	[tilespmem:s17+$0xFFFFFEA0] =	vst v3;
	v3 =	vld [tilespmem:s15+$0xFFFFFE80]  }
0xa5: {  	v4 =	vadd.f32 v5, v4;
	v5 =	vld [tilespmem:s14+$0xFFFFFEB0]  }
0xa6: {  	v7 =	vld [tilespmem:s7+$0xFFFFFEB0];
	v0 =	vadd.f32 v2, v0  }
0xa7: {  	[tilespmem:s17+$0xFFFFFE20] =	vst v4;
	v2 =	vld [tilespmem:s16+$0xFFFFFE80]  }
0xa8: {  	v4 =	vld [tilespmem:s14+$0xFFFFFE30];
	[tilespmem:s17+$0xFFFFFF20] =	vst v0;
	v0 =	vadd.f32 v1, v6  }
0xa9: {  	v1 =	vld [tilespmem:s7+$0xFFFFFE30]  }
0xaa: {  	v6 =	vld [tilespmem:s14+$0xFFFFFF30];
	[tilespmem:s17+$0xFFFFFFB0] =	vst v0  }
0xab: {  	v0 =	vadd.f32 v7, v5;
	v5 =	vld [tilespmem:s14+$0xFFFFFFC0]  }
0xac: {  	v7 =	vld [tilespmem:s7+$0xFFFFFFC0];
	v2 =	vadd.f32 v2, v3  }
0xad: {  	[tilespmem:s17+$0xFFFFFEB0] =	vst v0;
	v0 =	vld [tilespmem:s7+$0xFFFFFF30]  }
0xae: {  	v1 =	vadd.f32 v1, v4;
	v3 =	vld [tilespmem:s14+$0xFFFFFEC0];
	[tilespmem:s18+$0xFFFFFE80] =	vst v2  }
0xaf: {  	v2 =	vld [tilespmem:s7+$0xFFFFFEC0]  }
0xb0: {  	[tilespmem:s17+$0xFFFFFE30] =	vst v1;
	v1 =	vld [tilespmem:s15+$0xFFFFFF00]  }
0xb1: {  	v4 =	vld [tilespmem:s14+$0xFFFFFE40];
	v5 =	vadd.f32 v7, v5  }
0xb2: {  	v7 =	vld [tilespmem:s7+$0xFFFFFE40];
	v0 =	vadd.f32 v0, v6  }
0xb3: {  	[tilespmem:s17+$0xFFFFFFC0] =	vst v5;
	v5 =	vld [tilespmem:s16+$0xFFFFFF00]  }
0xb4: {  	v2 =	vadd.f32 v2, v3;
	[tilespmem:s17+$0xFFFFFF30] =	vst v0;
	v0 =	vld [tilespmem:s14+$0xFFFFFFD0]  }
0xb5: {  	v3 =	vld [tilespmem:s7+$0xFFFFFFD0]  }
0xb6: {  	[tilespmem:s17+$0xFFFFFEC0] =	vst v2;
	v2 =	vld [tilespmem:s14+$0xFFFFFF40]  }
0xb7: {  	v4 =	vadd.f32 v7, v4;
	v6 =	vld [tilespmem:s7+$0xFFFFFF40]  }
0xb8: {  	v7 =	vld [tilespmem:s14+$0xFFFFFED0];
	v1 =	vadd.f32 v5, v1  }
0xb9: {  	[tilespmem:s17+$0xFFFFFE40] =	vst v4;
	v4 =	vld [tilespmem:s7+$0xFFFFFED0]  }
0xba: {  	v5 =	vld [tilespmem:s14+$0xFFFFFE50];
	v0 =	vadd.f32 v3, v0;
	[tilespmem:s18+$0xFFFFFF00] =	vst v1  }
0xbb: {  	v1 =	vld [tilespmem:s7+$0xFFFFFE50]  }
0xbc: {  	v2 =	vadd.f32 v6, v2;
	[tilespmem:s17+$0xFFFFFFD0] =	vst v0;
	v3 =	vld [tilespmem:s15+$0xFFFFFF80];
	s15 =	smov.u32 s14  }
0xbd: {  	v0 =	vld [tilespmem:s14+$0xFFFFFFE0]  }
0xbe: {  	v4 =	vadd.f32 v4, v7;
	[tilespmem:s17+$0xFFFFFF40] =	vst v2;
	v2 =	vld [tilespmem:s7+$0xFFFFFFE0]  }
0xbf: {  	v6 =	vld [tilespmem:s14+$0xFFFFFF50]  }
0xc0: {  	v1 =	vadd.f32 v1, v5;
	[tilespmem:s17+$0xFFFFFED0] =	vst v4;
	v4 =	vld [tilespmem:s7+$0xFFFFFF50]  }
0xc1: {  	v5 =	vld [tilespmem:s14+$0xFFFFFEE0]  }
0xc2: {  	[tilespmem:s17+$0xFFFFFE50] =	vst v1;
	v1 =	vld [tilespmem:s7+$0xFFFFFEE0]  }
0xc3: {  	v7 =	vld [tilespmem:s14+$0xFFFFFE60];
	v0 =	vadd.f32 v2, v0  }
0xc4: {  	v2 =	vld [tilespmem:s7+$0xFFFFFE60]  }
0xc5: {  	v4 =	vadd.f32 v4, v6;
	[tilespmem:s17+$0xFFFFFFE0] =	vst v0;
	v6 =	vld [tilespmem:s16+$0xFFFFFF80];
	s16 =	smov.u32 s7  }
0xc6: {  	v8 =	vld [tilespmem:s14+$0xFFFFFFF0]  }
0xc7: {  	v0 =	vadd.f32 v1, v5;
	[tilespmem:s17+$0xFFFFFF50] =	vst v4;
	v5 =	vld [tilespmem:s7+$0xFFFFFFF0]  }
0xc8: {  	v1 =	vld [tilespmem:s14+$0xFFFFFF60]  }
.Ltmp6:
0xc9: {  	v2 =	vadd.f32 v2, v7;
	[tilespmem:s17+$0xFFFFFEE0] =	vst v0;
	v4 =	vld [tilespmem:s7+$0xFFFFFF60];
	(pc) =	sbr.rel @p1 .LBB2_8-.Ltmp6, $4  }
0xca: {  	v0 =	vld [tilespmem:s14+$0xFFFFFEF0];
	v7 =	vadd.f32 v6, v3  }
0xcb: {  	[tilespmem:s17+$0xFFFFFE60] =	vst v2;
	v3 =	vld [tilespmem:s7+$0xFFFFFEF0]  }
0xcc: {  	v2 =	vld [tilespmem:s14+$0xFFFFFE70];
	v6 =	vadd.f32 v5, v8;
	[tilespmem:s18+$0xFFFFFF80] =	vst v7;
	s18 =	smov.u32 s17  }
0xcd: {  	s14 =	sadd.s32 $0x200, s14;
	v5 =	vld [tilespmem:s7+$0xFFFFFE70]  }
0xce: {  	v1 =	vadd.f32 v4, v1;
	_ =	sdelay $0x1  }
0xcf: {  	[tilespmem:s17+$0xFFFFFF60] =	vst v1  }
0xd0: {  	v1 =	vld [tilespmem:s15+$0xFFFFFF70]  }
0xd1: {  	v55 =	vld [tilespmem:s16+$0xFFFFFF70]  }
0xd2: {  	[tilespmem:s17+$0xFFFFFFF0] =	vst v6;
	v0 =	vadd.f32 v3, v0  }
0xd3: {  	v56 =	vld [tilespmem:s15+$0x0]  }
0xd4: {  	v57 =	vld [tilespmem:s16+$0x0];
	v2 =	vadd.f32 v5, v2;
	[tilespmem:s17+$0xFFFFFEF0] =	vst v0  }
0xd5: {  	v60 =	vld [tilespmem:s15+$0xFFFFFF00]  }
0xd6: {  	v61 =	vld [tilespmem:s16+$0xFFFFFF00];
	[tilespmem:s17+$0xFFFFFE70] =	vst v2;
	v58 =	vadd.f32 v55, v1  }
0xd7: {  	v2 =	vld [tilespmem:s15+$0xFFFFFE80]  }
0xd8: {  	v59 =	vld [tilespmem:s16+$0xFFFFFE80];
	[tilespmem:s18+$0xFFFFFF70] =	vst v58  }
0xd9: {  	v62 =	vld [tilespmem:s15+$0xFFFFFF80]  }
0xda: {  	v7 =	vld [tilespmem:s16+$0xFFFFFF80];
	_ =	sdelay $0x1  }
0xdb: {  	v3 =	vadd.f32 v57, v56  }
0xdc: {  	s7 =	smul.u32 $0x50, s1;
	v0 =	vadd.f32 v61, v60  }
.Ltmp7:
0xdd: {  	[tilespmem:s18+$0x0] =	vst v3;
	v1 =	vadd.f32 v59, v2;
	(pc) =	sbr.rel .LBB2_13-.Ltmp7, $4  }
0xde: {  	s7 =	sadd.s32 s6, s7;
	[tilespmem:s18+$0xFFFFFF00] =	vst v0;
	v63 =	vadd.f32 v7, v62  }
0xdf: {  	s7 =	sshll.u32 s7, $0x4;
	[tilespmem:s18+$0xFFFFFE80] =	vst v1  }
0xe0: {  	s7 =	sadd.s32 s3, s7;
	[tilespmem:s18+$0xFFFFFF80] =	vst v63  }
0xe1: {  	[hbm4b:s7+s5] =	stream.linear.scatter [tilespmem:s28], [sflag:$0x8], $0x2800, $0x38;
	[tilespmem:$0x19F80] =	vst v63  }
.LBB2_10:
0xe2: {  	s7 =	smul.u32 @!p1 $0x50, s1;
	_ =	sdelay $0x1  }
0xe3: {  	s11 =	sadd.s32 @!p1 s6, s7  }
0xe4: {  	s11 =	sshll.u32 @!p1 s11, $0x4  }
0xe5: {  	s14 =	simm.s32 @!p1 $0x0;
	s11 =	sadd.s32 @!p1 s0, s11  }
0xe6: {  	s15 =	simm.s32 @!p1 $0x2800;
	p2 =	slt.u32 @!p1 s1, $0x3;
	s11 =	sadd.s32 @!p1 $0xA00, s11  }
0xe7: {  	[tilespmem:s15], [sflag:$0x2] =	stream.linear.gather @!p1 [hbm4b:s11+s14], $0x2800, $0x38;
	[tilespmem:$0x19F80] =	vst v63  }
0xe8: {  	s7 =	sadd.s32 @!p1 $0x168A0, s7;
	s11 =	simm.s32 @!p1 $0x50;
	s14 =	simm.s32 @!p1 $0xA000  }
0xe9: {  	[tilespmem:s14], [sflag:$0x5] =	stream.indirect.gather @!p1 [spmem:s4], $0x80, s7, s11, $0xb8;
	[tilespmem:$0x19F80] =	vst v63  }
0xea: {  	p1 =	por p1, !p2  }
0xeb: {  	_ =	swait.ge @p1 [sflag:s19], $0x2800  }
0xec: {  	[sflag:s19] =	ssyncset.done @p1 $0x0  }
0xed: {  	[sflag:s19] =	ssyncadd.s32 @p1 $0xFFFFD800  }
0xee: {  	_ =	swait.ge [sflag:s20], $0x2800  }
0xef: {  	[sflag:s20] =	ssyncset.done $0x0  }
0xf0: {  	[sflag:s20] =	ssyncadd.s32 $0xFFFFD800  }
0xf1: {  	_ =	swait.ge [sflag:s21], $0x2800  }
0xf2: {  	[sflag:s21] =	ssyncset.done $0x0  }
0xf3: {  	s15 =	simm.s32 $0x0;
	[sflag:s21] =	ssyncadd.s32 $0xFFFFD800  }
0xf4: {  	v0 =	vld [tilespmem:s15+$0x5000]  }
0xf5: {  	v1 =	vld [tilespmem:s15+$0xC800]  }
0xf6: {  	v2 =	vld [tilespmem:s15+$0x5010]  }
0xf7: {  	v3 =	vld [tilespmem:s15+$0xC810]  }
0xf8: {  	v4 =	vld [tilespmem:s15+$0x5020]  }
0xf9: {  	v5 =	vld [tilespmem:s15+$0xC820]  }
0xfa: {  	v6 =	vld [tilespmem:s15+$0xC830]  }
0xfb: {  	v7 =	vld [tilespmem:s15+$0x51F0]  }
0xfc: {  	v8 =	vld [tilespmem:s15+$0xC9F0]  }
0xfd: {  	v9 =	vld [tilespmem:s15+$0xC860]  }
0xfe: {  	v10 =	vld [tilespmem:s15+$0x5080]  }
0xff: {  	v11 =	vld [tilespmem:s15+$0xC880]  }
0x100: {  	v12 =	vld [tilespmem:s15+$0x5090]  }
0x101: {  	v13 =	vld [tilespmem:s15+$0xC890]  }
0x102: {  	v14 =	vld [tilespmem:s15+$0x50A0]  }
0x103: {  	v45 =	vld [tilespmem:s15+$0x50B0]  }
0x104: {  	v15 =	vld [tilespmem:s15+$0x5070]  }
0x105: {  	v47 =	vld [tilespmem:s15+$0x50C0]  }
0x106: {  	v48 =	vld [tilespmem:s15+$0xC8C0]  }
0x107: {  	v16 =	vld [tilespmem:s15+$0xC870]  }
0x108: {  	v49 =	vld [tilespmem:s15+$0x50D0]  }
0x109: {  	v17 =	vld [tilespmem:s15+$0xC8D0]  }
0x10a: {  	v18 =	vld [tilespmem:s15+$0x5100]  }
0x10b: {  	v19 =	vld [tilespmem:s15+$0xC900]  }
0x10c: {  	v20 =	vld [tilespmem:s15+$0x5110]  }
0x10d: {  	v21 =	vld [tilespmem:s15+$0xC910]  }
0x10e: {  	v22 =	vld [tilespmem:s15+$0x5120]  }
0x10f: {  	v50 =	vld [tilespmem:s15+$0xC920]  }
0x110: {  	v51 =	vld [tilespmem:s15+$0x5130]  }
0x111: {  	v23 =	vld [tilespmem:s15+$0x50E0]  }
0x112: {  	v53 =	vld [tilespmem:s15+$0x5140]  }
0x113: {  	v54 =	vld [tilespmem:s15+$0xC940]  }
0x114: {  	v0 =	vadd.f32 v1, v0;
	v1 =	vld [tilespmem:s15+$0x5030]  }
0x115: {  	v60 =	vld [tilespmem:s15+$0xC990]  }
0x116: {  	v61 =	vld [tilespmem:s15+$0x51A0];
	v10 =	vadd.f32 v11, v10  }
0x117: {  	v46 =	vadd.f32 v13, v12;
	[tilespmem:s15+$0x14000] =	vst v0;
	v0 =	vadd.f32 v3, v2;
	v2 =	vld [tilespmem:s15+$0x5040]  }
0x118: {  	v7 =	vadd.f32 v8, v7;
	v3 =	vld [tilespmem:s15+$0xC840];
	[tilespmem:s15+$0x14080] =	vst v10  }
0x119: {  	[tilespmem:s15+$0x14090] =	vst v46;
	v1 =	vadd.f32 v6, v1;
	v6 =	vld [tilespmem:s15+$0xC8A0]  }
0x11a: {  	v18 =	vadd.f32 v19, v18;
	[tilespmem:s15+$0x141F0] =	vst v7;
	v7 =	vld [tilespmem:s15+$0x5190]  }
0x11b: {  	v52 =	vadd.f32 v21, v20;
	[tilespmem:s15+$0x14010] =	vst v0;
	v0 =	vadd.f32 v5, v4;
	v4 =	vld [tilespmem:s15+$0x5050]  }
0x11c: {  	[tilespmem:s15+$0x14100] =	vst v18;
	v5 =	vld [tilespmem:s15+$0xC850]  }
0x11d: {  	v62 =	vld [tilespmem:s15+$0xC9A0];
	[tilespmem:s15+$0x14110] =	vst v52  }
0x11e: {  	[tilespmem:s15+$0x14020] =	vst v0;
	v0 =	vld [tilespmem:s15+$0x5060];
	v6 =	vadd.f32 v6, v14  }
0x11f: {  	[tilespmem:s15+$0x14030] =	vst v1;
	v1 =	vld [tilespmem:s15+$0xC8B0];
	v2 =	vadd.f32 v3, v2  }
0x120: {  	v7 =	vadd.f32 v60, v7;
	[tilespmem:s15+$0x140A0] =	vst v6;
	v6 =	vld [tilespmem:s15+$0xC930]  }
0x121: {  	v55 =	vld [tilespmem:s15+$0xC8E0];
	v4 =	vadd.f32 v5, v4;
	[tilespmem:s15+$0x14040] =	vst v2  }
0x122: {  	v56 =	vld [tilespmem:s15+$0x5150];
	[tilespmem:s15+$0x14190] =	vst v7;
	v7 =	vadd.f32 v62, v61  }
0x123: {  	v5 =	vld [tilespmem:s15+$0x5180];
	v0 =	vadd.f32 v9, v0;
	[tilespmem:s15+$0x14050] =	vst v4  }
0x124: {  	v2 =	vld [tilespmem:s15+$0xC980];
	[tilespmem:s15+$0x141A0] =	vst v7;
	v1 =	vadd.f32 v1, v45  }
0x125: {  	v57 =	vld [tilespmem:s15+$0x50F0];
	[tilespmem:s15+$0x14060] =	vst v0;
	v6 =	vadd.f32 v6, v51  }
0x126: {  	v4 =	vadd.f32 v16, v15;
	[tilespmem:s15+$0x140B0] =	vst v1;
	v1 =	vld [tilespmem:s15+$0xC950]  }
0x127: {  	v0 =	vadd.f32 v48, v47;
	[tilespmem:s15+$0x14130] =	vst v6;
	v6 =	vld [tilespmem:s15+$0xC8F0]  }
0x128: {  	v58 =	vld [tilespmem:s15+$0x5160];
	[tilespmem:s15+$0x14070] =	vst v4;
	v4 =	vadd.f32 v17, v49  }
0x129: {  	v59 =	vld [tilespmem:s15+$0xC960];
	v2 =	vadd.f32 v2, v5;
	[tilespmem:s15+$0x140C0] =	vst v0  }
0x12a: {  	v63 =	vld [tilespmem:s15+$0xC970];
	v0 =	vadd.f32 v55, v23;
	[tilespmem:s15+$0x140D0] =	vst v4  }
0x12b: {  	v3 =	vld [tilespmem:s15+$0x5170];
	[tilespmem:s15+$0x14180] =	vst v2;
	v1 =	vadd.f32 v1, v56  }
0x12c: {  	v5 =	vld [tilespmem:s15+$0xC9B0];
	[tilespmem:s15+$0x140E0] =	vst v0;
	v0 =	vadd.f32 v6, v57;
	v6 =	vadd.f32 v54, v53  }
0x12d: {  	v4 =	vld [tilespmem:s15+$0x51B0];
	[tilespmem:s15+$0x14150] =	vst v1  }
0x12e: {  	v2 =	vld [tilespmem:s15+$0xC9C0];
	[tilespmem:s15+$0x14140] =	vst v6;
	v6 =	vadd.f32 v59, v58  }
0x12f: {  	v14 =	vadd.f32 v50, v22;
	[tilespmem:s15+$0x140F0] =	vst v0;
	v0 =	vld [tilespmem:s15+$0x51C0]  }
0x130: {  	v1 =	vld [tilespmem:s15+$0x51D0];
	[tilespmem:s15+$0x14160] =	vst v6;
	v6 =	vadd.f32 v63, v3  }
0x131: {  	[tilespmem:s15+$0x14120] =	vst v14;
	v3 =	vld [tilespmem:s15+$0xC9D0]  }
0x132: {  	s7 =	simm.s32 $0x0;
	s11 =	simm.s32 $0x800;
	v5 =	vadd.f32 v5, v4;
	v4 =	vld [tilespmem:s15+$0x51E0];
	[tilespmem:s15+$0x14170] =	vst v6  }
.LBB2_11:
0x133: {  	s14 =	sshra.s32 s11, $0x2;
	v6 =	vld [tilespmem:s15+$0xC9E0]  }
0x134: {  	s7 =	sadd.s32 $0x4, s7;
	v7 =	vld [tilespmem:s14+$0x51F0];
	[tilespmem:s15+$0x141B0] =	vst v5;
	v0 =	vadd.f32 v2, v0  }
0x135: {  	p1 =	slt.u32 s7, $0x4C;
	v2 =	vld [tilespmem:s14+$0xC9F0]  }
0x136: {  	v5 =	vld [tilespmem:s14+$0x5000];
	[tilespmem:s15+$0x141C0] =	vst v0;
	v0 =	vadd.f32 v3, v1  }
0x137: {  	v1 =	vld [tilespmem:s14+$0xC800]  }
0x138: {  	v3 =	vld [tilespmem:s14+$0x5010];
	[tilespmem:s15+$0x141D0] =	vst v0;
	v0 =	vadd.f32 v6, v4  }
0x139: {  	v4 =	vld [tilespmem:s14+$0xC810]  }
0x13a: {  	v6 =	vld [tilespmem:s14+$0x5020];
	v2 =	vadd.f32 v2, v7;
	[tilespmem:s15+$0x141E0] =	vst v0;
	s15 =	smov.u32 s14  }
0x13b: {  	v0 =	vld [tilespmem:s15+$0xC820]  }
0x13c: {  	v1 =	vadd.f32 v1, v5;
	v5 =	vld [tilespmem:s15+$0x5030];
	[tilespmem:s15+$0x141F0] =	vst v2  }
0x13d: {  	v2 =	vld [tilespmem:s15+$0xC830]  }
0x13e: {  	[tilespmem:s15+$0x14000] =	vst v1;
	v1 =	vadd.f32 v4, v3;
	v3 =	vld [tilespmem:s15+$0x5040]  }
0x13f: {  	v4 =	vld [tilespmem:s15+$0xC840]  }
0x140: {  	[tilespmem:s15+$0x14010] =	vst v1;
	v0 =	vadd.f32 v0, v6;
	v1 =	vld [tilespmem:s15+$0x5050]  }
0x141: {  	v6 =	vld [tilespmem:s15+$0xC850]  }
0x142: {  	[tilespmem:s15+$0x14020] =	vst v0;
	v0 =	vadd.f32 v2, v5;
	v2 =	vld [tilespmem:s15+$0x5060]  }
0x143: {  	v5 =	vld [tilespmem:s15+$0xC860]  }
0x144: {  	[tilespmem:s15+$0x14030] =	vst v0;
	v0 =	vadd.f32 v4, v3;
	v3 =	vld [tilespmem:s15+$0x5070]  }
0x145: {  	v4 =	vld [tilespmem:s15+$0xC870]  }
0x146: {  	[tilespmem:s15+$0x14040] =	vst v0;
	v0 =	vadd.f32 v6, v1;
	v1 =	vld [tilespmem:s15+$0x5080]  }
0x147: {  	v6 =	vld [tilespmem:s15+$0xC880]  }
0x148: {  	[tilespmem:s15+$0x14050] =	vst v0;
	v0 =	vadd.f32 v5, v2;
	v2 =	vld [tilespmem:s15+$0x5090]  }
0x149: {  	v5 =	vld [tilespmem:s15+$0xC890]  }
0x14a: {  	[tilespmem:s15+$0x14060] =	vst v0;
	v0 =	vadd.f32 v4, v3;
	v3 =	vld [tilespmem:s15+$0x50A0]  }
0x14b: {  	v4 =	vld [tilespmem:s15+$0xC8A0]  }
0x14c: {  	[tilespmem:s15+$0x14070] =	vst v0;
	v0 =	vadd.f32 v6, v1;
	v1 =	vld [tilespmem:s15+$0x50B0]  }
0x14d: {  	v6 =	vld [tilespmem:s15+$0xC8B0]  }
0x14e: {  	[tilespmem:s15+$0x14080] =	vst v0;
	v0 =	vadd.f32 v5, v2;
	v2 =	vld [tilespmem:s15+$0x50C0]  }
0x14f: {  	v5 =	vld [tilespmem:s15+$0xC8C0]  }
0x150: {  	[tilespmem:s15+$0x14090] =	vst v0;
	v0 =	vadd.f32 v4, v3;
	v3 =	vld [tilespmem:s15+$0x50D0]  }
0x151: {  	v4 =	vld [tilespmem:s15+$0xC8D0]  }
0x152: {  	[tilespmem:s15+$0x140A0] =	vst v0;
	v0 =	vadd.f32 v6, v1;
	v1 =	vld [tilespmem:s15+$0x50E0]  }
0x153: {  	v6 =	vld [tilespmem:s15+$0xC8E0]  }
0x154: {  	[tilespmem:s15+$0x140B0] =	vst v0;
	v0 =	vadd.f32 v5, v2;
	v2 =	vld [tilespmem:s15+$0x50F0]  }
0x155: {  	v5 =	vld [tilespmem:s15+$0xC8F0]  }
0x156: {  	[tilespmem:s15+$0x140C0] =	vst v0;
	v0 =	vadd.f32 v4, v3;
	v3 =	vld [tilespmem:s15+$0x5100]  }
0x157: {  	v4 =	vld [tilespmem:s15+$0xC900]  }
0x158: {  	[tilespmem:s15+$0x140D0] =	vst v0;
	v0 =	vadd.f32 v6, v1;
	v1 =	vld [tilespmem:s15+$0x5110]  }
0x159: {  	v6 =	vld [tilespmem:s15+$0xC910]  }
0x15a: {  	[tilespmem:s15+$0x140E0] =	vst v0;
	v0 =	vadd.f32 v5, v2;
	v2 =	vld [tilespmem:s15+$0x5120]  }
0x15b: {  	v5 =	vld [tilespmem:s15+$0xC920]  }
0x15c: {  	[tilespmem:s15+$0x140F0] =	vst v0;
	v0 =	vadd.f32 v4, v3;
	v3 =	vld [tilespmem:s15+$0x5130]  }
0x15d: {  	v4 =	vld [tilespmem:s15+$0xC930]  }
0x15e: {  	[tilespmem:s15+$0x14100] =	vst v0;
	v0 =	vadd.f32 v6, v1;
	v1 =	vld [tilespmem:s15+$0x5140]  }
0x15f: {  	v6 =	vld [tilespmem:s15+$0xC940]  }
0x160: {  	[tilespmem:s15+$0x14110] =	vst v0;
	v0 =	vadd.f32 v5, v2;
	v2 =	vld [tilespmem:s15+$0x5150]  }
0x161: {  	v5 =	vld [tilespmem:s15+$0xC950]  }
0x162: {  	[tilespmem:s15+$0x14120] =	vst v0;
	v0 =	vadd.f32 v4, v3;
	v3 =	vld [tilespmem:s15+$0x5160]  }
0x163: {  	v4 =	vld [tilespmem:s15+$0xC960]  }
0x164: {  	[tilespmem:s15+$0x14130] =	vst v0;
	v0 =	vadd.f32 v6, v1;
	v1 =	vld [tilespmem:s15+$0x5170]  }
0x165: {  	v6 =	vld [tilespmem:s15+$0xC970]  }
0x166: {  	[tilespmem:s15+$0x14140] =	vst v0;
	v0 =	vadd.f32 v5, v2;
	v2 =	vld [tilespmem:s15+$0x5180]  }
0x167: {  	v5 =	vld [tilespmem:s15+$0xC980]  }
0x168: {  	[tilespmem:s15+$0x14150] =	vst v0;
	v0 =	vadd.f32 v4, v3;
	v3 =	vld [tilespmem:s15+$0x5190]  }
0x169: {  	v4 =	vld [tilespmem:s15+$0xC990]  }
0x16a: {  	[tilespmem:s15+$0x14160] =	vst v0;
	v0 =	vadd.f32 v6, v1;
	v1 =	vld [tilespmem:s15+$0x51A0]  }
0x16b: {  	v6 =	vld [tilespmem:s15+$0xC9A0]  }
0x16c: {  	[tilespmem:s15+$0x14170] =	vst v0;
	v0 =	vadd.f32 v5, v2;
	v5 =	vld [tilespmem:s15+$0x51B0]  }
0x16d: {  	v7 =	vld [tilespmem:s15+$0xC9B0]  }
.Ltmp8:
0x16e: {  	[tilespmem:s15+$0x14180] =	vst v0;
	v3 =	vadd.f32 v4, v3;
	v0 =	vld [tilespmem:s15+$0x51C0];
	(pc) =	sbr.rel @p1 .LBB2_11-.Ltmp8, $4  }
0x16f: {  	v2 =	vld [tilespmem:s15+$0xC9C0]  }
0x170: {  	[tilespmem:s15+$0x14190] =	vst v3;
	v4 =	vadd.f32 v6, v1;
	v1 =	vld [tilespmem:s15+$0x51D0]  }
0x171: {  	v3 =	vld [tilespmem:s15+$0xC9D0]  }
0x172: {  	s11 =	sadd.s32 $0x800, s11;
	[tilespmem:s15+$0x141A0] =	vst v4;
	v5 =	vadd.f32 v7, v5;
	v4 =	vld [tilespmem:s15+$0x51E0]  }
0x173: {  	v6 =	vld [tilespmem:s15+$0xC9E0];
	_ =	sdelay $0x2  }
0x174: {  	s7 =	smul.u32 $0x50, s1;
	v0 =	vadd.f32 v2, v0  }
.Ltmp9:
0x175: {  	[tilespmem:s15+$0x141B0] =	vst v5;
	v1 =	vadd.f32 v3, v1;
	(pc) =	sbr.rel .LBB2_13-.Ltmp9, $4  }
0x176: {  	s7 =	sadd.s32 s6, s7;
	[tilespmem:s15+$0x141C0] =	vst v0;
	v63 =	vadd.f32 v6, v4  }
0x177: {  	s7 =	sshll.u32 s7, $0x4;
	[tilespmem:s15+$0x141D0] =	vst v1  }
0x178: {  	s7 =	sadd.s32 s3, s7;
	[tilespmem:s15+$0x141E0] =	vst v63  }
0x179: {  	[hbm4b:s7+s5] =	stream.linear.scatter [tilespmem:s22], [sflag:$0x9], $0x2800, $0x38;
	[tilespmem:$0x19F80] =	vst v63  }
.LBB2_4:
0x17a: {  	_ = 	snop  }
0x17b: {  	s11 =	sadd.s32 @!p1 s6, s7  }
0x17c: {  	s11 =	sshll.u32 @!p1 s11, $0x4  }
0x17d: {  	s11 =	sadd.s32 @!p1 s0, s11  }
0x17e: {  	s14 =	simm.s32 @!p1 $0x0;
	s15 =	simm.s32 @!p1 $0x5000;
	s11 =	sadd.s32 @!p1 $0xA00, s11  }
0x17f: {  	[tilespmem:s15], [sflag:$0x3] =	stream.linear.gather @!p1 [hbm4b:s11+s14], $0x2800, $0x38;
	[tilespmem:$0x19F80] =	vst v63  }
0x180: {  	s7 =	sadd.s32 @!p1 $0x168A0, s7;
	s11 =	simm.s32 @!p1 $0x50;
	s14 =	simm.s32 @!p1 $0xC800  }
0x181: {  	[tilespmem:s14], [sflag:$0x6] =	stream.indirect.gather @!p1 [spmem:s4], $0x80, s7, s11, $0xb8;
	[tilespmem:$0x19F80] =	vst v63  }
0x182: {  	p1 =	por p1, !p2  }
0x183: {  	_ =	swait.ge @p1 [sflag:s24], $0x2800  }
0x184: {  	[sflag:s24] =	ssyncset.done @p1 $0x0  }
0x185: {  	[sflag:s24] =	ssyncadd.s32 @p1 $0xFFFFD800  }
0x186: {  	_ =	swait.ge [sflag:s29], $0x2800  }
0x187: {  	[sflag:s29] =	ssyncset.done $0x0  }
0x188: {  	[sflag:s29] =	ssyncadd.s32 $0xFFFFD800  }
0x189: {  	_ =	swait.ge [sflag:s30], $0x2800  }
0x18a: {  	[sflag:s30] =	ssyncset.done $0x0  }
0x18b: {  	s15 =	simm.s32 $0x100;
	[sflag:s30] =	ssyncadd.s32 $0xFFFFD800  }
0x18c: {  	s16 =	simm.s32 $0x7900;
	v0 =	vld [tilespmem:s15+$0x80]  }
0x18d: {  	v1 =	vld [tilespmem:s16+$0x80];
	_ =	sdelay $0x2  }
0x18e: {  	v2 =	vld [tilespmem:s15+$0xFFFFFF80]  }
0x18f: {  	v3 =	vld [tilespmem:s16+$0xFFFFFF80]  }
0x190: {  	v4 =	vld [tilespmem:s16+$0xFFFFFF00];
	v0 =	vadd.f32 v1, v0  }
0x191: {  	s17 =	simm.s32 $0xF100;
	v1 =	vld [tilespmem:s15+$0xFFFFFF00]  }
0x192: {  	[tilespmem:s17+$0x80] =	vst v0  }
0x193: {  	v0 =	vld [tilespmem:s15+$0x90]  }
0x194: {  	v2 =	vadd.f32 v3, v2;
	v3 =	vld [tilespmem:s16+$0x90]  }
0x195: {  	v5 =	vld [tilespmem:s15+$0x0]  }
0x196: {  	v6 =	vld [tilespmem:s16+$0x0];
	[tilespmem:s17+$0xFFFFFF80] =	vst v2;
	v1 =	vadd.f32 v4, v1  }
0x197: {  	v2 =	vld [tilespmem:s15+$0xFFFFFF90]  }
0x198: {  	v4 =	vld [tilespmem:s16+$0xFFFFFF90];
	[tilespmem:s17+$0xFFFFFF00] =	vst v1  }
0x199: {  	v1 =	vld [tilespmem:s15+$0xFFFFFF10];
	v0 =	vadd.f32 v3, v0  }
0x19a: {  	v3 =	vld [tilespmem:s16+$0xFFFFFF10]  }
0x19b: {  	v5 =	vadd.f32 v6, v5;
	[tilespmem:s17+$0x90] =	vst v0  }
0x19c: {  	v0 =	vld [tilespmem:s15+$0xA0]  }
0x19d: {  	[tilespmem:s17+$0x0] =	vst v5;
	v2 =	vadd.f32 v4, v2;
	v4 =	vld [tilespmem:s16+$0xA0]  }
0x19e: {  	v5 =	vld [tilespmem:s15+$0x10]  }
0x19f: {  	v6 =	vld [tilespmem:s16+$0x10];
	[tilespmem:s17+$0xFFFFFF90] =	vst v2;
	v1 =	vadd.f32 v3, v1  }
0x1a0: {  	v2 =	vld [tilespmem:s15+$0xFFFFFFA0]  }
0x1a1: {  	v3 =	vld [tilespmem:s16+$0xFFFFFFA0];
	[tilespmem:s17+$0xFFFFFF10] =	vst v1  }
0x1a2: {  	v1 =	vld [tilespmem:s15+$0xFFFFFF20];
	v0 =	vadd.f32 v4, v0  }
0x1a3: {  	v4 =	vld [tilespmem:s16+$0xFFFFFF20]  }
0x1a4: {  	v5 =	vadd.f32 v6, v5;
	[tilespmem:s17+$0xA0] =	vst v0  }
0x1a5: {  	v0 =	vld [tilespmem:s15+$0xB0]  }
0x1a6: {  	[tilespmem:s17+$0x10] =	vst v5;
	v2 =	vadd.f32 v3, v2;
	v3 =	vld [tilespmem:s16+$0xB0]  }
0x1a7: {  	v5 =	vld [tilespmem:s15+$0x20]  }
0x1a8: {  	[tilespmem:s17+$0xFFFFFFA0] =	vst v2;
	v2 =	vld [tilespmem:s16+$0x20];
	v1 =	vadd.f32 v4, v1  }
0x1a9: {  	v4 =	vld [tilespmem:s15+$0xFFFFFFB0]  }
0x1aa: {  	v6 =	vld [tilespmem:s16+$0xFFFFFFB0];
	[tilespmem:s17+$0xFFFFFF20] =	vst v1  }
0x1ab: {  	v1 =	vld [tilespmem:s15+$0xFFFFFF30];
	v0 =	vadd.f32 v3, v0  }
0x1ac: {  	v3 =	vld [tilespmem:s16+$0xFFFFFF30]  }
0x1ad: {  	v2 =	vadd.f32 v2, v5;
	[tilespmem:s17+$0xB0] =	vst v0  }
0x1ae: {  	v0 =	vld [tilespmem:s15+$0xC0]  }
0x1af: {  	v4 =	vadd.f32 v6, v4;
	[tilespmem:s17+$0x20] =	vst v2;
	v2 =	vld [tilespmem:s16+$0xC0]  }
0x1b0: {  	v5 =	vld [tilespmem:s15+$0x30]  }
0x1b1: {  	[tilespmem:s17+$0xFFFFFFB0] =	vst v4;
	v1 =	vadd.f32 v3, v1;
	v3 =	vld [tilespmem:s16+$0x30]  }
0x1b2: {  	v4 =	vld [tilespmem:s15+$0xFFFFFFC0]  }
0x1b3: {  	[tilespmem:s17+$0xFFFFFF30] =	vst v1;
	v1 =	vld [tilespmem:s16+$0xFFFFFFC0]  }
0x1b4: {  	v6 =	vld [tilespmem:s15+$0xFFFFFF40];
	v0 =	vadd.f32 v2, v0  }
0x1b5: {  	v2 =	vld [tilespmem:s16+$0xFFFFFF40]  }
0x1b6: {  	v3 =	vadd.f32 v3, v5;
	[tilespmem:s17+$0xC0] =	vst v0  }
0x1b7: {  	v0 =	vld [tilespmem:s15+$0xD0]  }
0x1b8: {  	v1 =	vadd.f32 v1, v4;
	[tilespmem:s17+$0x30] =	vst v3;
	v3 =	vld [tilespmem:s16+$0xD0]  }
0x1b9: {  	v4 =	vld [tilespmem:s15+$0x40]  }
0x1ba: {  	v2 =	vadd.f32 v2, v6;
	[tilespmem:s17+$0xFFFFFFC0] =	vst v1;
	v1 =	vld [tilespmem:s16+$0x40]  }
0x1bb: {  	v5 =	vld [tilespmem:s15+$0xFFFFFFD0]  }
0x1bc: {  	[tilespmem:s17+$0xFFFFFF40] =	vst v2;
	v2 =	vld [tilespmem:s16+$0xFFFFFFD0]  }
0x1bd: {  	v6 =	vld [tilespmem:s15+$0xFFFFFF50];
	v0 =	vadd.f32 v3, v0  }
0x1be: {  	v3 =	vld [tilespmem:s16+$0xFFFFFF50]  }
0x1bf: {  	v1 =	vadd.f32 v1, v4;
	[tilespmem:s17+$0xD0] =	vst v0  }
0x1c0: {  	v7 =	vld [tilespmem:s15+$0xE0]  }
0x1c1: {  	v0 =	vadd.f32 v2, v5;
	v5 =	vld [tilespmem:s16+$0xE0];
	[tilespmem:s17+$0x40] =	vst v1  }
0x1c2: {  	v1 =	vld [tilespmem:s15+$0x50]  }
0x1c3: {  	v2 =	vadd.f32 v3, v6;
	[tilespmem:s17+$0xFFFFFFD0] =	vst v0;
	v4 =	vld [tilespmem:s16+$0x50]  }
0x1c4: {  	v0 =	vld [tilespmem:s15+$0xFFFFFFE0]  }
0x1c5: {  	v3 =	vld [tilespmem:s16+$0xFFFFFFE0];
	[tilespmem:s17+$0xFFFFFF50] =	vst v2  }
0x1c6: {  	s18 =	simm.s32 $0xF100;
	v2 =	vld [tilespmem:s15+$0xFFFFFF60];
	v6 =	vadd.f32 v5, v7  }
0x1c7: {  	s11 =	simm.s32 $0x0;
	s14 =	simm.s32 $0x300;
	s7 =	simm.s32 $0x7900;
	v5 =	vld [tilespmem:s16+$0xFFFFFF60]  }
.LBB2_5:
0x1c8: {  	v7 =	vld [tilespmem:s14+$0x80];
	v1 =	vadd.f32 v4, v1;
	[tilespmem:s17+$0xE0] =	vst v6  }
0x1c9: {  	v4 =	vld [tilespmem:s15+$0xF0]  }
0x1ca: {  	s7 =	sadd.s32 $0x200, s7;
	v0 =	vadd.f32 v3, v0;
	[tilespmem:s17+$0x50] =	vst v1;
	v1 =	vld [tilespmem:s16+$0xF0]  }
0x1cb: {  	v3 =	vld [tilespmem:s7+$0x80]  }
0x1cc: {  	v6 =	vld [tilespmem:s7+$0xFFFFFF00];
	v2 =	vadd.f32 v5, v2;
	[tilespmem:s17+$0xFFFFFFE0] =	vst v0  }
0x1cd: {  	v0 =	vld [tilespmem:s14+$0xFFFFFF80]  }
0x1ce: {  	v5 =	vld [tilespmem:s7+$0xFFFFFF80];
	[tilespmem:s17+$0xFFFFFF60] =	vst v2  }
0x1cf: {  	v2 =	vld [tilespmem:s14+$0x0];
	v1 =	vadd.f32 v1, v4  }
0x1d0: {  	v4 =	vld [tilespmem:s7+$0x0];
	v3 =	vadd.f32 v3, v7  }
0x1d1: {  	s17 =	sadd.s32 $0x200, s17;
	v7 =	vld [tilespmem:s14+$0xFFFFFF00];
	[tilespmem:s18+$0xF0] =	vst v1  }
0x1d2: {  	s11 =	sadd.s32 $0x4, s11;
	[tilespmem:s17+$0x80] =	vst v3;
	v1 =	vld [tilespmem:s15+$0x60]  }
0x1d3: {  	p1 =	slt.u32 s11, $0x4C;
	v0 =	vadd.f32 v5, v0;
	v3 =	vld [tilespmem:s14+$0x90]  }
0x1d4: {  	v5 =	vld [tilespmem:s7+$0x90]  }
0x1d5: {  	[tilespmem:s17+$0xFFFFFF80] =	vst v0;
	v0 =	vadd.f32 v4, v2;
	v2 =	vld [tilespmem:s16+$0x60]  }
0x1d6: {  	v4 =	vadd.f32 v6, v7;
	v6 =	vld [tilespmem:s14+$0xFFFFFF90]  }
0x1d7: {  	v7 =	vld [tilespmem:s7+$0xFFFFFF90];
	[tilespmem:s17+$0x0] =	vst v0  }
0x1d8: {  	[tilespmem:s17+$0xFFFFFF00] =	vst v4;
	v0 =	vld [tilespmem:s14+$0x10]  }
0x1d9: {  	v4 =	vld [tilespmem:s14+$0xFFFFFF10];
	v3 =	vadd.f32 v5, v3  }
0x1da: {  	v5 =	vld [tilespmem:s7+$0xFFFFFF10];
	v1 =	vadd.f32 v2, v1  }
0x1db: {  	v2 =	vld [tilespmem:s7+$0x10];
	[tilespmem:s17+$0x90] =	vst v3  }
0x1dc: {  	v3 =	vadd.f32 v7, v6;
	v6 =	vld [tilespmem:s14+$0xA0];
	[tilespmem:s18+$0x60] =	vst v1  }
0x1dd: {  	v1 =	vld [tilespmem:s7+$0xA0]  }
0x1de: {  	[tilespmem:s17+$0xFFFFFF90] =	vst v3;
	v3 =	vld [tilespmem:s15+$0xFFFFFF70]  }
0x1df: {  	v4 =	vadd.f32 v5, v4;
	v5 =	vld [tilespmem:s14+$0xFFFFFFA0]  }
0x1e0: {  	v7 =	vld [tilespmem:s7+$0xFFFFFFA0];
	v0 =	vadd.f32 v2, v0  }
0x1e1: {  	[tilespmem:s17+$0xFFFFFF10] =	vst v4;
	v2 =	vld [tilespmem:s16+$0xFFFFFF70]  }
0x1e2: {  	v4 =	vld [tilespmem:s14+$0xFFFFFF20];
	[tilespmem:s17+$0x10] =	vst v0;
	v0 =	vadd.f32 v1, v6  }
0x1e3: {  	v1 =	vld [tilespmem:s7+$0xFFFFFF20]  }
0x1e4: {  	v6 =	vld [tilespmem:s14+$0x20];
	[tilespmem:s17+$0xA0] =	vst v0  }
0x1e5: {  	v0 =	vadd.f32 v7, v5;
	v5 =	vld [tilespmem:s14+$0xB0]  }
0x1e6: {  	v7 =	vld [tilespmem:s7+$0xB0];
	v2 =	vadd.f32 v2, v3  }
0x1e7: {  	[tilespmem:s17+$0xFFFFFFA0] =	vst v0;
	v0 =	vld [tilespmem:s7+$0x20]  }
0x1e8: {  	v1 =	vadd.f32 v1, v4;
	v3 =	vld [tilespmem:s14+$0xFFFFFFB0];
	[tilespmem:s18+$0xFFFFFF70] =	vst v2  }
0x1e9: {  	v2 =	vld [tilespmem:s7+$0xFFFFFFB0]  }
0x1ea: {  	[tilespmem:s17+$0xFFFFFF20] =	vst v1;
	v1 =	vld [tilespmem:s15+$0xFFFFFFF0]  }
0x1eb: {  	v4 =	vld [tilespmem:s14+$0xFFFFFF30];
	v5 =	vadd.f32 v7, v5  }
0x1ec: {  	v7 =	vld [tilespmem:s7+$0xFFFFFF30];
	v0 =	vadd.f32 v0, v6  }
0x1ed: {  	[tilespmem:s17+$0xB0] =	vst v5;
	v5 =	vld [tilespmem:s16+$0xFFFFFFF0]  }
0x1ee: {  	v2 =	vadd.f32 v2, v3;
	[tilespmem:s17+$0x20] =	vst v0;
	v0 =	vld [tilespmem:s14+$0xC0]  }
0x1ef: {  	v3 =	vld [tilespmem:s7+$0xC0]  }
0x1f0: {  	[tilespmem:s17+$0xFFFFFFB0] =	vst v2;
	v2 =	vld [tilespmem:s14+$0x30]  }
0x1f1: {  	v4 =	vadd.f32 v7, v4;
	v6 =	vld [tilespmem:s7+$0x30]  }
0x1f2: {  	v7 =	vld [tilespmem:s14+$0xFFFFFFC0];
	v1 =	vadd.f32 v5, v1  }
0x1f3: {  	[tilespmem:s17+$0xFFFFFF30] =	vst v4;
	v4 =	vld [tilespmem:s7+$0xFFFFFFC0]  }
0x1f4: {  	v5 =	vld [tilespmem:s14+$0xFFFFFF40];
	v0 =	vadd.f32 v3, v0;
	[tilespmem:s18+$0xFFFFFFF0] =	vst v1  }
0x1f5: {  	v1 =	vld [tilespmem:s7+$0xFFFFFF40]  }
0x1f6: {  	v2 =	vadd.f32 v6, v2;
	[tilespmem:s17+$0xC0] =	vst v0;
	v3 =	vld [tilespmem:s15+$0x70];
	s15 =	smov.u32 s14  }
0x1f7: {  	v0 =	vld [tilespmem:s14+$0xD0]  }
0x1f8: {  	v4 =	vadd.f32 v4, v7;
	[tilespmem:s17+$0x30] =	vst v2;
	v2 =	vld [tilespmem:s7+$0xD0]  }
0x1f9: {  	v6 =	vld [tilespmem:s14+$0x40]  }
0x1fa: {  	v1 =	vadd.f32 v1, v5;
	[tilespmem:s17+$0xFFFFFFC0] =	vst v4;
	v4 =	vld [tilespmem:s7+$0x40]  }
0x1fb: {  	v5 =	vld [tilespmem:s14+$0xFFFFFFD0]  }
0x1fc: {  	[tilespmem:s17+$0xFFFFFF40] =	vst v1;
	v1 =	vld [tilespmem:s7+$0xFFFFFFD0]  }
0x1fd: {  	v7 =	vld [tilespmem:s14+$0xFFFFFF50];
	v0 =	vadd.f32 v2, v0  }
0x1fe: {  	v2 =	vld [tilespmem:s7+$0xFFFFFF50]  }
0x1ff: {  	v4 =	vadd.f32 v4, v6;
	[tilespmem:s17+$0xD0] =	vst v0;
	v6 =	vld [tilespmem:s16+$0x70];
	s16 =	smov.u32 s7  }
0x200: {  	v8 =	vld [tilespmem:s14+$0xE0]  }
0x201: {  	v0 =	vadd.f32 v1, v5;
	[tilespmem:s17+$0x40] =	vst v4;
	v5 =	vld [tilespmem:s7+$0xE0]  }
0x202: {  	v1 =	vld [tilespmem:s14+$0x50]  }
.Ltmp10:
0x203: {  	v2 =	vadd.f32 v2, v7;
	[tilespmem:s17+$0xFFFFFFD0] =	vst v0;
	v4 =	vld [tilespmem:s7+$0x50];
	(pc) =	sbr.rel @p1 .LBB2_5-.Ltmp10, $4  }
0x204: {  	v0 =	vld [tilespmem:s14+$0xFFFFFFE0];
	v7 =	vadd.f32 v6, v3  }
0x205: {  	[tilespmem:s17+$0xFFFFFF50] =	vst v2;
	v3 =	vld [tilespmem:s7+$0xFFFFFFE0]  }
0x206: {  	v2 =	vld [tilespmem:s14+$0xFFFFFF60];
	v6 =	vadd.f32 v5, v8;
	[tilespmem:s18+$0x70] =	vst v7;
	s18 =	smov.u32 s17  }
0x207: {  	s14 =	sadd.s32 $0x200, s14;
	v5 =	vld [tilespmem:s7+$0xFFFFFF60]  }
0x208: {  	v1 =	vadd.f32 v4, v1;
	_ =	sdelay $0x1  }
0x209: {  	[tilespmem:s17+$0x50] =	vst v1  }
0x20a: {  	v1 =	vld [tilespmem:s15+$0x60]  }
0x20b: {  	v55 =	vld [tilespmem:s16+$0x60]  }
0x20c: {  	[tilespmem:s17+$0xE0] =	vst v6;
	v0 =	vadd.f32 v3, v0  }
0x20d: {  	v56 =	vld [tilespmem:s15+$0xF0]  }
0x20e: {  	v57 =	vld [tilespmem:s16+$0xF0];
	v2 =	vadd.f32 v5, v2;
	[tilespmem:s17+$0xFFFFFFE0] =	vst v0  }
0x20f: {  	v60 =	vld [tilespmem:s15+$0xFFFFFFF0]  }
0x210: {  	v61 =	vld [tilespmem:s16+$0xFFFFFFF0];
	[tilespmem:s17+$0xFFFFFF60] =	vst v2;
	v58 =	vadd.f32 v55, v1  }
0x211: {  	v2 =	vld [tilespmem:s15+$0xFFFFFF70]  }
0x212: {  	v59 =	vld [tilespmem:s16+$0xFFFFFF70];
	[tilespmem:s18+$0x60] =	vst v58  }
0x213: {  	v62 =	vld [tilespmem:s15+$0x70]  }
0x214: {  	v7 =	vld [tilespmem:s16+$0x70];
	_ =	sdelay $0x1  }
0x215: {  	v3 =	vadd.f32 v57, v56  }
0x216: {  	s7 =	smul.u32 $0x50, s1;
	v0 =	vadd.f32 v61, v60  }
.Ltmp11:
0x217: {  	[tilespmem:s18+$0xF0] =	vst v3;
	v1 =	vadd.f32 v59, v2;
	(pc) =	sbr.rel .LBB2_13-.Ltmp11, $4  }
0x218: {  	s7 =	sadd.s32 s6, s7;
	[tilespmem:s18+$0xFFFFFFF0] =	vst v0;
	v63 =	vadd.f32 v7, v62  }
0x219: {  	s7 =	sshll.u32 s7, $0x4;
	[tilespmem:s18+$0xFFFFFF70] =	vst v1  }
0x21a: {  	s7 =	sadd.s32 s3, s7;
	[tilespmem:s18+$0x70] =	vst v63  }
0x21b: {  	[hbm4b:s7+s5] =	stream.linear.scatter [tilespmem:s31], [sflag:$0x7], $0x2800, $0x38;
	[tilespmem:$0x19F80] =	vst v63  }
.LBB2_15:
0x21c: {  	_ =	sfence.sel $0x180000  }
0x21d: {  	[bflag:$0x0] =	sbarrier.arrive $0xFFFF  }
0x21e: {  	_ =	strace $0x9000004A  }
0x21f: {  	[bflag:$0x2] =	sbarrier.arrive $0xFFFF  }
0x220: {  	s0 =	rddreg [dreg:$0x5]  }
0x221: {  	s0 =	sadd.s32 @!p0 $0x100000, s0  }
0x222: {  	[sflag:s0] =	ssyncadd.tile.s32 @!p0 $0x1;
	_ =	shalt  }
.Lfunc_end2:
_tile_overlayer_lowered:
.L_overlay_start_2:
0x223: {  	(tag) =	ssettag $0x2  }
0x224: {  	s0 =	rddreg [dreg:$0x0];
	s2 =	stileid.u32  }
0x225: {  	s1 =	rddreg [dreg:$0x1];
	p0 =	sne.s32 s2, $0x0  }
0x226: {  	s3 =	rddreg [dreg:$0x2];
	[bflag:$0x3] =	sbarrier.arrive $0xFFFF;
	s2 =	simm.s32 @!p0 $0x1C0A  }
0x227: {  	[timem:s3], [sflag:s2] =	dma.local @!p0 [hbm:s0], s1  }
0x228: {  	s0 =	simm.s32 @!p0 $0xA  }
0x229: {  	_ =	swait.ge @!p0 [sflag:s0], s1  }
0x22a: {  	s1 =	ssub.s32 @!p0 $0x0, s1;
	[sflag:s0] =	ssyncset.done @!p0 $0x0  }
0x22b: {  	[sflag:s0] =	ssyncadd.s32 @!p0 s1  }
0x22c: {  	[bflag:$0x3] =	sbarrier.arrive $0xFFFF  }
0x22d: {  	_ =	shalt  }

</sc_bundles>
